<compile_context>
chip_gen: v7x
topology: tpu7x:2x2x1
jax: 0.10.2.dev20260603
libtpu: 0.0.44.dev20260713+nightly
codegen_flags: <defaults>
</compile_context>

<pallas_src>
import jax
import jax.numpy as jnp
from jax import lax
from jax.experimental import pallas as pl
from jax.experimental.pallas import tpu as pltpu
from jax.experimental.pallas import tpu_sc as plsc

N_MID = 1000000
N_CAT = 100000
EMBED_DIM = 32
BATCH = 16384
MAX_LEN = 200

NW = 32
BW = BATCH // NW
D2 = 2 * EMBED_DIM
DBLK = D2 // 8
BBLK = BW // 128


def _body(mid_idxT, cat_idxT, mid_table, cat_table, out_hbm,
          midx_v, cidx_v, mrows_v, crows_v, tbuf_v, gsem, wsem):
    wid = lax.axis_index("c") * 16 + lax.axis_index("s")
    b0 = wid * BW
    bb0 = wid * BBLK
    lane = lax.iota(jnp.int32, 16)

    def chunk(l, _):
        pltpu.sync_copy(mid_idxT.at[l, pl.ds(b0, BW)], midx_v)
        pltpu.sync_copy(cat_idxT.at[l, pl.ds(b0, BW)], cidx_v)
        gathers = []
        for s in range(BW // 128):
            cm = pltpu.make_async_copy(
                mid_table.at[midx_v.at[pl.ds(s * 128, 128)]],
                mrows_v.at[pl.ds(s * 128, 128), :], gsem)
            cc = pltpu.make_async_copy(
                cat_table.at[cidx_v.at[pl.ds(s * 128, 128)]],
                crows_v.at[pl.ds(s * 128, 128), :], gsem)
            cm.start()
            cc.start()
            gathers.append(cm)
            gathers.append(cc)
        for c in gathers:
            c.wait()

        r00 = lane
        r16 = lane + 16
        r32 = lane + 32
        r48 = lane + 48

        @plsc.parallel_loop(0, BW, unroll=4)
        def transpose_row(b):
            colb = jnp.zeros((16,), jnp.int32) + b
            plsc.store_scatter(tbuf_v, [r00, colb], mrows_v[b, pl.ds(0, 16)])
            plsc.store_scatter(tbuf_v, [r16, colb], mrows_v[b, pl.ds(16, 16)])
            plsc.store_scatter(tbuf_v, [r32, colb], crows_v[b, pl.ds(0, 16)])
            plsc.store_scatter(tbuf_v, [r48, colb], crows_v[b, pl.ds(16, 16)])

        writes = []
        for db in range(DBLK):
            for bb in range(BBLK):
                w = pltpu.make_async_copy(
                    tbuf_v.at[pl.ds(db * 8, 8), pl.ds(bb * 128, 128)],
                    out_hbm.at[l, db, bb0 + bb, :, :], wsem)
                w.start()
                writes.append(w)
        for c in writes:
            c.wait()
        return ()

    lax.fori_loop(0, MAX_LEN, chunk, (), unroll=False)


@jax.jit
def _run(mid_idxT, cat_idxT, mid_table, cat_table):
    mesh = plsc.VectorSubcoreMesh(core_axis_name="c", subcore_axis_name="s")
    f = pl.kernel(
        _body,
        out_type=jax.ShapeDtypeStruct(
            (MAX_LEN, DBLK, BATCH // 128, 8, 128), jnp.float32),
        mesh=mesh,
        scratch_types=[
            pltpu.VMEM((BW,), jnp.int32),
            pltpu.VMEM((BW,), jnp.int32),
            pltpu.VMEM((BW, EMBED_DIM), jnp.float32),
            pltpu.VMEM((BW, EMBED_DIM), jnp.float32),
            pltpu.VMEM((D2, BW + 1), jnp.float32),
            pltpu.SemaphoreType.DMA,
            pltpu.SemaphoreType.DMA,
        ],
        compiler_params=pltpu.CompilerParams(use_tc_tiling_on_sc=False,
                                             needs_layout_passes=False,
                                             disable_bounds_checks=True),
    )
    return f(mid_idxT, cat_idxT, mid_table, cat_table)


def kernel(mid_his_input, cat_his_input, mid_table, cat_table):
    mid_idxT = mid_his_input.astype(jnp.int32).T
    cat_idxT = cat_his_input.astype(jnp.int32).T
    out5 = _run(mid_idxT, cat_idxT, mid_table, cat_table)
    t = jnp.transpose(out5, (2, 4, 0, 1, 3))
    return t.reshape(BATCH, MAX_LEN, D2)

# --- scband reference (transcript-rebuilt; emitter-appended) ---
"""Pipeline reference for scband-embedding-gru-46651934769352 (READ-ONLY COPY).

The authoritative reference and input builder live on the scoring server;
editing this copy changes nothing except your own understanding.
"""

import jax, jax.numpy as jnp
import numpy as np

N_MID = 1000000
N_CAT = 100000
EMBED_DIM = 32
BATCH = 16384
MAX_LEN = 200


def setup_inputs(seed: int = 0) -> dict:
    key = jax.random.key(seed)
    k1, k2, k3, k4 = jax.random.split(key, 4)
    mid_his_input = jax.random.randint(k1, (BATCH, MAX_LEN), 0, N_MID, dtype=jnp.int32).astype(jnp.int64)
    cat_his_input = jax.random.randint(k2, (BATCH, MAX_LEN), 0, N_CAT, dtype=jnp.int32).astype(jnp.int64)
    mid_table = jax.random.normal(k3, (N_MID, EMBED_DIM), dtype=jnp.float32) * 0.05
    cat_table = jax.random.normal(k4, (N_CAT, EMBED_DIM), dtype=jnp.float32) * 0.05
    return {
        "mid_his_input": mid_his_input,
        "cat_his_input": cat_his_input,
        "mid_table": mid_table,
        "cat_table": cat_table,
    }


def reference(mid_his_input, cat_his_input, mid_table, cat_table):
    # Embedding lookups (keras layers.Embedding -> table[idx])
    mid_his_emb = jnp.take(mid_table, mid_his_input, axis=0)  # [B, L, D]
    cat_his_emb = jnp.take(cat_table, cat_his_input, axis=0)  # [B, L, D]
    # item_his_eb = concat along last dim (axis=2), as in the keras model
    item_his_eb = jnp.concatenate([mid_his_emb, cat_his_emb], axis=2)  # [B, L, 2D]
    return item_his_eb

if __name__ == "__main__":
    import jax
    _d = setup_inputs()
    print(jax.jit(kernel)(*tuple(_d.values())))

</pallas_src>

<mosaic_0001>
#map = affine_map<(d0, d1) -> (0, 0)>
#map1 = affine_map<(d0, d1) -> (0, 0, 0, 0, 0)>
module attributes {stable_mosaic.version = 14 : i64} {
  func.func @_body(%arg0: i32, %arg1: i32, %arg2: memref<200x16384xi32, #tpu.memory_space<hbm>>, %arg3: memref<200x16384xi32, #tpu.memory_space<hbm>>, %arg4: memref<1000000x32xf32, #tpu.memory_space<hbm>>, %arg5: memref<100000x32xf32, #tpu.memory_space<hbm>>, %arg6: memref<200x8x128x8x128xf32, #tpu.memory_space<hbm>>, %arg7: memref<512xi32, #tpu.memory_space<vmem>>, %arg8: memref<512xi32, #tpu.memory_space<vmem>>, %arg9: memref<512x32xf32, #tpu.memory_space<vmem>>, %arg10: memref<512x32xf32, #tpu.memory_space<vmem>>, %arg11: memref<64x513xf32, #tpu.memory_space<vmem>>, %arg12: memref<!tpu.dma_semaphore, #tpu.memory_space<semaphore_mem>>, %arg13: memref<!tpu.dma_semaphore, #tpu.memory_space<semaphore_mem>>) attributes {dimension_semantics = [#tpu.dimension_semantics<core_parallel>, #tpu.dimension_semantics<subcore_parallel>], iteration_bounds = array<i64: 2, 16>, scalar_prefetch = 0 : i64, scratch_operands = 7 : i64, tpu.core_type = #tpu.core_type<sc_vector_subcore>, window_params = [{transform_indices = #map}, {transform_indices = #map}, {transform_indices = #map}, {transform_indices = #map}, {transform_indices = #map1}]} {
    %mul3A = arith.constant 16 : i32
    %mul3A_0 = arith.muli %arg0, %mul3A : i32
    %add3A = arith.addi %mul3A_0, %arg1 : i32
    %mul3A_1 = arith.constant 512 : i32
    %mul3A_2 = arith.muli %add3A, %mul3A_1 : i32
    %mul3A_3 = arith.constant 4 : i32
    %mul3A_4 = arith.muli %add3A, %mul3A_3 : i32
    %iota3A = tpu.iota {dimensions = array<i32: 0>} : vector<16xi32>
    %scan3A = arith.constant 0 : i32
    %scan3A_5 = arith.constant 200 : i32
    %scan3A_6 = arith.addi %scan3A, %scan3A_5 : i32
    %scan3A_7 = arith.constant 1 : i32
    scf.for %scan3A_9 = %scan3A to %scan3A_6 step %scan3A_7  : i32 {
      "tpu.region"() ({
        %run_scoped3A = tpu.sem_alloc : memref<!tpu.dma_semaphore, #tpu.memory_space<semaphore_mem>>
        %dma_start3A_1171 = tpu.memref_slice %arg2[%scan3A_9, %mul3A_2] : memref<200x16384xi32, #tpu.memory_space<hbm>> -> memref<1x512xi32, #tpu.memory_space<hbm>>
        %dma_start3A_1172 = tpu.memref_squeeze %dma_start3A_1171 : memref<1x512xi32, #tpu.memory_space<hbm>> -> memref<512xi32, #tpu.memory_space<hbm>>
        %dma_start3A_1173 = tpu.memref_slice %arg2[%scan3A_9, %mul3A_2] : memref<200x16384xi32, #tpu.memory_space<hbm>> -> memref<1x512xi32, #tpu.memory_space<hbm>>
        %dma_start3A_1174 = tpu.memref_squeeze %dma_start3A_1173 : memref<1x512xi32, #tpu.memory_space<hbm>> -> memref<512xi32, #tpu.memory_space<hbm>>
        tpu.enqueue_dma source(%dma_start3A_1174 : memref<512xi32, #tpu.memory_space<hbm>>) target(%arg7 : memref<512xi32, #tpu.memory_space<vmem>>) target_semaphore(%run_scoped3A : memref<!tpu.dma_semaphore, #tpu.memory_space<semaphore_mem>>)
        %dma_wait3A_1175 = tpu.memref_slice %arg2[%scan3A_9, %mul3A_2] : memref<200x16384xi32, #tpu.memory_space<hbm>> -> memref<1x512xi32, #tpu.memory_space<hbm>>
        %dma_wait3A_1176 = tpu.memref_squeeze %dma_wait3A_1175 : memref<1x512xi32, #tpu.memory_space<hbm>> -> memref<512xi32, #tpu.memory_space<hbm>>
        %dma_wait3A_1177 = tpu.memref_slice %arg2[%scan3A_9, %mul3A_2] : memref<200x16384xi32, #tpu.memory_space<hbm>> -> memref<1x512xi32, #tpu.memory_space<hbm>>
        %dma_wait3A_1178 = tpu.memref_squeeze %dma_wait3A_1177 : memref<1x512xi32, #tpu.memory_space<hbm>> -> memref<512xi32, #tpu.memory_space<hbm>>
        tpu.wait_dma2 semaphore(%run_scoped3A : memref<!tpu.dma_semaphore, #tpu.memory_space<semaphore_mem>>) src(%dma_wait3A_1178 : memref<512xi32, #tpu.memory_space<hbm>>) dst(%arg7 : memref<512xi32, #tpu.memory_space<vmem>>)
        tpu.yield
      }) : () -> ()
      "tpu.region"() ({
        %run_scoped3A = tpu.sem_alloc : memref<!tpu.dma_semaphore, #tpu.memory_space<semaphore_mem>>
        %dma_start3A_1171 = tpu.memref_slice %arg3[%scan3A_9, %mul3A_2] : memref<200x16384xi32, #tpu.memory_space<hbm>> -> memref<1x512xi32, #tpu.memory_space<hbm>>
        %dma_start3A_1172 = tpu.memref_squeeze %dma_start3A_1171 : memref<1x512xi32, #tpu.memory_space<hbm>> -> memref<512xi32, #tpu.memory_space<hbm>>
        %dma_start3A_1173 = tpu.memref_slice %arg3[%scan3A_9, %mul3A_2] : memref<200x16384xi32, #tpu.memory_space<hbm>> -> memref<1x512xi32, #tpu.memory_space<hbm>>
        %dma_start3A_1174 = tpu.memref_squeeze %dma_start3A_1173 : memref<1x512xi32, #tpu.memory_space<hbm>> -> memref<512xi32, #tpu.memory_space<hbm>>
        tpu.enqueue_dma source(%dma_start3A_1174 : memref<512xi32, #tpu.memory_space<hbm>>) target(%arg8 : memref<512xi32, #tpu.memory_space<vmem>>) target_semaphore(%run_scoped3A : memref<!tpu.dma_semaphore, #tpu.memory_space<semaphore_mem>>)
        %dma_wait3A_1175 = tpu.memref_slice %arg3[%scan3A_9, %mul3A_2] : memref<200x16384xi32, #tpu.memory_space<hbm>> -> memref<1x512xi32, #tpu.memory_space<hbm>>
        %dma_wait3A_1176 = tpu.memref_squeeze %dma_wait3A_1175 : memref<1x512xi32, #tpu.memory_space<hbm>> -> memref<512xi32, #tpu.memory_space<hbm>>
        %dma_wait3A_1177 = tpu.memref_slice %arg3[%scan3A_9, %mul3A_2] : memref<200x16384xi32, #tpu.memory_space<hbm>> -> memref<1x512xi32, #tpu.memory_space<hbm>>
        %dma_wait3A_1178 = tpu.memref_squeeze %dma_wait3A_1177 : memref<1x512xi32, #tpu.memory_space<hbm>> -> memref<512xi32, #tpu.memory_space<hbm>>
        tpu.wait_dma2 semaphore(%run_scoped3A : memref<!tpu.dma_semaphore, #tpu.memory_space<semaphore_mem>>) src(%dma_wait3A_1178 : memref<512xi32, #tpu.memory_space<hbm>>) dst(%arg8 : memref<512xi32, #tpu.memory_space<vmem>>)
        tpu.yield
      }) : () -> ()
      %dma_start3A = arith.constant 0 : i32
      %dma_start3A_10 = arith.constant 0 : i32
      %dma_start3A_11 = tpu.memref_slice %arg9[%dma_start3A, %dma_start3A_10] : memref<512x32xf32, #tpu.memory_space<vmem>> -> memref<128x32xf32, #tpu.memory_space<vmem>>
      %dma_start3A_12 = arith.constant 0 : i32
      %dma_start3A_13 = tpu.memref_slice %arg7[%dma_start3A_12] : memref<512xi32, #tpu.memory_space<vmem>> -> memref<128xi32, #tpu.memory_space<vmem>>
      %dma_start3A_14 = arith.constant 0 : i32
      %dma_start3A_15 = arith.constant 0 : i32
      %dma_start3A_16 = tpu.memref_slice %arg4[%dma_start3A_14, %dma_start3A_15] : memref<1000000x32xf32, #tpu.memory_space<hbm>> -> memref<1000000x32xf32, #tpu.memory_space<hbm>>
      tpu.enqueue_indirect_dma source(%dma_start3A_16 : memref<1000000x32xf32, #tpu.memory_space<hbm>>) target(%dma_start3A_11 : memref<128x32xf32, #tpu.memory_space<vmem>>) offsets(%dma_start3A_13 : memref<128xi32, #tpu.memory_space<vmem>>) semaphore(%arg12 : memref<!tpu.dma_semaphore, #tpu.memory_space<semaphore_mem>>)
      %dma_start3A_17 = arith.constant 0 : i32
      %dma_start3A_18 = arith.constant 0 : i32
      %dma_start3A_19 = tpu.memref_slice %arg10[%dma_start3A_17, %dma_start3A_18] : memref<512x32xf32, #tpu.memory_space<vmem>> -> memref<128x32xf32, #tpu.memory_space<vmem>>
      %dma_start3A_20 = arith.constant 0 : i32
      %dma_start3A_21 = tpu.memref_slice %arg8[%dma_start3A_20] : memref<512xi32, #tpu.memory_space<vmem>> -> memref<128xi32, #tpu.memory_space<vmem>>
      %dma_start3A_22 = arith.constant 0 : i32
      %dma_start3A_23 = arith.constant 0 : i32
      %dma_start3A_24 = tpu.memref_slice %arg5[%dma_start3A_22, %dma_start3A_23] : memref<100000x32xf32, #tpu.memory_space<hbm>> -> memref<100000x32xf32, #tpu.memory_space<hbm>>
      tpu.enqueue_indirect_dma source(%dma_start3A_24 : memref<100000x32xf32, #tpu.memory_space<hbm>>) target(%dma_start3A_19 : memref<128x32xf32, #tpu.memory_space<vmem>>) offsets(%dma_start3A_21 : memref<128xi32, #tpu.memory_space<vmem>>) semaphore(%arg12 : memref<!tpu.dma_semaphore, #tpu.memory_space<semaphore_mem>>)
      %dma_start3A_25 = arith.constant 128 : i32
      %dma_start3A_26 = arith.constant 0 : i32
      %dma_start3A_27 = tpu.memref_slice %arg9[%dma_start3A_25, %dma_start3A_26] : memref<512x32xf32, #tpu.memory_space<vmem>> -> memref<128x32xf32, #tpu.memory_space<vmem>>
      %dma_start3A_28 = arith.constant 128 : i32
      %dma_start3A_29 = tpu.memref_slice %arg7[%dma_start3A_28] : memref<512xi32, #tpu.memory_space<vmem>> -> memref<128xi32, #tpu.memory_space<vmem>>
      %dma_start3A_30 = arith.constant 0 : i32
      %dma_start3A_31 = arith.constant 0 : i32
      %dma_start3A_32 = tpu.memref_slice %arg4[%dma_start3A_30, %dma_start3A_31] : memref<1000000x32xf32, #tpu.memory_space<hbm>> -> memref<1000000x32xf32, #tpu.memory_space<hbm>>
      tpu.enqueue_indirect_dma source(%dma_start3A_32 : memref<1000000x32xf32, #tpu.memory_space<hbm>>) target(%dma_start3A_27 : memref<128x32xf32, #tpu.memory_space<vmem>>) offsets(%dma_start3A_29 : memref<128xi32, #tpu.memory_space<vmem>>) semaphore(%arg12 : memref<!tpu.dma_semaphore, #tpu.memory_space<semaphore_mem>>)
      %dma_start3A_33 = arith.constant 128 : i32
      %dma_start3A_34 = arith.constant 0 : i32
      %dma_start3A_35 = tpu.memref_slice %arg10[%dma_start3A_33, %dma_start3A_34] : memref<512x32xf32, #tpu.memory_space<vmem>> -> memref<128x32xf32, #tpu.memory_space<vmem>>
      %dma_start3A_36 = arith.constant 128 : i32
      %dma_start3A_37 = tpu.memref_slice %arg8[%dma_start3A_36] : memref<512xi32, #tpu.memory_space<vmem>> -> memref<128xi32, #tpu.memory_space<vmem>>
      %dma_start3A_38 = arith.constant 0 : i32
      %dma_start3A_39 = arith.constant 0 : i32
      %dma_start3A_40 = tpu.memref_slice %arg5[%dma_start3A_38, %dma_start3A_39] : memref<100000x32xf32, #tpu.memory_space<hbm>> -> memref<100000x32xf32, #tpu.memory_space<hbm>>
      tpu.enqueue_indirect_dma source(%dma_start3A_40 : memref<100000x32xf32, #tpu.memory_space<hbm>>) target(%dma_start3A_35 : memref<128x32xf32, #tpu.memory_space<vmem>>) offsets(%dma_start3A_37 : memref<128xi32, #tpu.memory_space<vmem>>) semaphore(%arg12 : memref<!tpu.dma_semaphore, #tpu.memory_space<semaphore_mem>>)
      %dma_start3A_41 = arith.constant 256 : i32
      %dma_start3A_42 = arith.constant 0 : i32
      %dma_start3A_43 = tpu.memref_slice %arg9[%dma_start3A_41, %dma_start3A_42] : memref<512x32xf32, #tpu.memory_space<vmem>> -> memref<128x32xf32, #tpu.memory_space<vmem>>
      %dma_start3A_44 = arith.constant 256 : i32
      %dma_start3A_45 = tpu.memref_slice %arg7[%dma_start3A_44] : memref<512xi32, #tpu.memory_space<vmem>> -> memref<128xi32, #tpu.memory_space<vmem>>
      %dma_start3A_46 = arith.constant 0 : i32
      %dma_start3A_47 = arith.constant 0 : i32
      %dma_start3A_48 = tpu.memref_slice %arg4[%dma_start3A_46, %dma_start3A_47] : memref<1000000x32xf32, #tpu.memory_space<hbm>> -> memref<1000000x32xf32, #tpu.memory_space<hbm>>
      tpu.enqueue_indirect_dma source(%dma_start3A_48 : memref<1000000x32xf32, #tpu.memory_space<hbm>>) target(%dma_start3A_43 : memref<128x32xf32, #tpu.memory_space<vmem>>) offsets(%dma_start3A_45 : memref<128xi32, #tpu.memory_space<vmem>>) semaphore(%arg12 : memref<!tpu.dma_semaphore, #tpu.memory_space<semaphore_mem>>)
      %dma_start3A_49 = arith.constant 256 : i32
      %dma_start3A_50 = arith.constant 0 : i32
      %dma_start3A_51 = tpu.memref_slice %arg10[%dma_start3A_49, %dma_start3A_50] : memref<512x32xf32, #tpu.memory_space<vmem>> -> memref<128x32xf32, #tpu.memory_space<vmem>>
      %dma_start3A_52 = arith.constant 256 : i32
      %dma_start3A_53 = tpu.memref_slice %arg8[%dma_start3A_52] : memref<512xi32, #tpu.memory_space<vmem>> -> memref<128xi32, #tpu.memory_space<vmem>>
      %dma_start3A_54 = arith.constant 0 : i32
      %dma_start3A_55 = arith.constant 0 : i32
      %dma_start3A_56 = tpu.memref_slice %arg5[%dma_start3A_54, %dma_start3A_55] : memref<100000x32xf32, #tpu.memory_space<hbm>> -> memref<100000x32xf32, #tpu.memory_space<hbm>>
      tpu.enqueue_indirect_dma source(%dma_start3A_56 : memref<100000x32xf32, #tpu.memory_space<hbm>>) target(%dma_start3A_51 : memref<128x32xf32, #tpu.memory_space<vmem>>) offsets(%dma_start3A_53 : memref<128xi32, #tpu.memory_space<vmem>>) semaphore(%arg12 : memref<!tpu.dma_semaphore, #tpu.memory_space<semaphore_mem>>)
      %dma_start3A_57 = arith.constant 384 : i32
      %dma_start3A_58 = arith.constant 0 : i32
      %dma_start3A_59 = tpu.memref_slice %arg9[%dma_start3A_57, %dma_start3A_58] : memref<512x32xf32, #tpu.memory_space<vmem>> -> memref<128x32xf32, #tpu.memory_space<vmem>>
      %dma_start3A_60 = arith.constant 384 : i32
      %dma_start3A_61 = tpu.memref_slice %arg7[%dma_start3A_60] : memref<512xi32, #tpu.memory_space<vmem>> -> memref<128xi32, #tpu.memory_space<vmem>>
      %dma_start3A_62 = arith.constant 0 : i32
      %dma_start3A_63 = arith.constant 0 : i32
      %dma_start3A_64 = tpu.memref_slice %arg4[%dma_start3A_62, %dma_start3A_63] : memref<1000000x32xf32, #tpu.memory_space<hbm>> -> memref<1000000x32xf32, #tpu.memory_space<hbm>>
      tpu.enqueue_indirect_dma source(%dma_start3A_64 : memref<1000000x32xf32, #tpu.memory_space<hbm>>) target(%dma_start3A_59 : memref<128x32xf32, #tpu.memory_space<vmem>>) offsets(%dma_start3A_61 : memref<128xi32, #tpu.memory_space<vmem>>) semaphore(%arg12 : memref<!tpu.dma_semaphore, #tpu.memory_space<semaphore_mem>>)
      %dma_start3A_65 = arith.constant 384 : i32
      %dma_start3A_66 = arith.constant 0 : i32
      %dma_start3A_67 = tpu.memref_slice %arg10[%dma_start3A_65, %dma_start3A_66] : memref<512x32xf32, #tpu.memory_space<vmem>> -> memref<128x32xf32, #tpu.memory_space<vmem>>
      %dma_start3A_68 = arith.constant 384 : i32
      %dma_start3A_69 = tpu.memref_slice %arg8[%dma_start3A_68] : memref<512xi32, #tpu.memory_space<vmem>> -> memref<128xi32, #tpu.memory_space<vmem>>
      %dma_start3A_70 = arith.constant 0 : i32
      %dma_start3A_71 = arith.constant 0 : i32
      %dma_start3A_72 = tpu.memref_slice %arg5[%dma_start3A_70, %dma_start3A_71] : memref<100000x32xf32, #tpu.memory_space<hbm>> -> memref<100000x32xf32, #tpu.memory_space<hbm>>
      tpu.enqueue_indirect_dma source(%dma_start3A_72 : memref<100000x32xf32, #tpu.memory_space<hbm>>) target(%dma_start3A_67 : memref<128x32xf32, #tpu.memory_space<vmem>>) offsets(%dma_start3A_69 : memref<128xi32, #tpu.memory_space<vmem>>) semaphore(%arg12 : memref<!tpu.dma_semaphore, #tpu.memory_space<semaphore_mem>>)
      %dma_wait3A = arith.constant 0 : i32
      %dma_wait3A_73 = arith.constant 0 : i32
      %dma_wait3A_74 = tpu.memref_slice %arg9[%dma_wait3A, %dma_wait3A_73] : memref<512x32xf32, #tpu.memory_space<vmem>> -> memref<128x32xf32, #tpu.memory_space<vmem>>
      %dma_wait3A_75 = arith.constant 0 : i32
      %dma_wait3A_76 = tpu.memref_slice %arg7[%dma_wait3A_75] : memref<512xi32, #tpu.memory_space<vmem>> -> memref<128xi32, #tpu.memory_space<vmem>>
      %dma_wait3A_77 = arith.constant 0 : i32
      %dma_wait3A_78 = arith.constant 0 : i32
      %dma_wait3A_79 = tpu.memref_slice %arg4[%dma_wait3A_77, %dma_wait3A_78] : memref<1000000x32xf32, #tpu.memory_space<hbm>> -> memref<1000000x32xf32, #tpu.memory_space<hbm>>
      tpu.wait_indirect_dma semaphore(%arg12 : memref<!tpu.dma_semaphore, #tpu.memory_space<semaphore_mem>>) src(%dma_wait3A_79 : memref<1000000x32xf32, #tpu.memory_space<hbm>>) dst(%dma_wait3A_74 : memref<128x32xf32, #tpu.memory_space<vmem>>)
      %dma_wait3A_80 = arith.constant 0 : i32
      %dma_wait3A_81 = arith.constant 0 : i32
      %dma_wait3A_82 = tpu.memref_slice %arg10[%dma_wait3A_80, %dma_wait3A_81] : memref<512x32xf32, #tpu.memory_space<vmem>> -> memref<128x32xf32, #tpu.memory_space<vmem>>
      %dma_wait3A_83 = arith.constant 0 : i32
      %dma_wait3A_84 = tpu.memref_slice %arg8[%dma_wait3A_83] : memref<512xi32, #tpu.memory_space<vmem>> -> memref<128xi32, #tpu.memory_space<vmem>>
      %dma_wait3A_85 = arith.constant 0 : i32
      %dma_wait3A_86 = arith.constant 0 : i32
      %dma_wait3A_87 = tpu.memref_slice %arg5[%dma_wait3A_85, %dma_wait3A_86] : memref<100000x32xf32, #tpu.memory_space<hbm>> -> memref<100000x32xf32, #tpu.memory_space<hbm>>
      tpu.wait_indirect_dma semaphore(%arg12 : memref<!tpu.dma_semaphore, #tpu.memory_space<semaphore_mem>>) src(%dma_wait3A_87 : memref<100000x32xf32, #tpu.memory_space<hbm>>) dst(%dma_wait3A_82 : memref<128x32xf32, #tpu.memory_space<vmem>>)
      %dma_wait3A_88 = arith.constant 128 : i32
      %dma_wait3A_89 = arith.constant 0 : i32
      %dma_wait3A_90 = tpu.memref_slice %arg9[%dma_wait3A_88, %dma_wait3A_89] : memref<512x32xf32, #tpu.memory_space<vmem>> -> memref<128x32xf32, #tpu.memory_space<vmem>>
      %dma_wait3A_91 = arith.constant 128 : i32
      %dma_wait3A_92 = tpu.memref_slice %arg7[%dma_wait3A_91] : memref<512xi32, #tpu.memory_space<vmem>> -> memref<128xi32, #tpu.memory_space<vmem>>
      %dma_wait3A_93 = arith.constant 0 : i32
      %dma_wait3A_94 = arith.constant 0 : i32
      %dma_wait3A_95 = tpu.memref_slice %arg4[%dma_wait3A_93, %dma_wait3A_94] : memref<1000000x32xf32, #tpu.memory_space<hbm>> -> memref<1000000x32xf32, #tpu.memory_space<hbm>>
      tpu.wait_indirect_dma semaphore(%arg12 : memref<!tpu.dma_semaphore, #tpu.memory_space<semaphore_mem>>) src(%dma_wait3A_95 : memref<1000000x32xf32, #tpu.memory_space<hbm>>) dst(%dma_wait3A_90 : memref<128x32xf32, #tpu.memory_space<vmem>>)
      %dma_wait3A_96 = arith.constant 128 : i32
      %dma_wait3A_97 = arith.constant 0 : i32
      %dma_wait3A_98 = tpu.memref_slice %arg10[%dma_wait3A_96, %dma_wait3A_97] : memref<512x32xf32, #tpu.memory_space<vmem>> -> memref<128x32xf32, #tpu.memory_space<vmem>>
      %dma_wait3A_99 = arith.constant 128 : i32
      %dma_wait3A_100 = tpu.memref_slice %arg8[%dma_wait3A_99] : memref<512xi32, #tpu.memory_space<vmem>> -> memref<128xi32, #tpu.memory_space<vmem>>
      %dma_wait3A_101 = arith.constant 0 : i32
      %dma_wait3A_102 = arith.constant 0 : i32
      %dma_wait3A_103 = tpu.memref_slice %arg5[%dma_wait3A_101, %dma_wait3A_102] : memref<100000x32xf32, #tpu.memory_space<hbm>> -> memref<100000x32xf32, #tpu.memory_space<hbm>>
      tpu.wait_indirect_dma semaphore(%arg12 : memref<!tpu.dma_semaphore, #tpu.memory_space<semaphore_mem>>) src(%dma_wait3A_103 : memref<100000x32xf32, #tpu.memory_space<hbm>>) dst(%dma_wait3A_98 : memref<128x32xf32, #tpu.memory_space<vmem>>)
      %dma_wait3A_104 = arith.constant 256 : i32
      %dma_wait3A_105 = arith.constant 0 : i32
      %dma_wait3A_106 = tpu.memref_slice %arg9[%dma_wait3A_104, %dma_wait3A_105] : memref<512x32xf32, #tpu.memory_space<vmem>> -> memref<128x32xf32, #tpu.memory_space<vmem>>
      %dma_wait3A_107 = arith.constant 256 : i32
      %dma_wait3A_108 = tpu.memref_slice %arg7[%dma_wait3A_107] : memref<512xi32, #tpu.memory_space<vmem>> -> memref<128xi32, #tpu.memory_space<vmem>>
      %dma_wait3A_109 = arith.constant 0 : i32
      %dma_wait3A_110 = arith.constant 0 : i32
      %dma_wait3A_111 = tpu.memref_slice %arg4[%dma_wait3A_109, %dma_wait3A_110] : memref<1000000x32xf32, #tpu.memory_space<hbm>> -> memref<1000000x32xf32, #tpu.memory_space<hbm>>
      tpu.wait_indirect_dma semaphore(%arg12 : memref<!tpu.dma_semaphore, #tpu.memory_space<semaphore_mem>>) src(%dma_wait3A_111 : memref<1000000x32xf32, #tpu.memory_space<hbm>>) dst(%dma_wait3A_106 : memref<128x32xf32, #tpu.memory_space<vmem>>)
      %dma_wait3A_112 = arith.constant 256 : i32
      %dma_wait3A_113 = arith.constant 0 : i32
      %dma_wait3A_114 = tpu.memref_slice %arg10[%dma_wait3A_112, %dma_wait3A_113] : memref<512x32xf32, #tpu.memory_space<vmem>> -> memref<128x32xf32, #tpu.memory_space<vmem>>
      %dma_wait3A_115 = arith.constant 256 : i32
      %dma_wait3A_116 = tpu.memref_slice %arg8[%dma_wait3A_115] : memref<512xi32, #tpu.memory_space<vmem>> -> memref<128xi32, #tpu.memory_space<vmem>>
      %dma_wait3A_117 = arith.constant 0 : i32
      %dma_wait3A_118 = arith.constant 0 : i32
      %dma_wait3A_119 = tpu.memref_slice %arg5[%dma_wait3A_117, %dma_wait3A_118] : memref<100000x32xf32, #tpu.memory_space<hbm>> -> memref<100000x32xf32, #tpu.memory_space<hbm>>
      tpu.wait_indirect_dma semaphore(%arg12 : memref<!tpu.dma_semaphore, #tpu.memory_space<semaphore_mem>>) src(%dma_wait3A_119 : memref<100000x32xf32, #tpu.memory_space<hbm>>) dst(%dma_wait3A_114 : memref<128x32xf32, #tpu.memory_space<vmem>>)
      %dma_wait3A_120 = arith.constant 384 : i32
      %dma_wait3A_121 = arith.constant 0 : i32
      %dma_wait3A_122 = tpu.memref_slice %arg9[%dma_wait3A_120, %dma_wait3A_121] : memref<512x32xf32, #tpu.memory_space<vmem>> -> memref<128x32xf32, #tpu.memory_space<vmem>>
      %dma_wait3A_123 = arith.constant 384 : i32
      %dma_wait3A_124 = tpu.memref_slice %arg7[%dma_wait3A_123] : memref<512xi32, #tpu.memory_space<vmem>> -> memref<128xi32, #tpu.memory_space<vmem>>
      %dma_wait3A_125 = arith.constant 0 : i32
      %dma_wait3A_126 = arith.constant 0 : i32
      %dma_wait3A_127 = tpu.memref_slice %arg4[%dma_wait3A_125, %dma_wait3A_126] : memref<1000000x32xf32, #tpu.memory_space<hbm>> -> memref<1000000x32xf32, #tpu.memory_space<hbm>>
      tpu.wait_indirect_dma semaphore(%arg12 : memref<!tpu.dma_semaphore, #tpu.memory_space<semaphore_mem>>) src(%dma_wait3A_127 : memref<1000000x32xf32, #tpu.memory_space<hbm>>) dst(%dma_wait3A_122 : memref<128x32xf32, #tpu.memory_space<vmem>>)
      %dma_wait3A_128 = arith.constant 384 : i32
      %dma_wait3A_129 = arith.constant 0 : i32
      %dma_wait3A_130 = tpu.memref_slice %arg10[%dma_wait3A_128, %dma_wait3A_129] : memref<512x32xf32, #tpu.memory_space<vmem>> -> memref<128x32xf32, #tpu.memory_space<vmem>>
      %dma_wait3A_131 = arith.constant 384 : i32
      %dma_wait3A_132 = tpu.memref_slice %arg8[%dma_wait3A_131] : memref<512xi32, #tpu.memory_space<vmem>> -> memref<128xi32, #tpu.memory_space<vmem>>
      %dma_wait3A_133 = arith.constant 0 : i32
      %dma_wait3A_134 = arith.constant 0 : i32
      %dma_wait3A_135 = tpu.memref_slice %arg5[%dma_wait3A_133, %dma_wait3A_134] : memref<100000x32xf32, #tpu.memory_space<hbm>> -> memref<100000x32xf32, #tpu.memory_space<hbm>>
      tpu.wait_indirect_dma semaphore(%arg12 : memref<!tpu.dma_semaphore, #tpu.memory_space<semaphore_mem>>) src(%dma_wait3A_135 : memref<100000x32xf32, #tpu.memory_space<hbm>>) dst(%dma_wait3A_130 : memref<128x32xf32, #tpu.memory_space<vmem>>)
      %add3A_136 = arith.constant 16 : i32
      %add3A_137 = vector.broadcast %add3A_136 : i32 to vector<16xi32>
      %add3A_138 = arith.addi %iota3A, %add3A_137 : vector<16xi32>
      %add3A_139 = arith.constant 32 : i32
      %add3A_140 = vector.broadcast %add3A_139 : i32 to vector<16xi32>
      %add3A_141 = arith.addi %iota3A, %add3A_140 : vector<16xi32>
      %add3A_142 = arith.constant 48 : i32
      %add3A_143 = vector.broadcast %add3A_142 : i32 to vector<16xi32>
      %add3A_144 = arith.addi %iota3A, %add3A_143 : vector<16xi32>
      %parallel_loop3A = arith.constant 0 : i32
      %parallel_loop3A_145 = arith.constant 512 : i32
      %parallel_loop3A_146 = arith.constant 1 : i32
      scf.for %parallel_loop3A_1171 = %parallel_loop3A to %parallel_loop3A_145 step %parallel_loop3A_146  : i32 {
        %parallel_loop3A_1172 = arith.constant 0 : i32
        %parallel_loop3A_1173 = vector.broadcast %parallel_loop3A_1172 : i32 to vector<16xi32>
        %parallel_loop3A_1174 = vector.broadcast %parallel_loop3A_1171 : i32 to vector<16xi32>
        %parallel_loop3A_1175 = arith.addi %parallel_loop3A_1173, %parallel_loop3A_1174 : vector<16xi32>
        %parallel_loop3A_1176 = arith.index_cast %parallel_loop3A_1171 : i32 to index
        %parallel_loop3A_1177 = arith.constant 0 : index
        %parallel_loop3A_1178 = tpu.vector_load %arg9[%parallel_loop3A_1176, %parallel_loop3A_1177] {strides = array<i32>} : memref<512x32xf32, #tpu.memory_space<vmem>>, vector<16xf32>,
        tpu.vector_store_idx %arg11[%iota3A, %parallel_loop3A_1175], %parallel_loop3A_1178 : memref<64x513xf32, #tpu.memory_space<vmem>>[vector<16xi32>, vector<16xi32>], vector<16xf32>,
        %parallel_loop3A_1179 = arith.index_cast %parallel_loop3A_1171 : i32 to index
        %parallel_loop3A_1180 = arith.constant 16 : index
        %parallel_loop3A_1181 = tpu.vector_load %arg9[%parallel_loop3A_1179, %parallel_loop3A_1180] {strides = array<i32>} : memref<512x32xf32, #tpu.memory_space<vmem>>, vector<16xf32>,
        tpu.vector_store_idx %arg11[%add3A_138, %parallel_loop3A_1175], %parallel_loop3A_1181 : memref<64x513xf32, #tpu.memory_space<vmem>>[vector<16xi32>, vector<16xi32>], vector<16xf32>,
        %parallel_loop3A_1182 = arith.index_cast %parallel_loop3A_1171 : i32 to index
        %parallel_loop3A_1183 = arith.constant 0 : index
        %parallel_loop3A_1184 = tpu.vector_load %arg10[%parallel_loop3A_1182, %parallel_loop3A_1183] {strides = array<i32>} : memref<512x32xf32, #tpu.memory_space<vmem>>, vector<16xf32>,
        tpu.vector_store_idx %arg11[%add3A_141, %parallel_loop3A_1175], %parallel_loop3A_1184 : memref<64x513xf32, #tpu.memory_space<vmem>>[vector<16xi32>, vector<16xi32>], vector<16xf32>,
        %parallel_loop3A_1185 = arith.index_cast %parallel_loop3A_1171 : i32 to index
        %parallel_loop3A_1186 = arith.constant 16 : index
        %parallel_loop3A_1187 = tpu.vector_load %arg10[%parallel_loop3A_1185, %parallel_loop3A_1186] {strides = array<i32>} : memref<512x32xf32, #tpu.memory_space<vmem>>, vector<16xf32>,
        tpu.vector_store_idx %arg11[%add3A_144, %parallel_loop3A_1175], %parallel_loop3A_1187 : memref<64x513xf32, #tpu.memory_space<vmem>>[vector<16xi32>, vector<16xi32>], vector<16xf32>,
      } {sc.loop_unroll_factor = 4 : i64, sc.parallel_access}
      %add3A_147 = arith.constant 0 : i32
      %add3A_148 = arith.addi %mul3A_4, %add3A_147 : i32
      %dma_start3A_149 = arith.constant 0 : i32
      %dma_start3A_150 = arith.constant 0 : i32
      %dma_start3A_151 = arith.constant 0 : i32
      %dma_start3A_152 = tpu.memref_slice %arg11[%dma_start3A_150, %dma_start3A_151] : memref<64x513xf32, #tpu.memory_space<vmem>> -> memref<8x128xf32, #tpu.memory_space<vmem>>
      %dma_start3A_153 = arith.constant 0 : i32
      %dma_start3A_154 = arith.constant 0 : i32
      %dma_start3A_155 = tpu.memref_slice %arg6[%scan3A_9, %dma_start3A_149, %add3A_148, %dma_start3A_153, %dma_start3A_154] : memref<200x8x128x8x128xf32, #tpu.memory_space<hbm>> -> memref<1x1x1x8x128xf32, #tpu.memory_space<hbm>>
      %dma_start3A_156 = tpu.memref_squeeze %dma_start3A_155 : memref<1x1x1x8x128xf32, #tpu.memory_space<hbm>> -> memref<8x128xf32, #tpu.memory_space<hbm>>
      %dma_start3A_157 = arith.constant 0 : i32
      %dma_start3A_158 = arith.constant 0 : i32
      %dma_start3A_159 = tpu.memref_slice %arg6[%scan3A_9, %dma_start3A_149, %add3A_148, %dma_start3A_157, %dma_start3A_158] : memref<200x8x128x8x128xf32, #tpu.memory_space<hbm>> -> memref<1x1x1x8x128xf32, #tpu.memory_space<hbm>>
      %dma_start3A_160 = tpu.memref_squeeze %dma_start3A_159 : memref<1x1x1x8x128xf32, #tpu.memory_space<hbm>> -> memref<8x128xf32, #tpu.memory_space<hbm>>
      %dma_start3A_161 = arith.constant 0 : i32
      %dma_start3A_162 = arith.constant 0 : i32
      %dma_start3A_163 = tpu.memref_slice %arg11[%dma_start3A_161, %dma_start3A_162] : memref<64x513xf32, #tpu.memory_space<vmem>> -> memref<8x128xf32, #tpu.memory_space<vmem>>
      tpu.enqueue_dma source(%dma_start3A_163 : memref<8x128xf32, #tpu.memory_space<vmem>>) target(%dma_start3A_160 : memref<8x128xf32, #tpu.memory_space<hbm>>) target_semaphore(%arg13 : memref<!tpu.dma_semaphore, #tpu.memory_space<semaphore_mem>>)
      %add3A_164 = arith.constant 1 : i32
      %add3A_165 = arith.addi %mul3A_4, %add3A_164 : i32
      %dma_start3A_166 = arith.constant 0 : i32
      %dma_start3A_167 = arith.constant 0 : i32
      %dma_start3A_168 = arith.constant 128 : i32
      %dma_start3A_169 = tpu.memref_slice %arg11[%dma_start3A_167, %dma_start3A_168] : memref<64x513xf32, #tpu.memory_space<vmem>> -> memref<8x128xf32, #tpu.memory_space<vmem>>
      %dma_start3A_170 = arith.constant 0 : i32
      %dma_start3A_171 = arith.constant 0 : i32
      %dma_start3A_172 = tpu.memref_slice %arg6[%scan3A_9, %dma_start3A_166, %add3A_165, %dma_start3A_170, %dma_start3A_171] : memref<200x8x128x8x128xf32, #tpu.memory_space<hbm>> -> memref<1x1x1x8x128xf32, #tpu.memory_space<hbm>>
      %dma_start3A_173 = tpu.memref_squeeze %dma_start3A_172 : memref<1x1x1x8x128xf32, #tpu.memory_space<hbm>> -> memref<8x128xf32, #tpu.memory_space<hbm>>
      %dma_start3A_174 = arith.constant 0 : i32
      %dma_start3A_175 = arith.constant 0 : i32
      %dma_start3A_176 = tpu.memref_slice %arg6[%scan3A_9, %dma_start3A_166, %add3A_165, %dma_start3A_174, %dma_start3A_175] : memref<200x8x128x8x128xf32, #tpu.memory_space<hbm>> -> memref<1x1x1x8x128xf32, #tpu.memory_space<hbm>>
      %dma_start3A_177 = tpu.memref_squeeze %dma_start3A_176 : memref<1x1x1x8x128xf32, #tpu.memory_space<hbm>> -> memref<8x128xf32, #tpu.memory_space<hbm>>
      %dma_start3A_178 = arith.constant 0 : i32
      %dma_start3A_179 = arith.constant 128 : i32
      %dma_start3A_180 = tpu.memref_slice %arg11[%dma_start3A_178, %dma_start3A_179] : memref<64x513xf32, #tpu.memory_space<vmem>> -> memref<8x128xf32, #tpu.memory_space<vmem>>
      tpu.enqueue_dma source(%dma_start3A_180 : memref<8x128xf32, #tpu.memory_space<vmem>>) target(%dma_start3A_177 : memref<8x128xf32, #tpu.memory_space<hbm>>) target_semaphore(%arg13 : memref<!tpu.dma_semaphore, #tpu.memory_space<semaphore_mem>>)
      %add3A_181 = arith.constant 2 : i32
      %add3A_182 = arith.addi %mul3A_4, %add3A_181 : i32
      %dma_start3A_183 = arith.constant 0 : i32
      %dma_start3A_184 = arith.constant 0 : i32
      %dma_start3A_185 = arith.constant 256 : i32
      %dma_start3A_186 = tpu.memref_slice %arg11[%dma_start3A_184, %dma_start3A_185] : memref<64x513xf32, #tpu.memory_space<vmem>> -> memref<8x128xf32, #tpu.memory_space<vmem>>
      %dma_start3A_187 = arith.constant 0 : i32
      %dma_start3A_188 = arith.constant 0 : i32
      %dma_start3A_189 = tpu.memref_slice %arg6[%scan3A_9, %dma_start3A_183, %add3A_182, %dma_start3A_187, %dma_start3A_188] : memref<200x8x128x8x128xf32, #tpu.memory_space<hbm>> -> memref<1x1x1x8x128xf32, #tpu.memory_space<hbm>>
      %dma_start3A_190 = tpu.memref_squeeze %dma_start3A_189 : memref<1x1x1x8x128xf32, #tpu.memory_space<hbm>> -> memref<8x128xf32, #tpu.memory_space<hbm>>
      %dma_start3A_191 = arith.constant 0 : i32
      %dma_start3A_192 = arith.constant 0 : i32
      %dma_start3A_193 = tpu.memref_slice %arg6[%scan3A_9, %dma_start3A_183, %add3A_182, %dma_start3A_191, %dma_start3A_192] : memref<200x8x128x8x128xf32, #tpu.memory_space<hbm>> -> memref<1x1x1x8x128xf32, #tpu.memory_space<hbm>>
      %dma_start3A_194 = tpu.memref_squeeze %dma_start3A_193 : memref<1x1x1x8x128xf32, #tpu.memory_space<hbm>> -> memref<8x128xf32, #tpu.memory_space<hbm>>
      %dma_start3A_195 = arith.constant 0 : i32
      %dma_start3A_196 = arith.constant 256 : i32
      %dma_start3A_197 = tpu.memref_slice %arg11[%dma_start3A_195, %dma_start3A_196] : memref<64x513xf32, #tpu.memory_space<vmem>> -> memref<8x128xf32, #tpu.memory_space<vmem>>
      tpu.enqueue_dma source(%dma_start3A_197 : memref<8x128xf32, #tpu.memory_space<vmem>>) target(%dma_start3A_194 : memref<8x128xf32, #tpu.memory_space<hbm>>) target_semaphore(%arg13 : memref<!tpu.dma_semaphore, #tpu.memory_space<semaphore_mem>>)
      %add3A_198 = arith.constant 3 : i32
      %add3A_199 = arith.addi %mul3A_4, %add3A_198 : i32
      %dma_start3A_200 = arith.constant 0 : i32
      %dma_start3A_201 = arith.constant 0 : i32
      %dma_start3A_202 = arith.constant 384 : i32
      %dma_start3A_203 = tpu.memref_slice %arg11[%dma_start3A_201, %dma_start3A_202] : memref<64x513xf32, #tpu.memory_space<vmem>> -> memref<8x128xf32, #tpu.memory_space<vmem>>
      %dma_start3A_204 = arith.constant 0 : i32
      %dma_start3A_205 = arith.constant 0 : i32
      %dma_start3A_206 = tpu.memref_slice %arg6[%scan3A_9, %dma_start3A_200, %add3A_199, %dma_start3A_204, %dma_start3A_205] : memref<200x8x128x8x128xf32, #tpu.memory_space<hbm>> -> memref<1x1x1x8x128xf32, #tpu.memory_space<hbm>>
      %dma_start3A_207 = tpu.memref_squeeze %dma_start3A_206 : memref<1x1x1x8x128xf32, #tpu.memory_space<hbm>> -> memref<8x128xf32, #tpu.memory_space<hbm>>
      %dma_start3A_208 = arith.constant 0 : i32
      %dma_start3A_209 = arith.constant 0 : i32
      %dma_start3A_210 = tpu.memref_slice %arg6[%scan3A_9, %dma_start3A_200, %add3A_199, %dma_start3A_208, %dma_start3A_209] : memref<200x8x128x8x128xf32, #tpu.memory_space<hbm>> -> memref<1x1x1x8x128xf32, #tpu.memory_space<hbm>>
      %dma_start3A_211 = tpu.memref_squeeze %dma_start3A_210 : memref<1x1x1x8x128xf32, #tpu.memory_space<hbm>> -> memref<8x128xf32, #tpu.memory_space<hbm>>
      %dma_start3A_212 = arith.constant 0 : i32
      %dma_start3A_213 = arith.constant 384 : i32
      %dma_start3A_214 = tpu.memref_slice %arg11[%dma_start3A_212, %dma_start3A_213] : memref<64x513xf32, #tpu.memory_space<vmem>> -> memref<8x128xf32, #tpu.memory_space<vmem>>
      tpu.enqueue_dma source(%dma_start3A_214 : memref<8x128xf32, #tpu.memory_space<vmem>>) target(%dma_start3A_211 : memref<8x128xf32, #tpu.memory_space<hbm>>) target_semaphore(%arg13 : memref<!tpu.dma_semaphore, #tpu.memory_space<semaphore_mem>>)
      %add3A_215 = arith.constant 0 : i32
      %add3A_216 = arith.addi %mul3A_4, %add3A_215 : i32
      %dma_start3A_217 = arith.constant 1 : i32
      %dma_start3A_218 = arith.constant 8 : i32
      %dma_start3A_219 = arith.constant 0 : i32
      %dma_start3A_220 = tpu.memref_slice %arg11[%dma_start3A_218, %dma_start3A_219] : memref<64x513xf32, #tpu.memory_space<vmem>> -> memref<8x128xf32, #tpu.memory_space<vmem>>
      %dma_start3A_221 = arith.constant 0 : i32
      %dma_start3A_222 = arith.constant 0 : i32
      %dma_start3A_223 = tpu.memref_slice %arg6[%scan3A_9, %dma_start3A_217, %add3A_216, %dma_start3A_221, %dma_start3A_222] : memref<200x8x128x8x128xf32, #tpu.memory_space<hbm>> -> memref<1x1x1x8x128xf32, #tpu.memory_space<hbm>>
      %dma_start3A_224 = tpu.memref_squeeze %dma_start3A_223 : memref<1x1x1x8x128xf32, #tpu.memory_space<hbm>> -> memref<8x128xf32, #tpu.memory_space<hbm>>
      %dma_start3A_225 = arith.constant 0 : i32
      %dma_start3A_226 = arith.constant 0 : i32
      %dma_start3A_227 = tpu.memref_slice %arg6[%scan3A_9, %dma_start3A_217, %add3A_216, %dma_start3A_225, %dma_start3A_226] : memref<200x8x128x8x128xf32, #tpu.memory_space<hbm>> -> memref<1x1x1x8x128xf32, #tpu.memory_space<hbm>>
      %dma_start3A_228 = tpu.memref_squeeze %dma_start3A_227 : memref<1x1x1x8x128xf32, #tpu.memory_space<hbm>> -> memref<8x128xf32, #tpu.memory_space<hbm>>
      %dma_start3A_229 = arith.constant 8 : i32
      %dma_start3A_230 = arith.constant 0 : i32
      %dma_start3A_231 = tpu.memref_slice %arg11[%dma_start3A_229, %dma_start3A_230] : memref<64x513xf32, #tpu.memory_space<vmem>> -> memref<8x128xf32, #tpu.memory_space<vmem>>
      tpu.enqueue_dma source(%dma_start3A_231 : memref<8x128xf32, #tpu.memory_space<vmem>>) target(%dma_start3A_228 : memref<8x128xf32, #tpu.memory_space<hbm>>) target_semaphore(%arg13 : memref<!tpu.dma_semaphore, #tpu.memory_space<semaphore_mem>>)
      %add3A_232 = arith.constant 1 : i32
      %add3A_233 = arith.addi %mul3A_4, %add3A_232 : i32
      %dma_start3A_234 = arith.constant 1 : i32
      %dma_start3A_235 = arith.constant 8 : i32
      %dma_start3A_236 = arith.constant 128 : i32
      %dma_start3A_237 = tpu.memref_slice %arg11[%dma_start3A_235, %dma_start3A_236] : memref<64x513xf32, #tpu.memory_space<vmem>> -> memref<8x128xf32, #tpu.memory_space<vmem>>
      %dma_start3A_238 = arith.constant 0 : i32
      %dma_start3A_239 = arith.constant 0 : i32
      %dma_start3A_240 = tpu.memref_slice %arg6[%scan3A_9, %dma_start3A_234, %add3A_233, %dma_start3A_238, %dma_start3A_239] : memref<200x8x128x8x128xf32, #tpu.memory_space<hbm>> -> memref<1x1x1x8x128xf32, #tpu.memory_space<hbm>>
      %dma_start3A_241 = tpu.memref_squeeze %dma_start3A_240 : memref<1x1x1x8x128xf32, #tpu.memory_space<hbm>> -> memref<8x128xf32, #tpu.memory_space<hbm>>
      %dma_start3A_242 = arith.constant 0 : i32
      %dma_start3A_243 = arith.constant 0 : i32
      %dma_start3A_244 = tpu.memref_slice %arg6[%scan3A_9, %dma_start3A_234, %add3A_233, %dma_start3A_242, %dma_start3A_243] : memref<200x8x128x8x128xf32, #tpu.memory_space<hbm>> -> memref<1x1x1x8x128xf32, #tpu.memory_space<hbm>>
      %dma_start3A_245 = tpu.memref_squeeze %dma_start3A_244 : memref<1x1x1x8x128xf32, #tpu.memory_space<hbm>> -> memref<8x128xf32, #tpu.memory_space<hbm>>
      %dma_start3A_246 = arith.constant 8 : i32
      %dma_start3A_247 = arith.constant 128 : i32
      %dma_start3A_248 = tpu.memref_slice %arg11[%dma_start3A_246, %dma_start3A_247] : memref<64x513xf32, #tpu.memory_space<vmem>> -> memref<8x128xf32, #tpu.memory_space<vmem>>
      tpu.enqueue_dma source(%dma_start3A_248 : memref<8x128xf32, #tpu.memory_space<vmem>>) target(%dma_start3A_245 : memref<8x128xf32, #tpu.memory_space<hbm>>) target_semaphore(%arg13 : memref<!tpu.dma_semaphore, #tpu.memory_space<semaphore_mem>>)
      %add3A_249 = arith.constant 2 : i32
      %add3A_250 = arith.addi %mul3A_4, %add3A_249 : i32
      %dma_start3A_251 = arith.constant 1 : i32
      %dma_start3A_252 = arith.constant 8 : i32
      %dma_start3A_253 = arith.constant 256 : i32
      %dma_start3A_254 = tpu.memref_slice %arg11[%dma_start3A_252, %dma_start3A_253] : memref<64x513xf32, #tpu.memory_space<vmem>> -> memref<8x128xf32, #tpu.memory_space<vmem>>
      %dma_start3A_255 = arith.constant 0 : i32
      %dma_start3A_256 = arith.constant 0 : i32
      %dma_start3A_257 = tpu.memref_slice %arg6[%scan3A_9, %dma_start3A_251, %add3A_250, %dma_start3A_255, %dma_start3A_256] : memref<200x8x128x8x128xf32, #tpu.memory_space<hbm>> -> memref<1x1x1x8x128xf32, #tpu.memory_space<hbm>>
      %dma_start3A_258 = tpu.memref_squeeze %dma_start3A_257 : memref<1x1x1x8x128xf32, #tpu.memory_space<hbm>> -> memref<8x128xf32, #tpu.memory_space<hbm>>
      %dma_start3A_259 = arith.constant 0 : i32
      %dma_start3A_260 = arith.constant 0 : i32
      %dma_start3A_261 = tpu.memref_slice %arg6[%scan3A_9, %dma_start3A_251, %add3A_250, %dma_start3A_259, %dma_start3A_260] : memref<200x8x128x8x128xf32, #tpu.memory_space<hbm>> -> memref<1x1x1x8x128xf32, #tpu.memory_space<hbm>>
      %dma_start3A_262 = tpu.memref_squeeze %dma_start3A_261 : memref<1x1x1x8x128xf32, #tpu.memory_space<hbm>> -> memref<8x128xf32, #tpu.memory_space<hbm>>
      %dma_start3A_263 = arith.constant 8 : i32
      %dma_start3A_264 = arith.constant 256 : i32
      %dma_start3A_265 = tpu.memref_slice %arg11[%dma_start3A_263, %dma_start3A_264] : memref<64x513xf32, #tpu.memory_space<vmem>> -> memref<8x128xf32, #tpu.memory_space<vmem>>
      tpu.enqueue_dma source(%dma_start3A_265 : memref<8x128xf32, #tpu.memory_space<vmem>>) target(%dma_start3A_262 : memref<8x128xf32, #tpu.memory_space<hbm>>) target_semaphore(%arg13 : memref<!tpu.dma_semaphore, #tpu.memory_space<semaphore_mem>>)
      %add3A_266 = arith.constant 3 : i32
      %add3A_267 = arith.addi %mul3A_4, %add3A_266 : i32
      %dma_start3A_268 = arith.constant 1 : i32
      %dma_start3A_269 = arith.constant 8 : i32
      %dma_start3A_270 = arith.constant 384 : i32
      %dma_start3A_271 = tpu.memref_slice %arg11[%dma_start3A_269, %dma_start3A_270] : memref<64x513xf32, #tpu.memory_space<vmem>> -> memref<8x128xf32, #tpu.memory_space<vmem>>
      %dma_start3A_272 = arith.constant 0 : i32
      %dma_start3A_273 = arith.constant 0 : i32
      %dma_start3A_274 = tpu.memref_slice %arg6[%scan3A_9, %dma_start3A_268, %add3A_267, %dma_start3A_272, %dma_start3A_273] : memref<200x8x128x8x128xf32, #tpu.memory_space<hbm>> -> memref<1x1x1x8x128xf32, #tpu.memory_space<hbm>>
      %dma_start3A_275 = tpu.memref_squeeze %dma_start3A_274 : memref<1x1x1x8x128xf32, #tpu.memory_space<hbm>> -> memref<8x128xf32, #tpu.memory_space<hbm>>
      %dma_start3A_276 = arith.constant 0 : i32
      %dma_start3A_277 = arith.constant 0 : i32
      %dma_start3A_278 = tpu.memref_slice %arg6[%scan3A_9, %dma_start3A_268, %add3A_267, %dma_start3A_276, %dma_start3A_277] : memref<200x8x128x8x128xf32, #tpu.memory_space<hbm>> -> memref<1x1x1x8x128xf32, #tpu.memory_space<hbm>>
      %dma_start3A_279 = tpu.memref_squeeze %dma_start3A_278 : memref<1x1x1x8x128xf32, #tpu.memory_space<hbm>> -> memref<8x128xf32, #tpu.memory_space<hbm>>
      %dma_start3A_280 = arith.constant 8 : i32
      %dma_start3A_281 = arith.constant 384 : i32
      %dma_start3A_282 = tpu.memref_slice %arg11[%dma_start3A_280, %dma_start3A_281] : memref<64x513xf32, #tpu.memory_space<vmem>> -> memref<8x128xf32, #tpu.memory_space<vmem>>
      tpu.enqueue_dma source(%dma_start3A_282 : memref<8x128xf32, #tpu.memory_space<vmem>>) target(%dma_start3A_279 : memref<8x128xf32, #tpu.memory_space<hbm>>) target_semaphore(%arg13 : memref<!tpu.dma_semaphore, #tpu.memory_space<semaphore_mem>>)
      %add3A_283 = arith.constant 0 : i32
      %add3A_284 = arith.addi %mul3A_4, %add3A_283 : i32
      %dma_start3A_285 = arith.constant 2 : i32
      %dma_start3A_286 = arith.constant 16 : i32
      %dma_start3A_287 = arith.constant 0 : i32
      %dma_start3A_288 = tpu.memref_slice %arg11[%dma_start3A_286, %dma_start3A_287] : memref<64x513xf32, #tpu.memory_space<vmem>> -> memref<8x128xf32, #tpu.memory_space<vmem>>
      %dma_start3A_289 = arith.constant 0 : i32
      %dma_start3A_290 = arith.constant 0 : i32
      %dma_start3A_291 = tpu.memref_slice %arg6[%scan3A_9, %dma_start3A_285, %add3A_284, %dma_start3A_289, %dma_start3A_290] : memref<200x8x128x8x128xf32, #tpu.memory_space<hbm>> -> memref<1x1x1x8x128xf32, #tpu.memory_space<hbm>>
      %dma_start3A_292 = tpu.memref_squeeze %dma_start3A_291 : memref<1x1x1x8x128xf32, #tpu.memory_space<hbm>> -> memref<8x128xf32, #tpu.memory_space<hbm>>
      %dma_start3A_293 = arith.constant 0 : i32
      %dma_start3A_294 = arith.constant 0 : i32
      %dma_start3A_295 = tpu.memref_slice %arg6[%scan3A_9, %dma_start3A_285, %add3A_284, %dma_start3A_293, %dma_start3A_294] : memref<200x8x128x8x128xf32, #tpu.memory_space<hbm>> -> memref<1x1x1x8x128xf32, #tpu.memory_space<hbm>>
      %dma_start3A_296 = tpu.memref_squeeze %dma_start3A_295 : memref<1x1x1x8x128xf32, #tpu.memory_space<hbm>> -> memref<8x128xf32, #tpu.memory_space<hbm>>
      %dma_start3A_297 = arith.constant 16 : i32
      %dma_start3A_298 = arith.constant 0 : i32
      %dma_start3A_299 = tpu.memref_slice %arg11[%dma_start3A_297, %dma_start3A_298] : memref<64x513xf32, #tpu.memory_space<vmem>> -> memref<8x128xf32, #tpu.memory_space<vmem>>
      tpu.enqueue_dma source(%dma_start3A_299 : memref<8x128xf32, #tpu.memory_space<vmem>>) target(%dma_start3A_296 : memref<8x128xf32, #tpu.memory_space<hbm>>) target_semaphore(%arg13 : memref<!tpu.dma_semaphore, #tpu.memory_space<semaphore_mem>>)
      %add3A_300 = arith.constant 1 : i32
      %add3A_301 = arith.addi %mul3A_4, %add3A_300 : i32
      %dma_start3A_302 = arith.constant 2 : i32
      %dma_start3A_303 = arith.constant 16 : i32
      %dma_start3A_304 = arith.constant 128 : i32
      %dma_start3A_305 = tpu.memref_slice %arg11[%dma_start3A_303, %dma_start3A_304] : memref<64x513xf32, #tpu.memory_space<vmem>> -> memref<8x128xf32, #tpu.memory_space<vmem>>
      %dma_start3A_306 = arith.constant 0 : i32
      %dma_start3A_307 = arith.constant 0 : i32
      %dma_start3A_308 = tpu.memref_slice %arg6[%scan3A_9, %dma_start3A_302, %add3A_301, %dma_start3A_306, %dma_start3A_307] : memref<200x8x128x8x128xf32, #tpu.memory_space<hbm>> -> memref<1x1x1x8x128xf32, #tpu.memory_space<hbm>>
      %dma_start3A_309 = tpu.memref_squeeze %dma_start3A_308 : memref<1x1x1x8x128xf32, #tpu.memory_space<hbm>> -> memref<8x128xf32, #tpu.memory_space<hbm>>
      %dma_start3A_310 = arith.constant 0 : i32
      %dma_start3A_311 = arith.constant 0 : i32
      %dma_start3A_312 = tpu.memref_slice %arg6[%scan3A_9, %dma_start3A_302, %add3A_301, %dma_start3A_310, %dma_start3A_311] : memref<200x8x128x8x128xf32, #tpu.memory_space<hbm>> -> memref<1x1x1x8x128xf32, #tpu.memory_space<hbm>>
      %dma_start3A_313 = tpu.memref_squeeze %dma_start3A_312 : memref<1x1x1x8x128xf32, #tpu.memory_space<hbm>> -> memref<8x128xf32, #tpu.memory_space<hbm>>
      %dma_start3A_314 = arith.constant 16 : i32
      %dma_start3A_315 = arith.constant 128 : i32
      %dma_start3A_316 = tpu.memref_slice %arg11[%dma_start3A_314, %dma_start3A_315] : memref<64x513xf32, #tpu.memory_space<vmem>> -> memref<8x128xf32, #tpu.memory_space<vmem>>
      tpu.enqueue_dma source(%dma_start3A_316 : memref<8x128xf32, #tpu.memory_space<vmem>>) target(%dma_start3A_313 : memref<8x128xf32, #tpu.memory_space<hbm>>) target_semaphore(%arg13 : memref<!tpu.dma_semaphore, #tpu.memory_space<semaphore_mem>>)
      %add3A_317 = arith.constant 2 : i32
      %add3A_318 = arith.addi %mul3A_4, %add3A_317 : i32
      %dma_start3A_319 = arith.constant 2 : i32
      %dma_start3A_320 = arith.constant 16 : i32
      %dma_start3A_321 = arith.constant 256 : i32
      %dma_start3A_322 = tpu.memref_slice %arg11[%dma_start3A_320, %dma_start3A_321] : memref<64x513xf32, #tpu.memory_space<vmem>> -> memref<8x128xf32, #tpu.memory_space<vmem>>
      %dma_start3A_323 = arith.constant 0 : i32
      %dma_start3A_324 = arith.constant 0 : i32
      %dma_start3A_325 = tpu.memref_slice %arg6[%scan3A_9, %dma_start3A_319, %add3A_318, %dma_start3A_323, %dma_start3A_324] : memref<200x8x128x8x128xf32, #tpu.memory_space<hbm>> -> memref<1x1x1x8x128xf32, #tpu.memory_space<hbm>>
      %dma_start3A_326 = tpu.memref_squeeze %dma_start3A_325 : memref<1x1x1x8x128xf32, #tpu.memory_space<hbm>> -> memref<8x128xf32, #tpu.memory_space<hbm>>
      %dma_start3A_327 = arith.constant 0 : i32
      %dma_start3A_328 = arith.constant 0 : i32
      %dma_start3A_329 = tpu.memref_slice %arg6[%scan3A_9, %dma_start3A_319, %add3A_318, %dma_start3A_327, %dma_start3A_328] : memref<200x8x128x8x128xf32, #tpu.memory_space<hbm>> -> memref<1x1x1x8x128xf32, #tpu.memory_space<hbm>>
      %dma_start3A_330 = tpu.memref_squeeze %dma_start3A_329 : memref<1x1x1x8x128xf32, #tpu.memory_space<hbm>> -> memref<8x128xf32, #tpu.memory_space<hbm>>
      %dma_start3A_331 = arith.constant 16 : i32
      %dma_start3A_332 = arith.constant 256 : i32
      %dma_start3A_333 = tpu.memref_slice %arg11[%dma_start3A_331, %dma_start3A_332] : memref<64x513xf32, #tpu.memory_space<vmem>> -> memref<8x128xf32, #tpu.memory_space<vmem>>
      tpu.enqueue_dma source(%dma_start3A_333 : memref<8x128xf32, #tpu.memory_space<vmem>>) target(%dma_start3A_330 : memref<8x128xf32, #tpu.memory_space<hbm>>) target_semaphore(%arg13 : memref<!tpu.dma_semaphore, #tpu.memory_space<semaphore_mem>>)
      %add3A_334 = arith.constant 3 : i32
      %add3A_335 = arith.addi %mul3A_4, %add3A_334 : i32
      %dma_start3A_336 = arith.constant 2 : i32
      %dma_start3A_337 = arith.constant 16 : i32
      %dma_start3A_338 = arith.constant 384 : i32
      %dma_start3A_339 = tpu.memref_slice %arg11[%dma_start3A_337, %dma_start3A_338] : memref<64x513xf32, #tpu.memory_space<vmem>> -> memref<8x128xf32, #tpu.memory_space<vmem>>
      %dma_start3A_340 = arith.constant 0 : i32
      %dma_start3A_341 = arith.constant 0 : i32
      %dma_start3A_342 = tpu.memref_slice %arg6[%scan3A_9, %dma_start3A_336, %add3A_335, %dma_start3A_340, %dma_start3A_341] : memref<200x8x128x8x128xf32, #tpu.memory_space<hbm>> -> memref<1x1x1x8x128xf32, #tpu.memory_space<hbm>>
      %dma_start3A_343 = tpu.memref_squeeze %dma_start3A_342 : memref<1x1x1x8x128xf32, #tpu.memory_space<hbm>> -> memref<8x128xf32, #tpu.memory_space<hbm>>
      %dma_start3A_344 = arith.constant 0 : i32
      %dma_start3A_345 = arith.constant 0 : i32
      %dma_start3A_346 = tpu.memref_slice %arg6[%scan3A_9, %dma_start3A_336, %add3A_335, %dma_start3A_344, %dma_start3A_345] : memref<200x8x128x8x128xf32, #tpu.memory_space<hbm>> -> memref<1x1x1x8x128xf32, #tpu.memory_space<hbm>>
      %dma_start3A_347 = tpu.memref_squeeze %dma_start3A_346 : memref<1x1x1x8x128xf32, #tpu.memory_space<hbm>> -> memref<8x128xf32, #tpu.memory_space<hbm>>
      %dma_start3A_348 = arith.constant 16 : i32
      %dma_start3A_349 = arith.constant 384 : i32
      %dma_start3A_350 = tpu.memref_slice %arg11[%dma_start3A_348, %dma_start3A_349] : memref<64x513xf32, #tpu.memory_space<vmem>> -> memref<8x128xf32, #tpu.memory_space<vmem>>
      tpu.enqueue_dma source(%dma_start3A_350 : memref<8x128xf32, #tpu.memory_space<vmem>>) target(%dma_start3A_347 : memref<8x128xf32, #tpu.memory_space<hbm>>) target_semaphore(%arg13 : memref<!tpu.dma_semaphore, #tpu.memory_space<semaphore_mem>>)
      %add3A_351 = arith.constant 0 : i32
      %add3A_352 = arith.addi %mul3A_4, %add3A_351 : i32
      %dma_start3A_353 = arith.constant 3 : i32
      %dma_start3A_354 = arith.constant 24 : i32
      %dma_start3A_355 = arith.constant 0 : i32
      %dma_start3A_356 = tpu.memref_slice %arg11[%dma_start3A_354, %dma_start3A_355] : memref<64x513xf32, #tpu.memory_space<vmem>> -> memref<8x128xf32, #tpu.memory_space<vmem>>
      %dma_start3A_357 = arith.constant 0 : i32
      %dma_start3A_358 = arith.constant 0 : i32
      %dma_start3A_359 = tpu.memref_slice %arg6[%scan3A_9, %dma_start3A_353, %add3A_352, %dma_start3A_357, %dma_start3A_358] : memref<200x8x128x8x128xf32, #tpu.memory_space<hbm>> -> memref<1x1x1x8x128xf32, #tpu.memory_space<hbm>>
      %dma_start3A_360 = tpu.memref_squeeze %dma_start3A_359 : memref<1x1x1x8x128xf32, #tpu.memory_space<hbm>> -> memref<8x128xf32, #tpu.memory_space<hbm>>
      %dma_start3A_361 = arith.constant 0 : i32
      %dma_start3A_362 = arith.constant 0 : i32
      %dma_start3A_363 = tpu.memref_slice %arg6[%scan3A_9, %dma_start3A_353, %add3A_352, %dma_start3A_361, %dma_start3A_362] : memref<200x8x128x8x128xf32, #tpu.memory_space<hbm>> -> memref<1x1x1x8x128xf32, #tpu.memory_space<hbm>>
      %dma_start3A_364 = tpu.memref_squeeze %dma_start3A_363 : memref<1x1x1x8x128xf32, #tpu.memory_space<hbm>> -> memref<8x128xf32, #tpu.memory_space<hbm>>
      %dma_start3A_365 = arith.constant 24 : i32
      %dma_start3A_366 = arith.constant 0 : i32
      %dma_start3A_367 = tpu.memref_slice %arg11[%dma_start3A_365, %dma_start3A_366] : memref<64x513xf32, #tpu.memory_space<vmem>> -> memref<8x128xf32, #tpu.memory_space<vmem>>
      tpu.enqueue_dma source(%dma_start3A_367 : memref<8x128xf32, #tpu.memory_space<vmem>>) target(%dma_start3A_364 : memref<8x128xf32, #tpu.memory_space<hbm>>) target_semaphore(%arg13 : memref<!tpu.dma_semaphore, #tpu.memory_space<semaphore_mem>>)
      %add3A_368 = arith.constant 1 : i32
      %add3A_369 = arith.addi %mul3A_4, %add3A_368 : i32
      %dma_start3A_370 = arith.constant 3 : i32
      %dma_start3A_371 = arith.constant 24 : i32
      %dma_start3A_372 = arith.constant 128 : i32
      %dma_start3A_373 = tpu.memref_slice %arg11[%dma_start3A_371, %dma_start3A_372] : memref<64x513xf32, #tpu.memory_space<vmem>> -> memref<8x128xf32, #tpu.memory_space<vmem>>
      %dma_start3A_374 = arith.constant 0 : i32
      %dma_start3A_375 = arith.constant 0 : i32
      %dma_start3A_376 = tpu.memref_slice %arg6[%scan3A_9, %dma_start3A_370, %add3A_369, %dma_start3A_374, %dma_start3A_375] : memref<200x8x128x8x128xf32, #tpu.memory_space<hbm>> -> memref<1x1x1x8x128xf32, #tpu.memory_space<hbm>>
      %dma_start3A_377 = tpu.memref_squeeze %dma_start3A_376 : memref<1x1x1x8x128xf32, #tpu.memory_space<hbm>> -> memref<8x128xf32, #tpu.memory_space<hbm>>
      %dma_start3A_378 = arith.constant 0 : i32
      %dma_start3A_379 = arith.constant 0 : i32
      %dma_start3A_380 = tpu.memref_slice %arg6[%scan3A_9, %dma_start3A_370, %add3A_369, %dma_start3A_378, %dma_start3A_379] : memref<200x8x128x8x128xf32, #tpu.memory_space<hbm>> -> memref<1x1x1x8x128xf32, #tpu.memory_space<hbm>>
      %dma_start3A_381 = tpu.memref_squeeze %dma_start3A_380 : memref<1x1x1x8x128xf32, #tpu.memory_space<hbm>> -> memref<8x128xf32, #tpu.memory_space<hbm>>
      %dma_start3A_382 = arith.constant 24 : i32
      %dma_start3A_383 = arith.constant 128 : i32
      %dma_start3A_384 = tpu.memref_slice %arg11[%dma_start3A_382, %dma_start3A_383] : memref<64x513xf32, #tpu.memory_space<vmem>> -> memref<8x128xf32, #tpu.memory_space<vmem>>
      tpu.enqueue_dma source(%dma_start3A_384 : memref<8x128xf32, #tpu.memory_space<vmem>>) target(%dma_start3A_381 : memref<8x128xf32, #tpu.memory_space<hbm>>) target_semaphore(%arg13 : memref<!tpu.dma_semaphore, #tpu.memory_space<semaphore_mem>>)
      %add3A_385 = arith.constant 2 : i32
      %add3A_386 = arith.addi %mul3A_4, %add3A_385 : i32
      %dma_start3A_387 = arith.constant 3 : i32
      %dma_start3A_388 = arith.constant 24 : i32
      %dma_start3A_389 = arith.constant 256 : i32
      %dma_start3A_390 = tpu.memref_slice %arg11[%dma_start3A_388, %dma_start3A_389] : memref<64x513xf32, #tpu.memory_space<vmem>> -> memref<8x128xf32, #tpu.memory_space<vmem>>
      %dma_start3A_391 = arith.constant 0 : i32
      %dma_start3A_392 = arith.constant 0 : i32
      %dma_start3A_393 = tpu.memref_slice %arg6[%scan3A_9, %dma_start3A_387, %add3A_386, %dma_start3A_391, %dma_start3A_392] : memref<200x8x128x8x128xf32, #tpu.memory_space<hbm>> -> memref<1x1x1x8x128xf32, #tpu.memory_space<hbm>>
      %dma_start3A_394 = tpu.memref_squeeze %dma_start3A_393 : memref<1x1x1x8x128xf32, #tpu.memory_space<hbm>> -> memref<8x128xf32, #tpu.memory_space<hbm>>
      %dma_start3A_395 = arith.constant 0 : i32
      %dma_start3A_396 = arith.constant 0 : i32
      %dma_start3A_397 = tpu.memref_slice %arg6[%scan3A_9, %dma_start3A_387, %add3A_386, %dma_start3A_395, %dma_start3A_396] : memref<200x8x128x8x128xf32, #tpu.memory_space<hbm>> -> memref<1x1x1x8x128xf32, #tpu.memory_space<hbm>>
      %dma_start3A_398 = tpu.memref_squeeze %dma_start3A_397 : memref<1x1x1x8x128xf32, #tpu.memory_space<hbm>> -> memref<8x128xf32, #tpu.memory_space<hbm>>
      %dma_start3A_399 = arith.constant 24 : i32
      %dma_start3A_400 = arith.constant 256 : i32
      %dma_start3A_401 = tpu.memref_slice %arg11[%dma_start3A_399, %dma_start3A_400] : memref<64x513xf32, #tpu.memory_space<vmem>> -> memref<8x128xf32, #tpu.memory_space<vmem>>
      tpu.enqueue_dma source(%dma_start3A_401 : memref<8x128xf32, #tpu.memory_space<vmem>>) target(%dma_start3A_398 : memref<8x128xf32, #tpu.memory_space<hbm>>) target_semaphore(%arg13 : memref<!tpu.dma_semaphore, #tpu.memory_space<semaphore_mem>>)
      %add3A_402 = arith.constant 3 : i32
      %add3A_403 = arith.addi %mul3A_4, %add3A_402 : i32
      %dma_start3A_404 = arith.constant 3 : i32
      %dma_start3A_405 = arith.constant 24 : i32
      %dma_start3A_406 = arith.constant 384 : i32
      %dma_start3A_407 = tpu.memref_slice %arg11[%dma_start3A_405, %dma_start3A_406] : memref<64x513xf32, #tpu.memory_space<vmem>> -> memref<8x128xf32, #tpu.memory_space<vmem>>
      %dma_start3A_408 = arith.constant 0 : i32
      %dma_start3A_409 = arith.constant 0 : i32
      %dma_start3A_410 = tpu.memref_slice %arg6[%scan3A_9, %dma_start3A_404, %add3A_403, %dma_start3A_408, %dma_start3A_409] : memref<200x8x128x8x128xf32, #tpu.memory_space<hbm>> -> memref<1x1x1x8x128xf32, #tpu.memory_space<hbm>>
      %dma_start3A_411 = tpu.memref_squeeze %dma_start3A_410 : memref<1x1x1x8x128xf32, #tpu.memory_space<hbm>> -> memref<8x128xf32, #tpu.memory_space<hbm>>
      %dma_start3A_412 = arith.constant 0 : i32
      %dma_start3A_413 = arith.constant 0 : i32
      %dma_start3A_414 = tpu.memref_slice %arg6[%scan3A_9, %dma_start3A_404, %add3A_403, %dma_start3A_412, %dma_start3A_413] : memref<200x8x128x8x128xf32, #tpu.memory_space<hbm>> -> memref<1x1x1x8x128xf32, #tpu.memory_space<hbm>>
      %dma_start3A_415 = tpu.memref_squeeze %dma_start3A_414 : memref<1x1x1x8x128xf32, #tpu.memory_space<hbm>> -> memref<8x128xf32, #tpu.memory_space<hbm>>
      %dma_start3A_416 = arith.constant 24 : i32
      %dma_start3A_417 = arith.constant 384 : i32
      %dma_start3A_418 = tpu.memref_slice %arg11[%dma_start3A_416, %dma_start3A_417] : memref<64x513xf32, #tpu.memory_space<vmem>> -> memref<8x128xf32, #tpu.memory_space<vmem>>
      tpu.enqueue_dma source(%dma_start3A_418 : memref<8x128xf32, #tpu.memory_space<vmem>>) target(%dma_start3A_415 : memref<8x128xf32, #tpu.memory_space<hbm>>) target_semaphore(%arg13 : memref<!tpu.dma_semaphore, #tpu.memory_space<semaphore_mem>>)
      %add3A_419 = arith.constant 0 : i32
      %add3A_420 = arith.addi %mul3A_4, %add3A_419 : i32
      %dma_start3A_421 = arith.constant 4 : i32
      %dma_start3A_422 = arith.constant 32 : i32
      %dma_start3A_423 = arith.constant 0 : i32
      %dma_start3A_424 = tpu.memref_slice %arg11[%dma_start3A_422, %dma_start3A_423] : memref<64x513xf32, #tpu.memory_space<vmem>> -> memref<8x128xf32, #tpu.memory_space<vmem>>
      %dma_start3A_425 = arith.constant 0 : i32
      %dma_start3A_426 = arith.constant 0 : i32
      %dma_start3A_427 = tpu.memref_slice %arg6[%scan3A_9, %dma_start3A_421, %add3A_420, %dma_start3A_425, %dma_start3A_426] : memref<200x8x128x8x128xf32, #tpu.memory_space<hbm>> -> memref<1x1x1x8x128xf32, #tpu.memory_space<hbm>>
      %dma_start3A_428 = tpu.memref_squeeze %dma_start3A_427 : memref<1x1x1x8x128xf32, #tpu.memory_space<hbm>> -> memref<8x128xf32, #tpu.memory_space<hbm>>
      %dma_start3A_429 = arith.constant 0 : i32
      %dma_start3A_430 = arith.constant 0 : i32
      %dma_start3A_431 = tpu.memref_slice %arg6[%scan3A_9, %dma_start3A_421, %add3A_420, %dma_start3A_429, %dma_start3A_430] : memref<200x8x128x8x128xf32, #tpu.memory_space<hbm>> -> memref<1x1x1x8x128xf32, #tpu.memory_space<hbm>>
      %dma_start3A_432 = tpu.memref_squeeze %dma_start3A_431 : memref<1x1x1x8x128xf32, #tpu.memory_space<hbm>> -> memref<8x128xf32, #tpu.memory_space<hbm>>
      %dma_start3A_433 = arith.constant 32 : i32
      %dma_start3A_434 = arith.constant 0 : i32
      %dma_start3A_435 = tpu.memref_slice %arg11[%dma_start3A_433, %dma_start3A_434] : memref<64x513xf32, #tpu.memory_space<vmem>> -> memref<8x128xf32, #tpu.memory_space<vmem>>
      tpu.enqueue_dma source(%dma_start3A_435 : memref<8x128xf32, #tpu.memory_space<vmem>>) target(%dma_start3A_432 : memref<8x128xf32, #tpu.memory_space<hbm>>) target_semaphore(%arg13 : memref<!tpu.dma_semaphore, #tpu.memory_space<semaphore_mem>>)
      %add3A_436 = arith.constant 1 : i32
      %add3A_437 = arith.addi %mul3A_4, %add3A_436 : i32
      %dma_start3A_438 = arith.constant 4 : i32
      %dma_start3A_439 = arith.constant 32 : i32
      %dma_start3A_440 = arith.constant 128 : i32
      %dma_start3A_441 = tpu.memref_slice %arg11[%dma_start3A_439, %dma_start3A_440] : memref<64x513xf32, #tpu.memory_space<vmem>> -> memref<8x128xf32, #tpu.memory_space<vmem>>
      %dma_start3A_442 = arith.constant 0 : i32
      %dma_start3A_443 = arith.constant 0 : i32
      %dma_start3A_444 = tpu.memref_slice %arg6[%scan3A_9, %dma_start3A_438, %add3A_437, %dma_start3A_442, %dma_start3A_443] : memref<200x8x128x8x128xf32, #tpu.memory_space<hbm>> -> memref<1x1x1x8x128xf32, #tpu.memory_space<hbm>>
      %dma_start3A_445 = tpu.memref_squeeze %dma_start3A_444 : memref<1x1x1x8x128xf32, #tpu.memory_space<hbm>> -> memref<8x128xf32, #tpu.memory_space<hbm>>
      %dma_start3A_446 = arith.constant 0 : i32
      %dma_start3A_447 = arith.constant 0 : i32
      %dma_start3A_448 = tpu.memref_slice %arg6[%scan3A_9, %dma_start3A_438, %add3A_437, %dma_start3A_446, %dma_start3A_447] : memref<200x8x128x8x128xf32, #tpu.memory_space<hbm>> -> memref<1x1x1x8x128xf32, #tpu.memory_space<hbm>>
      %dma_start3A_449 = tpu.memref_squeeze %dma_start3A_448 : memref<1x1x1x8x128xf32, #tpu.memory_space<hbm>> -> memref<8x128xf32, #tpu.memory_space<hbm>>
      %dma_start3A_450 = arith.constant 32 : i32
      %dma_start3A_451 = arith.constant 128 : i32
      %dma_start3A_452 = tpu.memref_slice %arg11[%dma_start3A_450, %dma_start3A_451] : memref<64x513xf32, #tpu.memory_space<vmem>> -> memref<8x128xf32, #tpu.memory_space<vmem>>
      tpu.enqueue_dma source(%dma_start3A_452 : memref<8x128xf32, #tpu.memory_space<vmem>>) target(%dma_start3A_449 : memref<8x128xf32, #tpu.memory_space<hbm>>) target_semaphore(%arg13 : memref<!tpu.dma_semaphore, #tpu.memory_space<semaphore_mem>>)
      %add3A_453 = arith.constant 2 : i32
      %add3A_454 = arith.addi %mul3A_4, %add3A_453 : i32
      %dma_start3A_455 = arith.constant 4 : i32
      %dma_start3A_456 = arith.constant 32 : i32
      %dma_start3A_457 = arith.constant 256 : i32
      %dma_start3A_458 = tpu.memref_slice %arg11[%dma_start3A_456, %dma_start3A_457] : memref<64x513xf32, #tpu.memory_space<vmem>> -> memref<8x128xf32, #tpu.memory_space<vmem>>
      %dma_start3A_459 = arith.constant 0 : i32
      %dma_start3A_460 = arith.constant 0 : i32
      %dma_start3A_461 = tpu.memref_slice %arg6[%scan3A_9, %dma_start3A_455, %add3A_454, %dma_start3A_459, %dma_start3A_460] : memref<200x8x128x8x128xf32, #tpu.memory_space<hbm>> -> memref<1x1x1x8x128xf32, #tpu.memory_space<hbm>>
      %dma_start3A_462 = tpu.memref_squeeze %dma_start3A_461 : memref<1x1x1x8x128xf32, #tpu.memory_space<hbm>> -> memref<8x128xf32, #tpu.memory_space<hbm>>
      %dma_start3A_463 = arith.constant 0 : i32
      %dma_start3A_464 = arith.constant 0 : i32
      %dma_start3A_465 = tpu.memref_slice %arg6[%scan3A_9, %dma_start3A_455, %add3A_454, %dma_start3A_463, %dma_start3A_464] : memref<200x8x128x8x128xf32, #tpu.memory_space<hbm>> -> memref<1x1x1x8x128xf32, #tpu.memory_space<hbm>>
      %dma_start3A_466 = tpu.memref_squeeze %dma_start3A_465 : memref<1x1x1x8x128xf32, #tpu.memory_space<hbm>> -> memref<8x128xf32, #tpu.memory_space<hbm>>
      %dma_start3A_467 = arith.constant 32 : i32
      %dma_start3A_468 = arith.constant 256 : i32
      %dma_start3A_469 = tpu.memref_slice %arg11[%dma_start3A_467, %dma_start3A_468] : memref<64x513xf32, #tpu.memory_space<vmem>> -> memref<8x128xf32, #tpu.memory_space<vmem>>
      tpu.enqueue_dma source(%dma_start3A_469 : memref<8x128xf32, #tpu.memory_space<vmem>>) target(%dma_start3A_466 : memref<8x128xf32, #tpu.memory_space<hbm>>) target_semaphore(%arg13 : memref<!tpu.dma_semaphore, #tpu.memory_space<semaphore_mem>>)
      %add3A_470 = arith.constant 3 : i32
      %add3A_471 = arith.addi %mul3A_4, %add3A_470 : i32
      %dma_start3A_472 = arith.constant 4 : i32
      %dma_start3A_473 = arith.constant 32 : i32
      %dma_start3A_474 = arith.constant 384 : i32
      %dma_start3A_475 = tpu.memref_slice %arg11[%dma_start3A_473, %dma_start3A_474] : memref<64x513xf32, #tpu.memory_space<vmem>> -> memref<8x128xf32, #tpu.memory_space<vmem>>
      %dma_start3A_476 = arith.constant 0 : i32
      %dma_start3A_477 = arith.constant 0 : i32
      %dma_start3A_478 = tpu.memref_slice %arg6[%scan3A_9, %dma_start3A_472, %add3A_471, %dma_start3A_476, %dma_start3A_477] : memref<200x8x128x8x128xf32, #tpu.memory_space<hbm>> -> memref<1x1x1x8x128xf32, #tpu.memory_space<hbm>>
      %dma_start3A_479 = tpu.memref_squeeze %dma_start3A_478 : memref<1x1x1x8x128xf32, #tpu.memory_space<hbm>> -> memref<8x128xf32, #tpu.memory_space<hbm>>
      %dma_start3A_480 = arith.constant 0 : i32
      %dma_start3A_481 = arith.constant 0 : i32
      %dma_start3A_482 = tpu.memref_slice %arg6[%scan3A_9, %dma_start3A_472, %add3A_471, %dma_start3A_480, %dma_start3A_481] : memref<200x8x128x8x128xf32, #tpu.memory_space<hbm>> -> memref<1x1x1x8x128xf32, #tpu.memory_space<hbm>>
      %dma_start3A_483 = tpu.memref_squeeze %dma_start3A_482 : memref<1x1x1x8x128xf32, #tpu.memory_space<hbm>> -> memref<8x128xf32, #tpu.memory_space<hbm>>
      %dma_start3A_484 = arith.constant 32 : i32
      %dma_start3A_485 = arith.constant 384 : i32
      %dma_start3A_486 = tpu.memref_slice %arg11[%dma_start3A_484, %dma_start3A_485] : memref<64x513xf32, #tpu.memory_space<vmem>> -> memref<8x128xf32, #tpu.memory_space<vmem>>
      tpu.enqueue_dma source(%dma_start3A_486 : memref<8x128xf32, #tpu.memory_space<vmem>>) target(%dma_start3A_483 : memref<8x128xf32, #tpu.memory_space<hbm>>) target_semaphore(%arg13 : memref<!tpu.dma_semaphore, #tpu.memory_space<semaphore_mem>>)
      %add3A_487 = arith.constant 0 : i32
      %add3A_488 = arith.addi %mul3A_4, %add3A_487 : i32
      %dma_start3A_489 = arith.constant 5 : i32
      %dma_start3A_490 = arith.constant 40 : i32
      %dma_start3A_491 = arith.constant 0 : i32
      %dma_start3A_492 = tpu.memref_slice %arg11[%dma_start3A_490, %dma_start3A_491] : memref<64x513xf32, #tpu.memory_space<vmem>> -> memref<8x128xf32, #tpu.memory_space<vmem>>
      %dma_start3A_493 = arith.constant 0 : i32
      %dma_start3A_494 = arith.constant 0 : i32
      %dma_start3A_495 = tpu.memref_slice %arg6[%scan3A_9, %dma_start3A_489, %add3A_488, %dma_start3A_493, %dma_start3A_494] : memref<200x8x128x8x128xf32, #tpu.memory_space<hbm>> -> memref<1x1x1x8x128xf32, #tpu.memory_space<hbm>>
      %dma_start3A_496 = tpu.memref_squeeze %dma_start3A_495 : memref<1x1x1x8x128xf32, #tpu.memory_space<hbm>> -> memref<8x128xf32, #tpu.memory_space<hbm>>
      %dma_start3A_497 = arith.constant 0 : i32
      %dma_start3A_498 = arith.constant 0 : i32
      %dma_start3A_499 = tpu.memref_slice %arg6[%scan3A_9, %dma_start3A_489, %add3A_488, %dma_start3A_497, %dma_start3A_498] : memref<200x8x128x8x128xf32, #tpu.memory_space<hbm>> -> memref<1x1x1x8x128xf32, #tpu.memory_space<hbm>>
      %dma_start3A_500 = tpu.memref_squeeze %dma_start3A_499 : memref<1x1x1x8x128xf32, #tpu.memory_space<hbm>> -> memref<8x128xf32, #tpu.memory_space<hbm>>
      %dma_start3A_501 = arith.constant 40 : i32
      %dma_start3A_502 = arith.constant 0 : i32
      %dma_start3A_503 = tpu.memref_slice %arg11[%dma_start3A_501, %dma_start3A_502] : memref<64x513xf32, #tpu.memory_space<vmem>> -> memref<8x128xf32, #tpu.memory_space<vmem>>
      tpu.enqueue_dma source(%dma_start3A_503 : memref<8x128xf32, #tpu.memory_space<vmem>>) target(%dma_start3A_500 : memref<8x128xf32, #tpu.memory_space<hbm>>) target_semaphore(%arg13 : memref<!tpu.dma_semaphore, #tpu.memory_space<semaphore_mem>>)
      %add3A_504 = arith.constant 1 : i32
      %add3A_505 = arith.addi %mul3A_4, %add3A_504 : i32
      %dma_start3A_506 = arith.constant 5 : i32
      %dma_start3A_507 = arith.constant 40 : i32
      %dma_start3A_508 = arith.constant 128 : i32
      %dma_start3A_509 = tpu.memref_slice %arg11[%dma_start3A_507, %dma_start3A_508] : memref<64x513xf32, #tpu.memory_space<vmem>> -> memref<8x128xf32, #tpu.memory_space<vmem>>
      %dma_start3A_510 = arith.constant 0 : i32
      %dma_start3A_511 = arith.constant 0 : i32
      %dma_start3A_512 = tpu.memref_slice %arg6[%scan3A_9, %dma_start3A_506, %add3A_505, %dma_start3A_510, %dma_start3A_511] : memref<200x8x128x8x128xf32, #tpu.memory_space<hbm>> -> memref<1x1x1x8x128xf32, #tpu.memory_space<hbm>>
      %dma_start3A_513 = tpu.memref_squeeze %dma_start3A_512 : memref<1x1x1x8x128xf32, #tpu.memory_space<hbm>> -> memref<8x128xf32, #tpu.memory_space<hbm>>
      %dma_start3A_514 = arith.constant 0 : i32
      %dma_start3A_515 = arith.constant 0 : i32
      %dma_start3A_516 = tpu.memref_slice %arg6[%scan3A_9, %dma_start3A_506, %add3A_505, %dma_start3A_514, %dma_start3A_515] : memref<200x8x128x8x128xf32, #tpu.memory_space<hbm>> -> memref<1x1x1x8x128xf32, #tpu.memory_space<hbm>>
      %dma_start3A_517 = tpu.memref_squeeze %dma_start3A_516 : memref<1x1x1x8x128xf32, #tpu.memory_space<hbm>> -> memref<8x128xf32, #tpu.memory_space<hbm>>
      %dma_start3A_518 = arith.constant 40 : i32
      %dma_start3A_519 = arith.constant 128 : i32
      %dma_start3A_520 = tpu.memref_slice %arg11[%dma_start3A_518, %dma_start3A_519] : memref<64x513xf32, #tpu.memory_space<vmem>> -> memref<8x128xf32, #tpu.memory_space<vmem>>
      tpu.enqueue_dma source(%dma_start3A_520 : memref<8x128xf32, #tpu.memory_space<vmem>>) target(%dma_start3A_517 : memref<8x128xf32, #tpu.memory_space<hbm>>) target_semaphore(%arg13 : memref<!tpu.dma_semaphore, #tpu.memory_space<semaphore_mem>>)
      %add3A_521 = arith.constant 2 : i32
      %add3A_522 = arith.addi %mul3A_4, %add3A_521 : i32
      %dma_start3A_523 = arith.constant 5 : i32
      %dma_start3A_524 = arith.constant 40 : i32
      %dma_start3A_525 = arith.constant 256 : i32
      %dma_start3A_526 = tpu.memref_slice %arg11[%dma_start3A_524, %dma_start3A_525] : memref<64x513xf32, #tpu.memory_space<vmem>> -> memref<8x128xf32, #tpu.memory_space<vmem>>
      %dma_start3A_527 = arith.constant 0 : i32
      %dma_start3A_528 = arith.constant 0 : i32
      %dma_start3A_529 = tpu.memref_slice %arg6[%scan3A_9, %dma_start3A_523, %add3A_522, %dma_start3A_527, %dma_start3A_528] : memref<200x8x128x8x128xf32, #tpu.memory_space<hbm>> -> memref<1x1x1x8x128xf32, #tpu.memory_space<hbm>>
      %dma_start3A_530 = tpu.memref_squeeze %dma_start3A_529 : memref<1x1x1x8x128xf32, #tpu.memory_space<hbm>> -> memref<8x128xf32, #tpu.memory_space<hbm>>
      %dma_start3A_531 = arith.constant 0 : i32
      %dma_start3A_532 = arith.constant 0 : i32
      %dma_start3A_533 = tpu.memref_slice %arg6[%scan3A_9, %dma_start3A_523, %add3A_522, %dma_start3A_531, %dma_start3A_532] : memref<200x8x128x8x128xf32, #tpu.memory_space<hbm>> -> memref<1x1x1x8x128xf32, #tpu.memory_space<hbm>>
      %dma_start3A_534 = tpu.memref_squeeze %dma_start3A_533 : memref<1x1x1x8x128xf32, #tpu.memory_space<hbm>> -> memref<8x128xf32, #tpu.memory_space<hbm>>
      %dma_start3A_535 = arith.constant 40 : i32
      %dma_start3A_536 = arith.constant 256 : i32
      %dma_start3A_537 = tpu.memref_slice %arg11[%dma_start3A_535, %dma_start3A_536] : memref<64x513xf32, #tpu.memory_space<vmem>> -> memref<8x128xf32, #tpu.memory_space<vmem>>
      tpu.enqueue_dma source(%dma_start3A_537 : memref<8x128xf32, #tpu.memory_space<vmem>>) target(%dma_start3A_534 : memref<8x128xf32, #tpu.memory_space<hbm>>) target_semaphore(%arg13 : memref<!tpu.dma_semaphore, #tpu.memory_space<semaphore_mem>>)
      %add3A_538 = arith.constant 3 : i32
      %add3A_539 = arith.addi %mul3A_4, %add3A_538 : i32
      %dma_start3A_540 = arith.constant 5 : i32
      %dma_start3A_541 = arith.constant 40 : i32
      %dma_start3A_542 = arith.constant 384 : i32
      %dma_start3A_543 = tpu.memref_slice %arg11[%dma_start3A_541, %dma_start3A_542] : memref<64x513xf32, #tpu.memory_space<vmem>> -> memref<8x128xf32, #tpu.memory_space<vmem>>
      %dma_start3A_544 = arith.constant 0 : i32
      %dma_start3A_545 = arith.constant 0 : i32
      %dma_start3A_546 = tpu.memref_slice %arg6[%scan3A_9, %dma_start3A_540, %add3A_539, %dma_start3A_544, %dma_start3A_545] : memref<200x8x128x8x128xf32, #tpu.memory_space<hbm>> -> memref<1x1x1x8x128xf32, #tpu.memory_space<hbm>>
      %dma_start3A_547 = tpu.memref_squeeze %dma_start3A_546 : memref<1x1x1x8x128xf32, #tpu.memory_space<hbm>> -> memref<8x128xf32, #tpu.memory_space<hbm>>
      %dma_start3A_548 = arith.constant 0 : i32
      %dma_start3A_549 = arith.constant 0 : i32
      %dma_start3A_550 = tpu.memref_slice %arg6[%scan3A_9, %dma_start3A_540, %add3A_539, %dma_start3A_548, %dma_start3A_549] : memref<200x8x128x8x128xf32, #tpu.memory_space<hbm>> -> memref<1x1x1x8x128xf32, #tpu.memory_space<hbm>>
      %dma_start3A_551 = tpu.memref_squeeze %dma_start3A_550 : memref<1x1x1x8x128xf32, #tpu.memory_space<hbm>> -> memref<8x128xf32, #tpu.memory_space<hbm>>
      %dma_start3A_552 = arith.constant 40 : i32
      %dma_start3A_553 = arith.constant 384 : i32
      %dma_start3A_554 = tpu.memref_slice %arg11[%dma_start3A_552, %dma_start3A_553] : memref<64x513xf32, #tpu.memory_space<vmem>> -> memref<8x128xf32, #tpu.memory_space<vmem>>
      tpu.enqueue_dma source(%dma_start3A_554 : memref<8x128xf32, #tpu.memory_space<vmem>>) target(%dma_start3A_551 : memref<8x128xf32, #tpu.memory_space<hbm>>) target_semaphore(%arg13 : memref<!tpu.dma_semaphore, #tpu.memory_space<semaphore_mem>>)
      %add3A_555 = arith.constant 0 : i32
      %add3A_556 = arith.addi %mul3A_4, %add3A_555 : i32
      %dma_start3A_557 = arith.constant 6 : i32
      %dma_start3A_558 = arith.constant 48 : i32
      %dma_start3A_559 = arith.constant 0 : i32
      %dma_start3A_560 = tpu.memref_slice %arg11[%dma_start3A_558, %dma_start3A_559] : memref<64x513xf32, #tpu.memory_space<vmem>> -> memref<8x128xf32, #tpu.memory_space<vmem>>
      %dma_start3A_561 = arith.constant 0 : i32
      %dma_start3A_562 = arith.constant 0 : i32
      %dma_start3A_563 = tpu.memref_slice %arg6[%scan3A_9, %dma_start3A_557, %add3A_556, %dma_start3A_561, %dma_start3A_562] : memref<200x8x128x8x128xf32, #tpu.memory_space<hbm>> -> memref<1x1x1x8x128xf32, #tpu.memory_space<hbm>>
      %dma_start3A_564 = tpu.memref_squeeze %dma_start3A_563 : memref<1x1x1x8x128xf32, #tpu.memory_space<hbm>> -> memref<8x128xf32, #tpu.memory_space<hbm>>
      %dma_start3A_565 = arith.constant 0 : i32
      %dma_start3A_566 = arith.constant 0 : i32
      %dma_start3A_567 = tpu.memref_slice %arg6[%scan3A_9, %dma_start3A_557, %add3A_556, %dma_start3A_565, %dma_start3A_566] : memref<200x8x128x8x128xf32, #tpu.memory_space<hbm>> -> memref<1x1x1x8x128xf32, #tpu.memory_space<hbm>>
      %dma_start3A_568 = tpu.memref_squeeze %dma_start3A_567 : memref<1x1x1x8x128xf32, #tpu.memory_space<hbm>> -> memref<8x128xf32, #tpu.memory_space<hbm>>
      %dma_start3A_569 = arith.constant 48 : i32
      %dma_start3A_570 = arith.constant 0 : i32
      %dma_start3A_571 = tpu.memref_slice %arg11[%dma_start3A_569, %dma_start3A_570] : memref<64x513xf32, #tpu.memory_space<vmem>> -> memref<8x128xf32, #tpu.memory_space<vmem>>
      tpu.enqueue_dma source(%dma_start3A_571 : memref<8x128xf32, #tpu.memory_space<vmem>>) target(%dma_start3A_568 : memref<8x128xf32, #tpu.memory_space<hbm>>) target_semaphore(%arg13 : memref<!tpu.dma_semaphore, #tpu.memory_space<semaphore_mem>>)
      %add3A_572 = arith.constant 1 : i32
      %add3A_573 = arith.addi %mul3A_4, %add3A_572 : i32
      %dma_start3A_574 = arith.constant 6 : i32
      %dma_start3A_575 = arith.constant 48 : i32
      %dma_start3A_576 = arith.constant 128 : i32
      %dma_start3A_577 = tpu.memref_slice %arg11[%dma_start3A_575, %dma_start3A_576] : memref<64x513xf32, #tpu.memory_space<vmem>> -> memref<8x128xf32, #tpu.memory_space<vmem>>
      %dma_start3A_578 = arith.constant 0 : i32
      %dma_start3A_579 = arith.constant 0 : i32
      %dma_start3A_580 = tpu.memref_slice %arg6[%scan3A_9, %dma_start3A_574, %add3A_573, %dma_start3A_578, %dma_start3A_579] : memref<200x8x128x8x128xf32, #tpu.memory_space<hbm>> -> memref<1x1x1x8x128xf32, #tpu.memory_space<hbm>>
      %dma_start3A_581 = tpu.memref_squeeze %dma_start3A_580 : memref<1x1x1x8x128xf32, #tpu.memory_space<hbm>> -> memref<8x128xf32, #tpu.memory_space<hbm>>
      %dma_start3A_582 = arith.constant 0 : i32
      %dma_start3A_583 = arith.constant 0 : i32
      %dma_start3A_584 = tpu.memref_slice %arg6[%scan3A_9, %dma_start3A_574, %add3A_573, %dma_start3A_582, %dma_start3A_583] : memref<200x8x128x8x128xf32, #tpu.memory_space<hbm>> -> memref<1x1x1x8x128xf32, #tpu.memory_space<hbm>>
      %dma_start3A_585 = tpu.memref_squeeze %dma_start3A_584 : memref<1x1x1x8x128xf32, #tpu.memory_space<hbm>> -> memref<8x128xf32, #tpu.memory_space<hbm>>
      %dma_start3A_586 = arith.constant 48 : i32
      %dma_start3A_587 = arith.constant 128 : i32
      %dma_start3A_588 = tpu.memref_slice %arg11[%dma_start3A_586, %dma_start3A_587] : memref<64x513xf32, #tpu.memory_space<vmem>> -> memref<8x128xf32, #tpu.memory_space<vmem>>
      tpu.enqueue_dma source(%dma_start3A_588 : memref<8x128xf32, #tpu.memory_space<vmem>>) target(%dma_start3A_585 : memref<8x128xf32, #tpu.memory_space<hbm>>) target_semaphore(%arg13 : memref<!tpu.dma_semaphore, #tpu.memory_space<semaphore_mem>>)
      %add3A_589 = arith.constant 2 : i32
      %add3A_590 = arith.addi %mul3A_4, %add3A_589 : i32
      %dma_start3A_591 = arith.constant 6 : i32
      %dma_start3A_592 = arith.constant 48 : i32
      %dma_start3A_593 = arith.constant 256 : i32
      %dma_start3A_594 = tpu.memref_slice %arg11[%dma_start3A_592, %dma_start3A_593] : memref<64x513xf32, #tpu.memory_space<vmem>> -> memref<8x128xf32, #tpu.memory_space<vmem>>
      %dma_start3A_595 = arith.constant 0 : i32
      %dma_start3A_596 = arith.constant 0 : i32
      %dma_start3A_597 = tpu.memref_slice %arg6[%scan3A_9, %dma_start3A_591, %add3A_590, %dma_start3A_595, %dma_start3A_596] : memref<200x8x128x8x128xf32, #tpu.memory_space<hbm>> -> memref<1x1x1x8x128xf32, #tpu.memory_space<hbm>>
      %dma_start3A_598 = tpu.memref_squeeze %dma_start3A_597 : memref<1x1x1x8x128xf32, #tpu.memory_space<hbm>> -> memref<8x128xf32, #tpu.memory_space<hbm>>
      %dma_start3A_599 = arith.constant 0 : i32
      %dma_start3A_600 = arith.constant 0 : i32
      %dma_start3A_601 = tpu.memref_slice %arg6[%scan3A_9, %dma_start3A_591, %add3A_590, %dma_start3A_599, %dma_start3A_600] : memref<200x8x128x8x128xf32, #tpu.memory_space<hbm>> -> memref<1x1x1x8x128xf32, #tpu.memory_space<hbm>>
      %dma_start3A_602 = tpu.memref_squeeze %dma_start3A_601 : memref<1x1x1x8x128xf32, #tpu.memory_space<hbm>> -> memref<8x128xf32, #tpu.memory_space<hbm>>
      %dma_start3A_603 = arith.constant 48 : i32
      %dma_start3A_604 = arith.constant 256 : i32
      %dma_start3A_605 = tpu.memref_slice %arg11[%dma_start3A_603, %dma_start3A_604] : memref<64x513xf32, #tpu.memory_space<vmem>> -> memref<8x128xf32, #tpu.memory_space<vmem>>
      tpu.enqueue_dma source(%dma_start3A_605 : memref<8x128xf32, #tpu.memory_space<vmem>>) target(%dma_start3A_602 : memref<8x128xf32, #tpu.memory_space<hbm>>) target_semaphore(%arg13 : memref<!tpu.dma_semaphore, #tpu.memory_space<semaphore_mem>>)
      %add3A_606 = arith.constant 3 : i32
      %add3A_607 = arith.addi %mul3A_4, %add3A_606 : i32
      %dma_start3A_608 = arith.constant 6 : i32
      %dma_start3A_609 = arith.constant 48 : i32
      %dma_start3A_610 = arith.constant 384 : i32
      %dma_start3A_611 = tpu.memref_slice %arg11[%dma_start3A_609, %dma_start3A_610] : memref<64x513xf32, #tpu.memory_space<vmem>> -> memref<8x128xf32, #tpu.memory_space<vmem>>
      %dma_start3A_612 = arith.constant 0 : i32
      %dma_start3A_613 = arith.constant 0 : i32
      %dma_start3A_614 = tpu.memref_slice %arg6[%scan3A_9, %dma_start3A_608, %add3A_607, %dma_start3A_612, %dma_start3A_613] : memref<200x8x128x8x128xf32, #tpu.memory_space<hbm>> -> memref<1x1x1x8x128xf32, #tpu.memory_space<hbm>>
      %dma_start3A_615 = tpu.memref_squeeze %dma_start3A_614 : memref<1x1x1x8x128xf32, #tpu.memory_space<hbm>> -> memref<8x128xf32, #tpu.memory_space<hbm>>
      %dma_start3A_616 = arith.constant 0 : i32
      %dma_start3A_617 = arith.constant 0 : i32
      %dma_start3A_618 = tpu.memref_slice %arg6[%scan3A_9, %dma_start3A_608, %add3A_607, %dma_start3A_616, %dma_start3A_617] : memref<200x8x128x8x128xf32, #tpu.memory_space<hbm>> -> memref<1x1x1x8x128xf32, #tpu.memory_space<hbm>>
      %dma_start3A_619 = tpu.memref_squeeze %dma_start3A_618 : memref<1x1x1x8x128xf32, #tpu.memory_space<hbm>> -> memref<8x128xf32, #tpu.memory_space<hbm>>
      %dma_start3A_620 = arith.constant 48 : i32
      %dma_start3A_621 = arith.constant 384 : i32
      %dma_start3A_622 = tpu.memref_slice %arg11[%dma_start3A_620, %dma_start3A_621] : memref<64x513xf32, #tpu.memory_space<vmem>> -> memref<8x128xf32, #tpu.memory_space<vmem>>
      tpu.enqueue_dma source(%dma_start3A_622 : memref<8x128xf32, #tpu.memory_space<vmem>>) target(%dma_start3A_619 : memref<8x128xf32, #tpu.memory_space<hbm>>) target_semaphore(%arg13 : memref<!tpu.dma_semaphore, #tpu.memory_space<semaphore_mem>>)
      %add3A_623 = arith.constant 0 : i32
      %add3A_624 = arith.addi %mul3A_4, %add3A_623 : i32
      %dma_start3A_625 = arith.constant 7 : i32
      %dma_start3A_626 = arith.constant 56 : i32
      %dma_start3A_627 = arith.constant 0 : i32
      %dma_start3A_628 = tpu.memref_slice %arg11[%dma_start3A_626, %dma_start3A_627] : memref<64x513xf32, #tpu.memory_space<vmem>> -> memref<8x128xf32, #tpu.memory_space<vmem>>
      %dma_start3A_629 = arith.constant 0 : i32
      %dma_start3A_630 = arith.constant 0 : i32
      %dma_start3A_631 = tpu.memref_slice %arg6[%scan3A_9, %dma_start3A_625, %add3A_624, %dma_start3A_629, %dma_start3A_630] : memref<200x8x128x8x128xf32, #tpu.memory_space<hbm>> -> memref<1x1x1x8x128xf32, #tpu.memory_space<hbm>>
      %dma_start3A_632 = tpu.memref_squeeze %dma_start3A_631 : memref<1x1x1x8x128xf32, #tpu.memory_space<hbm>> -> memref<8x128xf32, #tpu.memory_space<hbm>>
      %dma_start3A_633 = arith.constant 0 : i32
      %dma_start3A_634 = arith.constant 0 : i32
      %dma_start3A_635 = tpu.memref_slice %arg6[%scan3A_9, %dma_start3A_625, %add3A_624, %dma_start3A_633, %dma_start3A_634] : memref<200x8x128x8x128xf32, #tpu.memory_space<hbm>> -> memref<1x1x1x8x128xf32, #tpu.memory_space<hbm>>
      %dma_start3A_636 = tpu.memref_squeeze %dma_start3A_635 : memref<1x1x1x8x128xf32, #tpu.memory_space<hbm>> -> memref<8x128xf32, #tpu.memory_space<hbm>>
      %dma_start3A_637 = arith.constant 56 : i32
      %dma_start3A_638 = arith.constant 0 : i32
      %dma_start3A_639 = tpu.memref_slice %arg11[%dma_start3A_637, %dma_start3A_638] : memref<64x513xf32, #tpu.memory_space<vmem>> -> memref<8x128xf32, #tpu.memory_space<vmem>>
      tpu.enqueue_dma source(%dma_start3A_639 : memref<8x128xf32, #tpu.memory_space<vmem>>) target(%dma_start3A_636 : memref<8x128xf32, #tpu.memory_space<hbm>>) target_semaphore(%arg13 : memref<!tpu.dma_semaphore, #tpu.memory_space<semaphore_mem>>)
      %add3A_640 = arith.constant 1 : i32
      %add3A_641 = arith.addi %mul3A_4, %add3A_640 : i32
      %dma_start3A_642 = arith.constant 7 : i32
      %dma_start3A_643 = arith.constant 56 : i32
      %dma_start3A_644 = arith.constant 128 : i32
      %dma_start3A_645 = tpu.memref_slice %arg11[%dma_start3A_643, %dma_start3A_644] : memref<64x513xf32, #tpu.memory_space<vmem>> -> memref<8x128xf32, #tpu.memory_space<vmem>>
      %dma_start3A_646 = arith.constant 0 : i32
      %dma_start3A_647 = arith.constant 0 : i32
      %dma_start3A_648 = tpu.memref_slice %arg6[%scan3A_9, %dma_start3A_642, %add3A_641, %dma_start3A_646, %dma_start3A_647] : memref<200x8x128x8x128xf32, #tpu.memory_space<hbm>> -> memref<1x1x1x8x128xf32, #tpu.memory_space<hbm>>
      %dma_start3A_649 = tpu.memref_squeeze %dma_start3A_648 : memref<1x1x1x8x128xf32, #tpu.memory_space<hbm>> -> memref<8x128xf32, #tpu.memory_space<hbm>>
      %dma_start3A_650 = arith.constant 0 : i32
      %dma_start3A_651 = arith.constant 0 : i32
      %dma_start3A_652 = tpu.memref_slice %arg6[%scan3A_9, %dma_start3A_642, %add3A_641, %dma_start3A_650, %dma_start3A_651] : memref<200x8x128x8x128xf32, #tpu.memory_space<hbm>> -> memref<1x1x1x8x128xf32, #tpu.memory_space<hbm>>
      %dma_start3A_653 = tpu.memref_squeeze %dma_start3A_652 : memref<1x1x1x8x128xf32, #tpu.memory_space<hbm>> -> memref<8x128xf32, #tpu.memory_space<hbm>>
      %dma_start3A_654 = arith.constant 56 : i32
      %dma_start3A_655 = arith.constant 128 : i32
      %dma_start3A_656 = tpu.memref_slice %arg11[%dma_start3A_654, %dma_start3A_655] : memref<64x513xf32, #tpu.memory_space<vmem>> -> memref<8x128xf32, #tpu.memory_space<vmem>>
      tpu.enqueue_dma source(%dma_start3A_656 : memref<8x128xf32, #tpu.memory_space<vmem>>) target(%dma_start3A_653 : memref<8x128xf32, #tpu.memory_space<hbm>>) target_semaphore(%arg13 : memref<!tpu.dma_semaphore, #tpu.memory_space<semaphore_mem>>)
      %add3A_657 = arith.constant 2 : i32
      %add3A_658 = arith.addi %mul3A_4, %add3A_657 : i32
      %dma_start3A_659 = arith.constant 7 : i32
      %dma_start3A_660 = arith.constant 56 : i32
      %dma_start3A_661 = arith.constant 256 : i32
      %dma_start3A_662 = tpu.memref_slice %arg11[%dma_start3A_660, %dma_start3A_661] : memref<64x513xf32, #tpu.memory_space<vmem>> -> memref<8x128xf32, #tpu.memory_space<vmem>>
      %dma_start3A_663 = arith.constant 0 : i32
      %dma_start3A_664 = arith.constant 0 : i32
      %dma_start3A_665 = tpu.memref_slice %arg6[%scan3A_9, %dma_start3A_659, %add3A_658, %dma_start3A_663, %dma_start3A_664] : memref<200x8x128x8x128xf32, #tpu.memory_space<hbm>> -> memref<1x1x1x8x128xf32, #tpu.memory_space<hbm>>
      %dma_start3A_666 = tpu.memref_squeeze %dma_start3A_665 : memref<1x1x1x8x128xf32, #tpu.memory_space<hbm>> -> memref<8x128xf32, #tpu.memory_space<hbm>>
      %dma_start3A_667 = arith.constant 0 : i32
      %dma_start3A_668 = arith.constant 0 : i32
      %dma_start3A_669 = tpu.memref_slice %arg6[%scan3A_9, %dma_start3A_659, %add3A_658, %dma_start3A_667, %dma_start3A_668] : memref<200x8x128x8x128xf32, #tpu.memory_space<hbm>> -> memref<1x1x1x8x128xf32, #tpu.memory_space<hbm>>
      %dma_start3A_670 = tpu.memref_squeeze %dma_start3A_669 : memref<1x1x1x8x128xf32, #tpu.memory_space<hbm>> -> memref<8x128xf32, #tpu.memory_space<hbm>>
      %dma_start3A_671 = arith.constant 56 : i32
      %dma_start3A_672 = arith.constant 256 : i32
      %dma_start3A_673 = tpu.memref_slice %arg11[%dma_start3A_671, %dma_start3A_672] : memref<64x513xf32, #tpu.memory_space<vmem>> -> memref<8x128xf32, #tpu.memory_space<vmem>>
      tpu.enqueue_dma source(%dma_start3A_673 : memref<8x128xf32, #tpu.memory_space<vmem>>) target(%dma_start3A_670 : memref<8x128xf32, #tpu.memory_space<hbm>>) target_semaphore(%arg13 : memref<!tpu.dma_semaphore, #tpu.memory_space<semaphore_mem>>)
      %add3A_674 = arith.constant 3 : i32
      %add3A_675 = arith.addi %mul3A_4, %add3A_674 : i32
      %dma_start3A_676 = arith.constant 7 : i32
      %dma_start3A_677 = arith.constant 56 : i32
      %dma_start3A_678 = arith.constant 384 : i32
      %dma_start3A_679 = tpu.memref_slice %arg11[%dma_start3A_677, %dma_start3A_678] : memref<64x513xf32, #tpu.memory_space<vmem>> -> memref<8x128xf32, #tpu.memory_space<vmem>>
      %dma_start3A_680 = arith.constant 0 : i32
      %dma_start3A_681 = arith.constant 0 : i32
      %dma_start3A_682 = tpu.memref_slice %arg6[%scan3A_9, %dma_start3A_676, %add3A_675, %dma_start3A_680, %dma_start3A_681] : memref<200x8x128x8x128xf32, #tpu.memory_space<hbm>> -> memref<1x1x1x8x128xf32, #tpu.memory_space<hbm>>
      %dma_start3A_683 = tpu.memref_squeeze %dma_start3A_682 : memref<1x1x1x8x128xf32, #tpu.memory_space<hbm>> -> memref<8x128xf32, #tpu.memory_space<hbm>>
      %dma_start3A_684 = arith.constant 0 : i32
      %dma_start3A_685 = arith.constant 0 : i32
      %dma_start3A_686 = tpu.memref_slice %arg6[%scan3A_9, %dma_start3A_676, %add3A_675, %dma_start3A_684, %dma_start3A_685] : memref<200x8x128x8x128xf32, #tpu.memory_space<hbm>> -> memref<1x1x1x8x128xf32, #tpu.memory_space<hbm>>
      %dma_start3A_687 = tpu.memref_squeeze %dma_start3A_686 : memref<1x1x1x8x128xf32, #tpu.memory_space<hbm>> -> memref<8x128xf32, #tpu.memory_space<hbm>>
      %dma_start3A_688 = arith.constant 56 : i32
      %dma_start3A_689 = arith.constant 384 : i32
      %dma_start3A_690 = tpu.memref_slice %arg11[%dma_start3A_688, %dma_start3A_689] : memref<64x513xf32, #tpu.memory_space<vmem>> -> memref<8x128xf32, #tpu.memory_space<vmem>>
      tpu.enqueue_dma source(%dma_start3A_690 : memref<8x128xf32, #tpu.memory_space<vmem>>) target(%dma_start3A_687 : memref<8x128xf32, #tpu.memory_space<hbm>>) target_semaphore(%arg13 : memref<!tpu.dma_semaphore, #tpu.memory_space<semaphore_mem>>)
      %dma_wait3A_691 = arith.constant 0 : i32
      %dma_wait3A_692 = arith.constant 0 : i32
      %dma_wait3A_693 = arith.constant 0 : i32
      %dma_wait3A_694 = tpu.memref_slice %arg11[%dma_wait3A_692, %dma_wait3A_693] : memref<64x513xf32, #tpu.memory_space<vmem>> -> memref<8x128xf32, #tpu.memory_space<vmem>>
      %dma_wait3A_695 = arith.constant 0 : i32
      %dma_wait3A_696 = arith.constant 0 : i32
      %dma_wait3A_697 = tpu.memref_slice %arg6[%scan3A_9, %dma_wait3A_691, %add3A_148, %dma_wait3A_695, %dma_wait3A_696] : memref<200x8x128x8x128xf32, #tpu.memory_space<hbm>> -> memref<1x1x1x8x128xf32, #tpu.memory_space<hbm>>
      %dma_wait3A_698 = tpu.memref_squeeze %dma_wait3A_697 : memref<1x1x1x8x128xf32, #tpu.memory_space<hbm>> -> memref<8x128xf32, #tpu.memory_space<hbm>>
      %dma_wait3A_699 = arith.constant 0 : i32
      %dma_wait3A_700 = arith.constant 0 : i32
      %dma_wait3A_701 = tpu.memref_slice %arg6[%scan3A_9, %dma_wait3A_691, %add3A_148, %dma_wait3A_699, %dma_wait3A_700] : memref<200x8x128x8x128xf32, #tpu.memory_space<hbm>> -> memref<1x1x1x8x128xf32, #tpu.memory_space<hbm>>
      %dma_wait3A_702 = tpu.memref_squeeze %dma_wait3A_701 : memref<1x1x1x8x128xf32, #tpu.memory_space<hbm>> -> memref<8x128xf32, #tpu.memory_space<hbm>>
      %dma_wait3A_703 = arith.constant 0 : i32
      %dma_wait3A_704 = arith.constant 0 : i32
      %dma_wait3A_705 = tpu.memref_slice %arg11[%dma_wait3A_703, %dma_wait3A_704] : memref<64x513xf32, #tpu.memory_space<vmem>> -> memref<8x128xf32, #tpu.memory_space<vmem>>
      tpu.wait_dma2 semaphore(%arg13 : memref<!tpu.dma_semaphore, #tpu.memory_space<semaphore_mem>>) src(%dma_wait3A_705 : memref<8x128xf32, #tpu.memory_space<vmem>>) dst(%dma_wait3A_702 : memref<8x128xf32, #tpu.memory_space<hbm>>)
      %dma_wait3A_706 = arith.constant 0 : i32
      %dma_wait3A_707 = arith.constant 0 : i32
      %dma_wait3A_708 = arith.constant 128 : i32
      %dma_wait3A_709 = tpu.memref_slice %arg11[%dma_wait3A_707, %dma_wait3A_708] : memref<64x513xf32, #tpu.memory_space<vmem>> -> memref<8x128xf32, #tpu.memory_space<vmem>>
      %dma_wait3A_710 = arith.constant 0 : i32
      %dma_wait3A_711 = arith.constant 0 : i32
      %dma_wait3A_712 = tpu.memref_slice %arg6[%scan3A_9, %dma_wait3A_706, %add3A_165, %dma_wait3A_710, %dma_wait3A_711] : memref<200x8x128x8x128xf32, #tpu.memory_space<hbm>> -> memref<1x1x1x8x128xf32, #tpu.memory_space<hbm>>
      %dma_wait3A_713 = tpu.memref_squeeze %dma_wait3A_712 : memref<1x1x1x8x128xf32, #tpu.memory_space<hbm>> -> memref<8x128xf32, #tpu.memory_space<hbm>>
      %dma_wait3A_714 = arith.constant 0 : i32
      %dma_wait3A_715 = arith.constant 0 : i32
      %dma_wait3A_716 = tpu.memref_slice %arg6[%scan3A_9, %dma_wait3A_706, %add3A_165, %dma_wait3A_714, %dma_wait3A_715] : memref<200x8x128x8x128xf32, #tpu.memory_space<hbm>> -> memref<1x1x1x8x128xf32, #tpu.memory_space<hbm>>
      %dma_wait3A_717 = tpu.memref_squeeze %dma_wait3A_716 : memref<1x1x1x8x128xf32, #tpu.memory_space<hbm>> -> memref<8x128xf32, #tpu.memory_space<hbm>>
      %dma_wait3A_718 = arith.constant 0 : i32
      %dma_wait3A_719 = arith.constant 128 : i32
      %dma_wait3A_720 = tpu.memref_slice %arg11[%dma_wait3A_718, %dma_wait3A_719] : memref<64x513xf32, #tpu.memory_space<vmem>> -> memref<8x128xf32, #tpu.memory_space<vmem>>
      tpu.wait_dma2 semaphore(%arg13 : memref<!tpu.dma_semaphore, #tpu.memory_space<semaphore_mem>>) src(%dma_wait3A_720 : memref<8x128xf32, #tpu.memory_space<vmem>>) dst(%dma_wait3A_717 : memref<8x128xf32, #tpu.memory_space<hbm>>)
      %dma_wait3A_721 = arith.constant 0 : i32
      %dma_wait3A_722 = arith.constant 0 : i32
      %dma_wait3A_723 = arith.constant 256 : i32
      %dma_wait3A_724 = tpu.memref_slice %arg11[%dma_wait3A_722, %dma_wait3A_723] : memref<64x513xf32, #tpu.memory_space<vmem>> -> memref<8x128xf32, #tpu.memory_space<vmem>>
      %dma_wait3A_725 = arith.constant 0 : i32
      %dma_wait3A_726 = arith.constant 0 : i32
      %dma_wait3A_727 = tpu.memref_slice %arg6[%scan3A_9, %dma_wait3A_721, %add3A_182, %dma_wait3A_725, %dma_wait3A_726] : memref<200x8x128x8x128xf32, #tpu.memory_space<hbm>> -> memref<1x1x1x8x128xf32, #tpu.memory_space<hbm>>
      %dma_wait3A_728 = tpu.memref_squeeze %dma_wait3A_727 : memref<1x1x1x8x128xf32, #tpu.memory_space<hbm>> -> memref<8x128xf32, #tpu.memory_space<hbm>>
      %dma_wait3A_729 = arith.constant 0 : i32
      %dma_wait3A_730 = arith.constant 0 : i32
      %dma_wait3A_731 = tpu.memref_slice %arg6[%scan3A_9, %dma_wait3A_721, %add3A_182, %dma_wait3A_729, %dma_wait3A_730] : memref<200x8x128x8x128xf32, #tpu.memory_space<hbm>> -> memref<1x1x1x8x128xf32, #tpu.memory_space<hbm>>
      %dma_wait3A_732 = tpu.memref_squeeze %dma_wait3A_731 : memref<1x1x1x8x128xf32, #tpu.memory_space<hbm>> -> memref<8x128xf32, #tpu.memory_space<hbm>>
      %dma_wait3A_733 = arith.constant 0 : i32
      %dma_wait3A_734 = arith.constant 256 : i32
      %dma_wait3A_735 = tpu.memref_slice %arg11[%dma_wait3A_733, %dma_wait3A_734] : memref<64x513xf32, #tpu.memory_space<vmem>> -> memref<8x128xf32, #tpu.memory_space<vmem>>
      tpu.wait_dma2 semaphore(%arg13 : memref<!tpu.dma_semaphore, #tpu.memory_space<semaphore_mem>>) src(%dma_wait3A_735 : memref<8x128xf32, #tpu.memory_space<vmem>>) dst(%dma_wait3A_732 : memref<8x128xf32, #tpu.memory_space<hbm>>)
      %dma_wait3A_736 = arith.constant 0 : i32
      %dma_wait3A_737 = arith.constant 0 : i32
      %dma_wait3A_738 = arith.constant 384 : i32
      %dma_wait3A_739 = tpu.memref_slice %arg11[%dma_wait3A_737, %dma_wait3A_738] : memref<64x513xf32, #tpu.memory_space<vmem>> -> memref<8x128xf32, #tpu.memory_space<vmem>>
      %dma_wait3A_740 = arith.constant 0 : i32
      %dma_wait3A_741 = arith.constant 0 : i32
      %dma_wait3A_742 = tpu.memref_slice %arg6[%scan3A_9, %dma_wait3A_736, %add3A_199, %dma_wait3A_740, %dma_wait3A_741] : memref<200x8x128x8x128xf32, #tpu.memory_space<hbm>> -> memref<1x1x1x8x128xf32, #tpu.memory_space<hbm>>
      %dma_wait3A_743 = tpu.memref_squeeze %dma_wait3A_742 : memref<1x1x1x8x128xf32, #tpu.memory_space<hbm>> -> memref<8x128xf32, #tpu.memory_space<hbm>>
      %dma_wait3A_744 = arith.constant 0 : i32
      %dma_wait3A_745 = arith.constant 0 : i32
      %dma_wait3A_746 = tpu.memref_slice %arg6[%scan3A_9, %dma_wait3A_736, %add3A_199, %dma_wait3A_744, %dma_wait3A_745] : memref<200x8x128x8x128xf32, #tpu.memory_space<hbm>> -> memref<1x1x1x8x128xf32, #tpu.memory_space<hbm>>
      %dma_wait3A_747 = tpu.memref_squeeze %dma_wait3A_746 : memref<1x1x1x8x128xf32, #tpu.memory_space<hbm>> -> memref<8x128xf32, #tpu.memory_space<hbm>>
      %dma_wait3A_748 = arith.constant 0 : i32
      %dma_wait3A_749 = arith.constant 384 : i32
      %dma_wait3A_750 = tpu.memref_slice %arg11[%dma_wait3A_748, %dma_wait3A_749] : memref<64x513xf32, #tpu.memory_space<vmem>> -> memref<8x128xf32, #tpu.memory_space<vmem>>
      tpu.wait_dma2 semaphore(%arg13 : memref<!tpu.dma_semaphore, #tpu.memory_space<semaphore_mem>>) src(%dma_wait3A_750 : memref<8x128xf32, #tpu.memory_space<vmem>>) dst(%dma_wait3A_747 : memref<8x128xf32, #tpu.memory_space<hbm>>)
      %dma_wait3A_751 = arith.constant 1 : i32
      %dma_wait3A_752 = arith.constant 8 : i32
      %dma_wait3A_753 = arith.constant 0 : i32
      %dma_wait3A_754 = tpu.memref_slice %arg11[%dma_wait3A_752, %dma_wait3A_753] : memref<64x513xf32, #tpu.memory_space<vmem>> -> memref<8x128xf32, #tpu.memory_space<vmem>>
      %dma_wait3A_755 = arith.constant 0 : i32
      %dma_wait3A_756 = arith.constant 0 : i32
      %dma_wait3A_757 = tpu.memref_slice %arg6[%scan3A_9, %dma_wait3A_751, %add3A_216, %dma_wait3A_755, %dma_wait3A_756] : memref<200x8x128x8x128xf32, #tpu.memory_space<hbm>> -> memref<1x1x1x8x128xf32, #tpu.memory_space<hbm>>
      %dma_wait3A_758 = tpu.memref_squeeze %dma_wait3A_757 : memref<1x1x1x8x128xf32, #tpu.memory_space<hbm>> -> memref<8x128xf32, #tpu.memory_space<hbm>>
      %dma_wait3A_759 = arith.constant 0 : i32
      %dma_wait3A_760 = arith.constant 0 : i32
      %dma_wait3A_761 = tpu.memref_slice %arg6[%scan3A_9, %dma_wait3A_751, %add3A_216, %dma_wait3A_759, %dma_wait3A_760] : memref<200x8x128x8x128xf32, #tpu.memory_space<hbm>> -> memref<1x1x1x8x128xf32, #tpu.memory_space<hbm>>
      %dma_wait3A_762 = tpu.memref_squeeze %dma_wait3A_761 : memref<1x1x1x8x128xf32, #tpu.memory_space<hbm>> -> memref<8x128xf32, #tpu.memory_space<hbm>>
      %dma_wait3A_763 = arith.constant 8 : i32
      %dma_wait3A_764 = arith.constant 0 : i32
      %dma_wait3A_765 = tpu.memref_slice %arg11[%dma_wait3A_763, %dma_wait3A_764] : memref<64x513xf32, #tpu.memory_space<vmem>> -> memref<8x128xf32, #tpu.memory_space<vmem>>
      tpu.wait_dma2 semaphore(%arg13 : memref<!tpu.dma_semaphore, #tpu.memory_space<semaphore_mem>>) src(%dma_wait3A_765 : memref<8x128xf32, #tpu.memory_space<vmem>>) dst(%dma_wait3A_762 : memref<8x128xf32, #tpu.memory_space<hbm>>)
      %dma_wait3A_766 = arith.constant 1 : i32
      %dma_wait3A_767 = arith.constant 8 : i32
      %dma_wait3A_768 = arith.constant 128 : i32
      %dma_wait3A_769 = tpu.memref_slice %arg11[%dma_wait3A_767, %dma_wait3A_768] : memref<64x513xf32, #tpu.memory_space<vmem>> -> memref<8x128xf32, #tpu.memory_space<vmem>>
      %dma_wait3A_770 = arith.constant 0 : i32
      %dma_wait3A_771 = arith.constant 0 : i32
      %dma_wait3A_772 = tpu.memref_slice %arg6[%scan3A_9, %dma_wait3A_766, %add3A_233, %dma_wait3A_770, %dma_wait3A_771] : memref<200x8x128x8x128xf32, #tpu.memory_space<hbm>> -> memref<1x1x1x8x128xf32, #tpu.memory_space<hbm>>
      %dma_wait3A_773 = tpu.memref_squeeze %dma_wait3A_772 : memref<1x1x1x8x128xf32, #tpu.memory_space<hbm>> -> memref<8x128xf32, #tpu.memory_space<hbm>>
      %dma_wait3A_774 = arith.constant 0 : i32
      %dma_wait3A_775 = arith.constant 0 : i32
      %dma_wait3A_776 = tpu.memref_slice %arg6[%scan3A_9, %dma_wait3A_766, %add3A_233, %dma_wait3A_774, %dma_wait3A_775] : memref<200x8x128x8x128xf32, #tpu.memory_space<hbm>> -> memref<1x1x1x8x128xf32, #tpu.memory_space<hbm>>
      %dma_wait3A_777 = tpu.memref_squeeze %dma_wait3A_776 : memref<1x1x1x8x128xf32, #tpu.memory_space<hbm>> -> memref<8x128xf32, #tpu.memory_space<hbm>>
      %dma_wait3A_778 = arith.constant 8 : i32
      %dma_wait3A_779 = arith.constant 128 : i32
      %dma_wait3A_780 = tpu.memref_slice %arg11[%dma_wait3A_778, %dma_wait3A_779] : memref<64x513xf32, #tpu.memory_space<vmem>> -> memref<8x128xf32, #tpu.memory_space<vmem>>
      tpu.wait_dma2 semaphore(%arg13 : memref<!tpu.dma_semaphore, #tpu.memory_space<semaphore_mem>>) src(%dma_wait3A_780 : memref<8x128xf32, #tpu.memory_space<vmem>>) dst(%dma_wait3A_777 : memref<8x128xf32, #tpu.memory_space<hbm>>)
      %dma_wait3A_781 = arith.constant 1 : i32
      %dma_wait3A_782 = arith.constant 8 : i32
      %dma_wait3A_783 = arith.constant 256 : i32
      %dma_wait3A_784 = tpu.memref_slice %arg11[%dma_wait3A_782, %dma_wait3A_783] : memref<64x513xf32, #tpu.memory_space<vmem>> -> memref<8x128xf32, #tpu.memory_space<vmem>>
      %dma_wait3A_785 = arith.constant 0 : i32
      %dma_wait3A_786 = arith.constant 0 : i32
      %dma_wait3A_787 = tpu.memref_slice %arg6[%scan3A_9, %dma_wait3A_781, %add3A_250, %dma_wait3A_785, %dma_wait3A_786] : memref<200x8x128x8x128xf32, #tpu.memory_space<hbm>> -> memref<1x1x1x8x128xf32, #tpu.memory_space<hbm>>
      %dma_wait3A_788 = tpu.memref_squeeze %dma_wait3A_787 : memref<1x1x1x8x128xf32, #tpu.memory_space<hbm>> -> memref<8x128xf32, #tpu.memory_space<hbm>>
      %dma_wait3A_789 = arith.constant 0 : i32
      %dma_wait3A_790 = arith.constant 0 : i32
      %dma_wait3A_791 = tpu.memref_slice %arg6[%scan3A_9, %dma_wait3A_781, %add3A_250, %dma_wait3A_789, %dma_wait3A_790] : memref<200x8x128x8x128xf32, #tpu.memory_space<hbm>> -> memref<1x1x1x8x128xf32, #tpu.memory_space<hbm>>
      %dma_wait3A_792 = tpu.memref_squeeze %dma_wait3A_791 : memref<1x1x1x8x128xf32, #tpu.memory_space<hbm>> -> memref<8x128xf32, #tpu.memory_space<hbm>>
      %dma_wait3A_793 = arith.constant 8 : i32
      %dma_wait3A_794 = arith.constant 256 : i32
      %dma_wait3A_795 = tpu.memref_slice %arg11[%dma_wait3A_793, %dma_wait3A_794] : memref<64x513xf32, #tpu.memory_space<vmem>> -> memref<8x128xf32, #tpu.memory_space<vmem>>
      tpu.wait_dma2 semaphore(%arg13 : memref<!tpu.dma_semaphore, #tpu.memory_space<semaphore_mem>>) src(%dma_wait3A_795 : memref<8x128xf32, #tpu.memory_space<vmem>>) dst(%dma_wait3A_792 : memref<8x128xf32, #tpu.memory_space<hbm>>)
      %dma_wait3A_796 = arith.constant 1 : i32
      %dma_wait3A_797 = arith.constant 8 : i32
      %dma_wait3A_798 = arith.constant 384 : i32
      %dma_wait3A_799 = tpu.memref_slice %arg11[%dma_wait3A_797, %dma_wait3A_798] : memref<64x513xf32, #tpu.memory_space<vmem>> -> memref<8x128xf32, #tpu.memory_space<vmem>>
      %dma_wait3A_800 = arith.constant 0 : i32
      %dma_wait3A_801 = arith.constant 0 : i32
      %dma_wait3A_802 = tpu.memref_slice %arg6[%scan3A_9, %dma_wait3A_796, %add3A_267, %dma_wait3A_800, %dma_wait3A_801] : memref<200x8x128x8x128xf32, #tpu.memory_space<hbm>> -> memref<1x1x1x8x128xf32, #tpu.memory_space<hbm>>
      %dma_wait3A_803 = tpu.memref_squeeze %dma_wait3A_802 : memref<1x1x1x8x128xf32, #tpu.memory_space<hbm>> -> memref<8x128xf32, #tpu.memory_space<hbm>>
      %dma_wait3A_804 = arith.constant 0 : i32
      %dma_wait3A_805 = arith.constant 0 : i32
      %dma_wait3A_806 = tpu.memref_slice %arg6[%scan3A_9, %dma_wait3A_796, %add3A_267, %dma_wait3A_804, %dma_wait3A_805] : memref<200x8x128x8x128xf32, #tpu.memory_space<hbm>> -> memref<1x1x1x8x128xf32, #tpu.memory_space<hbm>>
      %dma_wait3A_807 = tpu.memref_squeeze %dma_wait3A_806 : memref<1x1x1x8x128xf32, #tpu.memory_space<hbm>> -> memref<8x128xf32, #tpu.memory_space<hbm>>
      %dma_wait3A_808 = arith.constant 8 : i32
      %dma_wait3A_809 = arith.constant 384 : i32
      %dma_wait3A_810 = tpu.memref_slice %arg11[%dma_wait3A_808, %dma_wait3A_809] : memref<64x513xf32, #tpu.memory_space<vmem>> -> memref<8x128xf32, #tpu.memory_space<vmem>>
      tpu.wait_dma2 semaphore(%arg13 : memref<!tpu.dma_semaphore, #tpu.memory_space<semaphore_mem>>) src(%dma_wait3A_810 : memref<8x128xf32, #tpu.memory_space<vmem>>) dst(%dma_wait3A_807 : memref<8x128xf32, #tpu.memory_space<hbm>>)
      %dma_wait3A_811 = arith.constant 2 : i32
      %dma_wait3A_812 = arith.constant 16 : i32
      %dma_wait3A_813 = arith.constant 0 : i32
      %dma_wait3A_814 = tpu.memref_slice %arg11[%dma_wait3A_812, %dma_wait3A_813] : memref<64x513xf32, #tpu.memory_space<vmem>> -> memref<8x128xf32, #tpu.memory_space<vmem>>
      %dma_wait3A_815 = arith.constant 0 : i32
      %dma_wait3A_816 = arith.constant 0 : i32
      %dma_wait3A_817 = tpu.memref_slice %arg6[%scan3A_9, %dma_wait3A_811, %add3A_284, %dma_wait3A_815, %dma_wait3A_816] : memref<200x8x128x8x128xf32, #tpu.memory_space<hbm>> -> memref<1x1x1x8x128xf32, #tpu.memory_space<hbm>>
      %dma_wait3A_818 = tpu.memref_squeeze %dma_wait3A_817 : memref<1x1x1x8x128xf32, #tpu.memory_space<hbm>> -> memref<8x128xf32, #tpu.memory_space<hbm>>
      %dma_wait3A_819 = arith.constant 0 : i32
      %dma_wait3A_820 = arith.constant 0 : i32
      %dma_wait3A_821 = tpu.memref_slice %arg6[%scan3A_9, %dma_wait3A_811, %add3A_284, %dma_wait3A_819, %dma_wait3A_820] : memref<200x8x128x8x128xf32, #tpu.memory_space<hbm>> -> memref<1x1x1x8x128xf32, #tpu.memory_space<hbm>>
      %dma_wait3A_822 = tpu.memref_squeeze %dma_wait3A_821 : memref<1x1x1x8x128xf32, #tpu.memory_space<hbm>> -> memref<8x128xf32, #tpu.memory_space<hbm>>
      %dma_wait3A_823 = arith.constant 16 : i32
      %dma_wait3A_824 = arith.constant 0 : i32
      %dma_wait3A_825 = tpu.memref_slice %arg11[%dma_wait3A_823, %dma_wait3A_824] : memref<64x513xf32, #tpu.memory_space<vmem>> -> memref<8x128xf32, #tpu.memory_space<vmem>>
      tpu.wait_dma2 semaphore(%arg13 : memref<!tpu.dma_semaphore, #tpu.memory_space<semaphore_mem>>) src(%dma_wait3A_825 : memref<8x128xf32, #tpu.memory_space<vmem>>) dst(%dma_wait3A_822 : memref<8x128xf32, #tpu.memory_space<hbm>>)
      %dma_wait3A_826 = arith.constant 2 : i32
      %dma_wait3A_827 = arith.constant 16 : i32
      %dma_wait3A_828 = arith.constant 128 : i32
      %dma_wait3A_829 = tpu.memref_slice %arg11[%dma_wait3A_827, %dma_wait3A_828] : memref<64x513xf32, #tpu.memory_space<vmem>> -> memref<8x128xf32, #tpu.memory_space<vmem>>
      %dma_wait3A_830 = arith.constant 0 : i32
      %dma_wait3A_831 = arith.constant 0 : i32
      %dma_wait3A_832 = tpu.memref_slice %arg6[%scan3A_9, %dma_wait3A_826, %add3A_301, %dma_wait3A_830, %dma_wait3A_831] : memref<200x8x128x8x128xf32, #tpu.memory_space<hbm>> -> memref<1x1x1x8x128xf32, #tpu.memory_space<hbm>>
      %dma_wait3A_833 = tpu.memref_squeeze %dma_wait3A_832 : memref<1x1x1x8x128xf32, #tpu.memory_space<hbm>> -> memref<8x128xf32, #tpu.memory_space<hbm>>
      %dma_wait3A_834 = arith.constant 0 : i32
      %dma_wait3A_835 = arith.constant 0 : i32
      %dma_wait3A_836 = tpu.memref_slice %arg6[%scan3A_9, %dma_wait3A_826, %add3A_301, %dma_wait3A_834, %dma_wait3A_835] : memref<200x8x128x8x128xf32, #tpu.memory_space<hbm>> -> memref<1x1x1x8x128xf32, #tpu.memory_space<hbm>>
      %dma_wait3A_837 = tpu.memref_squeeze %dma_wait3A_836 : memref<1x1x1x8x128xf32, #tpu.memory_space<hbm>> -> memref<8x128xf32, #tpu.memory_space<hbm>>
      %dma_wait3A_838 = arith.constant 16 : i32
      %dma_wait3A_839 = arith.constant 128 : i32
      %dma_wait3A_840 = tpu.memref_slice %arg11[%dma_wait3A_838, %dma_wait3A_839] : memref<64x513xf32, #tpu.memory_space<vmem>> -> memref<8x128xf32, #tpu.memory_space<vmem>>
      tpu.wait_dma2 semaphore(%arg13 : memref<!tpu.dma_semaphore, #tpu.memory_space<semaphore_mem>>) src(%dma_wait3A_840 : memref<8x128xf32, #tpu.memory_space<vmem>>) dst(%dma_wait3A_837 : memref<8x128xf32, #tpu.memory_space<hbm>>)
      %dma_wait3A_841 = arith.constant 2 : i32
      %dma_wait3A_842 = arith.constant 16 : i32
      %dma_wait3A_843 = arith.constant 256 : i32
      %dma_wait3A_844 = tpu.memref_slice %arg11[%dma_wait3A_842, %dma_wait3A_843] : memref<64x513xf32, #tpu.memory_space<vmem>> -> memref<8x128xf32, #tpu.memory_space<vmem>>
      %dma_wait3A_845 = arith.constant 0 : i32
      %dma_wait3A_846 = arith.constant 0 : i32
      %dma_wait3A_847 = tpu.memref_slice %arg6[%scan3A_9, %dma_wait3A_841, %add3A_318, %dma_wait3A_845, %dma_wait3A_846] : memref<200x8x128x8x128xf32, #tpu.memory_space<hbm>> -> memref<1x1x1x8x128xf32, #tpu.memory_space<hbm>>
      %dma_wait3A_848 = tpu.memref_squeeze %dma_wait3A_847 : memref<1x1x1x8x128xf32, #tpu.memory_space<hbm>> -> memref<8x128xf32, #tpu.memory_space<hbm>>
      %dma_wait3A_849 = arith.constant 0 : i32
      %dma_wait3A_850 = arith.constant 0 : i32
      %dma_wait3A_851 = tpu.memref_slice %arg6[%scan3A_9, %dma_wait3A_841, %add3A_318, %dma_wait3A_849, %dma_wait3A_850] : memref<200x8x128x8x128xf32, #tpu.memory_space<hbm>> -> memref<1x1x1x8x128xf32, #tpu.memory_space<hbm>>
      %dma_wait3A_852 = tpu.memref_squeeze %dma_wait3A_851 : memref<1x1x1x8x128xf32, #tpu.memory_space<hbm>> -> memref<8x128xf32, #tpu.memory_space<hbm>>
      %dma_wait3A_853 = arith.constant 16 : i32
      %dma_wait3A_854 = arith.constant 256 : i32
      %dma_wait3A_855 = tpu.memref_slice %arg11[%dma_wait3A_853, %dma_wait3A_854] : memref<64x513xf32, #tpu.memory_space<vmem>> -> memref<8x128xf32, #tpu.memory_space<vmem>>
      tpu.wait_dma2 semaphore(%arg13 : memref<!tpu.dma_semaphore, #tpu.memory_space<semaphore_mem>>) src(%dma_wait3A_855 : memref<8x128xf32, #tpu.memory_space<vmem>>) dst(%dma_wait3A_852 : memref<8x128xf32, #tpu.memory_space<hbm>>)
      %dma_wait3A_856 = arith.constant 2 : i32
      %dma_wait3A_857 = arith.constant 16 : i32
      %dma_wait3A_858 = arith.constant 384 : i32
      %dma_wait3A_859 = tpu.memref_slice %arg11[%dma_wait3A_857, %dma_wait3A_858] : memref<64x513xf32, #tpu.memory_space<vmem>> -> memref<8x128xf32, #tpu.memory_space<vmem>>
      %dma_wait3A_860 = arith.constant 0 : i32
      %dma_wait3A_861 = arith.constant 0 : i32
      %dma_wait3A_862 = tpu.memref_slice %arg6[%scan3A_9, %dma_wait3A_856, %add3A_335, %dma_wait3A_860, %dma_wait3A_861] : memref<200x8x128x8x128xf32, #tpu.memory_space<hbm>> -> memref<1x1x1x8x128xf32, #tpu.memory_space<hbm>>
      %dma_wait3A_863 = tpu.memref_squeeze %dma_wait3A_862 : memref<1x1x1x8x128xf32, #tpu.memory_space<hbm>> -> memref<8x128xf32, #tpu.memory_space<hbm>>
      %dma_wait3A_864 = arith.constant 0 : i32
      %dma_wait3A_865 = arith.constant 0 : i32
      %dma_wait3A_866 = tpu.memref_slice %arg6[%scan3A_9, %dma_wait3A_856, %add3A_335, %dma_wait3A_864, %dma_wait3A_865] : memref<200x8x128x8x128xf32, #tpu.memory_space<hbm>> -> memref<1x1x1x8x128xf32, #tpu.memory_space<hbm>>
      %dma_wait3A_867 = tpu.memref_squeeze %dma_wait3A_866 : memref<1x1x1x8x128xf32, #tpu.memory_space<hbm>> -> memref<8x128xf32, #tpu.memory_space<hbm>>
      %dma_wait3A_868 = arith.constant 16 : i32
      %dma_wait3A_869 = arith.constant 384 : i32
      %dma_wait3A_870 = tpu.memref_slice %arg11[%dma_wait3A_868, %dma_wait3A_869] : memref<64x513xf32, #tpu.memory_space<vmem>> -> memref<8x128xf32, #tpu.memory_space<vmem>>
      tpu.wait_dma2 semaphore(%arg13 : memref<!tpu.dma_semaphore, #tpu.memory_space<semaphore_mem>>) src(%dma_wait3A_870 : memref<8x128xf32, #tpu.memory_space<vmem>>) dst(%dma_wait3A_867 : memref<8x128xf32, #tpu.memory_space<hbm>>)
      %dma_wait3A_871 = arith.constant 3 : i32
      %dma_wait3A_872 = arith.constant 24 : i32
      %dma_wait3A_873 = arith.constant 0 : i32
      %dma_wait3A_874 = tpu.memref_slice %arg11[%dma_wait3A_872, %dma_wait3A_873] : memref<64x513xf32, #tpu.memory_space<vmem>> -> memref<8x128xf32, #tpu.memory_space<vmem>>
      %dma_wait3A_875 = arith.constant 0 : i32
      %dma_wait3A_876 = arith.constant 0 : i32
      %dma_wait3A_877 = tpu.memref_slice %arg6[%scan3A_9, %dma_wait3A_871, %add3A_352, %dma_wait3A_875, %dma_wait3A_876] : memref<200x8x128x8x128xf32, #tpu.memory_space<hbm>> -> memref<1x1x1x8x128xf32, #tpu.memory_space<hbm>>
      %dma_wait3A_878 = tpu.memref_squeeze %dma_wait3A_877 : memref<1x1x1x8x128xf32, #tpu.memory_space<hbm>> -> memref<8x128xf32, #tpu.memory_space<hbm>>
      %dma_wait3A_879 = arith.constant 0 : i32
      %dma_wait3A_880 = arith.constant 0 : i32
      %dma_wait3A_881 = tpu.memref_slice %arg6[%scan3A_9, %dma_wait3A_871, %add3A_352, %dma_wait3A_879, %dma_wait3A_880] : memref<200x8x128x8x128xf32, #tpu.memory_space<hbm>> -> memref<1x1x1x8x128xf32, #tpu.memory_space<hbm>>
      %dma_wait3A_882 = tpu.memref_squeeze %dma_wait3A_881 : memref<1x1x1x8x128xf32, #tpu.memory_space<hbm>> -> memref<8x128xf32, #tpu.memory_space<hbm>>
      %dma_wait3A_883 = arith.constant 24 : i32
      %dma_wait3A_884 = arith.constant 0 : i32
      %dma_wait3A_885 = tpu.memref_slice %arg11[%dma_wait3A_883, %dma_wait3A_884] : memref<64x513xf32, #tpu.memory_space<vmem>> -> memref<8x128xf32, #tpu.memory_space<vmem>>
      tpu.wait_dma2 semaphore(%arg13 : memref<!tpu.dma_semaphore, #tpu.memory_space<semaphore_mem>>) src(%dma_wait3A_885 : memref<8x128xf32, #tpu.memory_space<vmem>>) dst(%dma_wait3A_882 : memref<8x128xf32, #tpu.memory_space<hbm>>)
      %dma_wait3A_886 = arith.constant 3 : i32
      %dma_wait3A_887 = arith.constant 24 : i32
      %dma_wait3A_888 = arith.constant 128 : i32
      %dma_wait3A_889 = tpu.memref_slice %arg11[%dma_wait3A_887, %dma_wait3A_888] : memref<64x513xf32, #tpu.memory_space<vmem>> -> memref<8x128xf32, #tpu.memory_space<vmem>>
      %dma_wait3A_890 = arith.constant 0 : i32
      %dma_wait3A_891 = arith.constant 0 : i32
      %dma_wait3A_892 = tpu.memref_slice %arg6[%scan3A_9, %dma_wait3A_886, %add3A_369, %dma_wait3A_890, %dma_wait3A_891] : memref<200x8x128x8x128xf32, #tpu.memory_space<hbm>> -> memref<1x1x1x8x128xf32, #tpu.memory_space<hbm>>
      %dma_wait3A_893 = tpu.memref_squeeze %dma_wait3A_892 : memref<1x1x1x8x128xf32, #tpu.memory_space<hbm>> -> memref<8x128xf32, #tpu.memory_space<hbm>>
      %dma_wait3A_894 = arith.constant 0 : i32
      %dma_wait3A_895 = arith.constant 0 : i32
      %dma_wait3A_896 = tpu.memref_slice %arg6[%scan3A_9, %dma_wait3A_886, %add3A_369, %dma_wait3A_894, %dma_wait3A_895] : memref<200x8x128x8x128xf32, #tpu.memory_space<hbm>> -> memref<1x1x1x8x128xf32, #tpu.memory_space<hbm>>
      %dma_wait3A_897 = tpu.memref_squeeze %dma_wait3A_896 : memref<1x1x1x8x128xf32, #tpu.memory_space<hbm>> -> memref<8x128xf32, #tpu.memory_space<hbm>>
      %dma_wait3A_898 = arith.constant 24 : i32
      %dma_wait3A_899 = arith.constant 128 : i32
      %dma_wait3A_900 = tpu.memref_slice %arg11[%dma_wait3A_898, %dma_wait3A_899] : memref<64x513xf32, #tpu.memory_space<vmem>> -> memref<8x128xf32, #tpu.memory_space<vmem>>
      tpu.wait_dma2 semaphore(%arg13 : memref<!tpu.dma_semaphore, #tpu.memory_space<semaphore_mem>>) src(%dma_wait3A_900 : memref<8x128xf32, #tpu.memory_space<vmem>>) dst(%dma_wait3A_897 : memref<8x128xf32, #tpu.memory_space<hbm>>)
      %dma_wait3A_901 = arith.constant 3 : i32
      %dma_wait3A_902 = arith.constant 24 : i32
      %dma_wait3A_903 = arith.constant 256 : i32
      %dma_wait3A_904 = tpu.memref_slice %arg11[%dma_wait3A_902, %dma_wait3A_903] : memref<64x513xf32, #tpu.memory_space<vmem>> -> memref<8x128xf32, #tpu.memory_space<vmem>>
      %dma_wait3A_905 = arith.constant 0 : i32
      %dma_wait3A_906 = arith.constant 0 : i32
      %dma_wait3A_907 = tpu.memref_slice %arg6[%scan3A_9, %dma_wait3A_901, %add3A_386, %dma_wait3A_905, %dma_wait3A_906] : memref<200x8x128x8x128xf32, #tpu.memory_space<hbm>> -> memref<1x1x1x8x128xf32, #tpu.memory_space<hbm>>
      %dma_wait3A_908 = tpu.memref_squeeze %dma_wait3A_907 : memref<1x1x1x8x128xf32, #tpu.memory_space<hbm>> -> memref<8x128xf32, #tpu.memory_space<hbm>>
      %dma_wait3A_909 = arith.constant 0 : i32
      %dma_wait3A_910 = arith.constant 0 : i32
      %dma_wait3A_911 = tpu.memref_slice %arg6[%scan3A_9, %dma_wait3A_901, %add3A_386, %dma_wait3A_909, %dma_wait3A_910] : memref<200x8x128x8x128xf32, #tpu.memory_space<hbm>> -> memref<1x1x1x8x128xf32, #tpu.memory_space<hbm>>
      %dma_wait3A_912 = tpu.memref_squeeze %dma_wait3A_911 : memref<1x1x1x8x128xf32, #tpu.memory_space<hbm>> -> memref<8x128xf32, #tpu.memory_space<hbm>>
      %dma_wait3A_913 = arith.constant 24 : i32
      %dma_wait3A_914 = arith.constant 256 : i32
      %dma_wait3A_915 = tpu.memref_slice %arg11[%dma_wait3A_913, %dma_wait3A_914] : memref<64x513xf32, #tpu.memory_space<vmem>> -> memref<8x128xf32, #tpu.memory_space<vmem>>
      tpu.wait_dma2 semaphore(%arg13 : memref<!tpu.dma_semaphore, #tpu.memory_space<semaphore_mem>>) src(%dma_wait3A_915 : memref<8x128xf32, #tpu.memory_space<vmem>>) dst(%dma_wait3A_912 : memref<8x128xf32, #tpu.memory_space<hbm>>)
      %dma_wait3A_916 = arith.constant 3 : i32
      %dma_wait3A_917 = arith.constant 24 : i32
      %dma_wait3A_918 = arith.constant 384 : i32
      %dma_wait3A_919 = tpu.memref_slice %arg11[%dma_wait3A_917, %dma_wait3A_918] : memref<64x513xf32, #tpu.memory_space<vmem>> -> memref<8x128xf32, #tpu.memory_space<vmem>>
      %dma_wait3A_920 = arith.constant 0 : i32
      %dma_wait3A_921 = arith.constant 0 : i32
      %dma_wait3A_922 = tpu.memref_slice %arg6[%scan3A_9, %dma_wait3A_916, %add3A_403, %dma_wait3A_920, %dma_wait3A_921] : memref<200x8x128x8x128xf32, #tpu.memory_space<hbm>> -> memref<1x1x1x8x128xf32, #tpu.memory_space<hbm>>
      %dma_wait3A_923 = tpu.memref_squeeze %dma_wait3A_922 : memref<1x1x1x8x128xf32, #tpu.memory_space<hbm>> -> memref<8x128xf32, #tpu.memory_space<hbm>>
      %dma_wait3A_924 = arith.constant 0 : i32
      %dma_wait3A_925 = arith.constant 0 : i32
      %dma_wait3A_926 = tpu.memref_slice %arg6[%scan3A_9, %dma_wait3A_916, %add3A_403, %dma_wait3A_924, %dma_wait3A_925] : memref<200x8x128x8x128xf32, #tpu.memory_space<hbm>> -> memref<1x1x1x8x128xf32, #tpu.memory_space<hbm>>
      %dma_wait3A_927 = tpu.memref_squeeze %dma_wait3A_926 : memref<1x1x1x8x128xf32, #tpu.memory_space<hbm>> -> memref<8x128xf32, #tpu.memory_space<hbm>>
      %dma_wait3A_928 = arith.constant 24 : i32
      %dma_wait3A_929 = arith.constant 384 : i32
      %dma_wait3A_930 = tpu.memref_slice %arg11[%dma_wait3A_928, %dma_wait3A_929] : memref<64x513xf32, #tpu.memory_space<vmem>> -> memref<8x128xf32, #tpu.memory_space<vmem>>
      tpu.wait_dma2 semaphore(%arg13 : memref<!tpu.dma_semaphore, #tpu.memory_space<semaphore_mem>>) src(%dma_wait3A_930 : memref<8x128xf32, #tpu.memory_space<vmem>>) dst(%dma_wait3A_927 : memref<8x128xf32, #tpu.memory_space<hbm>>)
      %dma_wait3A_931 = arith.constant 4 : i32
      %dma_wait3A_932 = arith.constant 32 : i32
      %dma_wait3A_933 = arith.constant 0 : i32
      %dma_wait3A_934 = tpu.memref_slice %arg11[%dma_wait3A_932, %dma_wait3A_933] : memref<64x513xf32, #tpu.memory_space<vmem>> -> memref<8x128xf32, #tpu.memory_space<vmem>>
      %dma_wait3A_935 = arith.constant 0 : i32
      %dma_wait3A_936 = arith.constant 0 : i32
      %dma_wait3A_937 = tpu.memref_slice %arg6[%scan3A_9, %dma_wait3A_931, %add3A_420, %dma_wait3A_935, %dma_wait3A_936] : memref<200x8x128x8x128xf32, #tpu.memory_space<hbm>> -> memref<1x1x1x8x128xf32, #tpu.memory_space<hbm>>
      %dma_wait3A_938 = tpu.memref_squeeze %dma_wait3A_937 : memref<1x1x1x8x128xf32, #tpu.memory_space<hbm>> -> memref<8x128xf32, #tpu.memory_space<hbm>>
      %dma_wait3A_939 = arith.constant 0 : i32
      %dma_wait3A_940 = arith.constant 0 : i32
      %dma_wait3A_941 = tpu.memref_slice %arg6[%scan3A_9, %dma_wait3A_931, %add3A_420, %dma_wait3A_939, %dma_wait3A_940] : memref<200x8x128x8x128xf32, #tpu.memory_space<hbm>> -> memref<1x1x1x8x128xf32, #tpu.memory_space<hbm>>
      %dma_wait3A_942 = tpu.memref_squeeze %dma_wait3A_941 : memref<1x1x1x8x128xf32, #tpu.memory_space<hbm>> -> memref<8x128xf32, #tpu.memory_space<hbm>>
      %dma_wait3A_943 = arith.constant 32 : i32
      %dma_wait3A_944 = arith.constant 0 : i32
      %dma_wait3A_945 = tpu.memref_slice %arg11[%dma_wait3A_943, %dma_wait3A_944] : memref<64x513xf32, #tpu.memory_space<vmem>> -> memref<8x128xf32, #tpu.memory_space<vmem>>
      tpu.wait_dma2 semaphore(%arg13 : memref<!tpu.dma_semaphore, #tpu.memory_space<semaphore_mem>>) src(%dma_wait3A_945 : memref<8x128xf32, #tpu.memory_space<vmem>>) dst(%dma_wait3A_942 : memref<8x128xf32, #tpu.memory_space<hbm>>)
      %dma_wait3A_946 = arith.constant 4 : i32
      %dma_wait3A_947 = arith.constant 32 : i32
      %dma_wait3A_948 = arith.constant 128 : i32
      %dma_wait3A_949 = tpu.memref_slice %arg11[%dma_wait3A_947, %dma_wait3A_948] : memref<64x513xf32, #tpu.memory_space<vmem>> -> memref<8x128xf32, #tpu.memory_space<vmem>>
      %dma_wait3A_950 = arith.constant 0 : i32
      %dma_wait3A_951 = arith.constant 0 : i32
      %dma_wait3A_952 = tpu.memref_slice %arg6[%scan3A_9, %dma_wait3A_946, %add3A_437, %dma_wait3A_950, %dma_wait3A_951] : memref<200x8x128x8x128xf32, #tpu.memory_space<hbm>> -> memref<1x1x1x8x128xf32, #tpu.memory_space<hbm>>
      %dma_wait3A_953 = tpu.memref_squeeze %dma_wait3A_952 : memref<1x1x1x8x128xf32, #tpu.memory_space<hbm>> -> memref<8x128xf32, #tpu.memory_space<hbm>>
      %dma_wait3A_954 = arith.constant 0 : i32
      %dma_wait3A_955 = arith.constant 0 : i32
      %dma_wait3A_956 = tpu.memref_slice %arg6[%scan3A_9, %dma_wait3A_946, %add3A_437, %dma_wait3A_954, %dma_wait3A_955] : memref<200x8x128x8x128xf32, #tpu.memory_space<hbm>> -> memref<1x1x1x8x128xf32, #tpu.memory_space<hbm>>
      %dma_wait3A_957 = tpu.memref_squeeze %dma_wait3A_956 : memref<1x1x1x8x128xf32, #tpu.memory_space<hbm>> -> memref<8x128xf32, #tpu.memory_space<hbm>>
      %dma_wait3A_958 = arith.constant 32 : i32
      %dma_wait3A_959 = arith.constant 128 : i32
      %dma_wait3A_960 = tpu.memref_slice %arg11[%dma_wait3A_958, %dma_wait3A_959] : memref<64x513xf32, #tpu.memory_space<vmem>> -> memref<8x128xf32, #tpu.memory_space<vmem>>
      tpu.wait_dma2 semaphore(%arg13 : memref<!tpu.dma_semaphore, #tpu.memory_space<semaphore_mem>>) src(%dma_wait3A_960 : memref<8x128xf32, #tpu.memory_space<vmem>>) dst(%dma_wait3A_957 : memref<8x128xf32, #tpu.memory_space<hbm>>)
      %dma_wait3A_961 = arith.constant 4 : i32
      %dma_wait3A_962 = arith.constant 32 : i32
      %dma_wait3A_963 = arith.constant 256 : i32
      %dma_wait3A_964 = tpu.memref_slice %arg11[%dma_wait3A_962, %dma_wait3A_963] : memref<64x513xf32, #tpu.memory_space<vmem>> -> memref<8x128xf32, #tpu.memory_space<vmem>>
      %dma_wait3A_965 = arith.constant 0 : i32
      %dma_wait3A_966 = arith.constant 0 : i32
      %dma_wait3A_967 = tpu.memref_slice %arg6[%scan3A_9, %dma_wait3A_961, %add3A_454, %dma_wait3A_965, %dma_wait3A_966] : memref<200x8x128x8x128xf32, #tpu.memory_space<hbm>> -> memref<1x1x1x8x128xf32, #tpu.memory_space<hbm>>
      %dma_wait3A_968 = tpu.memref_squeeze %dma_wait3A_967 : memref<1x1x1x8x128xf32, #tpu.memory_space<hbm>> -> memref<8x128xf32, #tpu.memory_space<hbm>>
      %dma_wait3A_969 = arith.constant 0 : i32
      %dma_wait3A_970 = arith.constant 0 : i32
      %dma_wait3A_971 = tpu.memref_slice %arg6[%scan3A_9, %dma_wait3A_961, %add3A_454, %dma_wait3A_969, %dma_wait3A_970] : memref<200x8x128x8x128xf32, #tpu.memory_space<hbm>> -> memref<1x1x1x8x128xf32, #tpu.memory_space<hbm>>
      %dma_wait3A_972 = tpu.memref_squeeze %dma_wait3A_971 : memref<1x1x1x8x128xf32, #tpu.memory_space<hbm>> -> memref<8x128xf32, #tpu.memory_space<hbm>>
      %dma_wait3A_973 = arith.constant 32 : i32
      %dma_wait3A_974 = arith.constant 256 : i32
      %dma_wait3A_975 = tpu.memref_slice %arg11[%dma_wait3A_973, %dma_wait3A_974] : memref<64x513xf32, #tpu.memory_space<vmem>> -> memref<8x128xf32, #tpu.memory_space<vmem>>
      tpu.wait_dma2 semaphore(%arg13 : memref<!tpu.dma_semaphore, #tpu.memory_space<semaphore_mem>>) src(%dma_wait3A_975 : memref<8x128xf32, #tpu.memory_space<vmem>>) dst(%dma_wait3A_972 : memref<8x128xf32, #tpu.memory_space<hbm>>)
      %dma_wait3A_976 = arith.constant 4 : i32
      %dma_wait3A_977 = arith.constant 32 : i32
      %dma_wait3A_978 = arith.constant 384 : i32
      %dma_wait3A_979 = tpu.memref_slice %arg11[%dma_wait3A_977, %dma_wait3A_978] : memref<64x513xf32, #tpu.memory_space<vmem>> -> memref<8x128xf32, #tpu.memory_space<vmem>>
      %dma_wait3A_980 = arith.constant 0 : i32
      %dma_wait3A_981 = arith.constant 0 : i32
      %dma_wait3A_982 = tpu.memref_slice %arg6[%scan3A_9, %dma_wait3A_976, %add3A_471, %dma_wait3A_980, %dma_wait3A_981] : memref<200x8x128x8x128xf32, #tpu.memory_space<hbm>> -> memref<1x1x1x8x128xf32, #tpu.memory_space<hbm>>
      %dma_wait3A_983 = tpu.memref_squeeze %dma_wait3A_982 : memref<1x1x1x8x128xf32, #tpu.memory_space<hbm>> -> memref<8x128xf32, #tpu.memory_space<hbm>>
      %dma_wait3A_984 = arith.constant 0 : i32
      %dma_wait3A_985 = arith.constant 0 : i32
      %dma_wait3A_986 = tpu.memref_slice %arg6[%scan3A_9, %dma_wait3A_976, %add3A_471, %dma_wait3A_984, %dma_wait3A_985] : memref<200x8x128x8x128xf32, #tpu.memory_space<hbm>> -> memref<1x1x1x8x128xf32, #tpu.memory_space<hbm>>
      %dma_wait3A_987 = tpu.memref_squeeze %dma_wait3A_986 : memref<1x1x1x8x128xf32, #tpu.memory_space<hbm>> -> memref<8x128xf32, #tpu.memory_space<hbm>>
      %dma_wait3A_988 = arith.constant 32 : i32
      %dma_wait3A_989 = arith.constant 384 : i32
      %dma_wait3A_990 = tpu.memref_slice %arg11[%dma_wait3A_988, %dma_wait3A_989] : memref<64x513xf32, #tpu.memory_space<vmem>> -> memref<8x128xf32, #tpu.memory_space<vmem>>
      tpu.wait_dma2 semaphore(%arg13 : memref<!tpu.dma_semaphore, #tpu.memory_space<semaphore_mem>>) src(%dma_wait3A_990 : memref<8x128xf32, #tpu.memory_space<vmem>>) dst(%dma_wait3A_987 : memref<8x128xf32, #tpu.memory_space<hbm>>)
      %dma_wait3A_991 = arith.constant 5 : i32
      %dma_wait3A_992 = arith.constant 40 : i32
      %dma_wait3A_993 = arith.constant 0 : i32
      %dma_wait3A_994 = tpu.memref_slice %arg11[%dma_wait3A_992, %dma_wait3A_993] : memref<64x513xf32, #tpu.memory_space<vmem>> -> memref<8x128xf32, #tpu.memory_space<vmem>>
      %dma_wait3A_995 = arith.constant 0 : i32
      %dma_wait3A_996 = arith.constant 0 : i32
      %dma_wait3A_997 = tpu.memref_slice %arg6[%scan3A_9, %dma_wait3A_991, %add3A_488, %dma_wait3A_995, %dma_wait3A_996] : memref<200x8x128x8x128xf32, #tpu.memory_space<hbm>> -> memref<1x1x1x8x128xf32, #tpu.memory_space<hbm>>
      %dma_wait3A_998 = tpu.memref_squeeze %dma_wait3A_997 : memref<1x1x1x8x128xf32, #tpu.memory_space<hbm>> -> memref<8x128xf32, #tpu.memory_space<hbm>>
      %dma_wait3A_999 = arith.constant 0 : i32
      %dma_wait3A_1000 = arith.constant 0 : i32
      %dma_wait3A_1001 = tpu.memref_slice %arg6[%scan3A_9, %dma_wait3A_991, %add3A_488, %dma_wait3A_999, %dma_wait3A_1000] : memref<200x8x128x8x128xf32, #tpu.memory_space<hbm>> -> memref<1x1x1x8x128xf32, #tpu.memory_space<hbm>>
      %dma_wait3A_1002 = tpu.memref_squeeze %dma_wait3A_1001 : memref<1x1x1x8x128xf32, #tpu.memory_space<hbm>> -> memref<8x128xf32, #tpu.memory_space<hbm>>
      %dma_wait3A_1003 = arith.constant 40 : i32
      %dma_wait3A_1004 = arith.constant 0 : i32
      %dma_wait3A_1005 = tpu.memref_slice %arg11[%dma_wait3A_1003, %dma_wait3A_1004] : memref<64x513xf32, #tpu.memory_space<vmem>> -> memref<8x128xf32, #tpu.memory_space<vmem>>
      tpu.wait_dma2 semaphore(%arg13 : memref<!tpu.dma_semaphore, #tpu.memory_space<semaphore_mem>>) src(%dma_wait3A_1005 : memref<8x128xf32, #tpu.memory_space<vmem>>) dst(%dma_wait3A_1002 : memref<8x128xf32, #tpu.memory_space<hbm>>)
      %dma_wait3A_1006 = arith.constant 5 : i32
      %dma_wait3A_1007 = arith.constant 40 : i32
      %dma_wait3A_1008 = arith.constant 128 : i32
      %dma_wait3A_1009 = tpu.memref_slice %arg11[%dma_wait3A_1007, %dma_wait3A_1008] : memref<64x513xf32, #tpu.memory_space<vmem>> -> memref<8x128xf32, #tpu.memory_space<vmem>>
      %dma_wait3A_1010 = arith.constant 0 : i32
      %dma_wait3A_1011 = arith.constant 0 : i32
      %dma_wait3A_1012 = tpu.memref_slice %arg6[%scan3A_9, %dma_wait3A_1006, %add3A_505, %dma_wait3A_1010, %dma_wait3A_1011] : memref<200x8x128x8x128xf32, #tpu.memory_space<hbm>> -> memref<1x1x1x8x128xf32, #tpu.memory_space<hbm>>
      %dma_wait3A_1013 = tpu.memref_squeeze %dma_wait3A_1012 : memref<1x1x1x8x128xf32, #tpu.memory_space<hbm>> -> memref<8x128xf32, #tpu.memory_space<hbm>>
      %dma_wait3A_1014 = arith.constant 0 : i32
      %dma_wait3A_1015 = arith.constant 0 : i32
      %dma_wait3A_1016 = tpu.memref_slice %arg6[%scan3A_9, %dma_wait3A_1006, %add3A_505, %dma_wait3A_1014, %dma_wait3A_1015] : memref<200x8x128x8x128xf32, #tpu.memory_space<hbm>> -> memref<1x1x1x8x128xf32, #tpu.memory_space<hbm>>
      %dma_wait3A_1017 = tpu.memref_squeeze %dma_wait3A_1016 : memref<1x1x1x8x128xf32, #tpu.memory_space<hbm>> -> memref<8x128xf32, #tpu.memory_space<hbm>>
      %dma_wait3A_1018 = arith.constant 40 : i32
      %dma_wait3A_1019 = arith.constant 128 : i32
      %dma_wait3A_1020 = tpu.memref_slice %arg11[%dma_wait3A_1018, %dma_wait3A_1019] : memref<64x513xf32, #tpu.memory_space<vmem>> -> memref<8x128xf32, #tpu.memory_space<vmem>>
      tpu.wait_dma2 semaphore(%arg13 : memref<!tpu.dma_semaphore, #tpu.memory_space<semaphore_mem>>) src(%dma_wait3A_1020 : memref<8x128xf32, #tpu.memory_space<vmem>>) dst(%dma_wait3A_1017 : memref<8x128xf32, #tpu.memory_space<hbm>>)
      %dma_wait3A_1021 = arith.constant 5 : i32
      %dma_wait3A_1022 = arith.constant 40 : i32
      %dma_wait3A_1023 = arith.constant 256 : i32
      %dma_wait3A_1024 = tpu.memref_slice %arg11[%dma_wait3A_1022, %dma_wait3A_1023] : memref<64x513xf32, #tpu.memory_space<vmem>> -> memref<8x128xf32, #tpu.memory_space<vmem>>
      %dma_wait3A_1025 = arith.constant 0 : i32
      %dma_wait3A_1026 = arith.constant 0 : i32
      %dma_wait3A_1027 = tpu.memref_slice %arg6[%scan3A_9, %dma_wait3A_1021, %add3A_522, %dma_wait3A_1025, %dma_wait3A_1026] : memref<200x8x128x8x128xf32, #tpu.memory_space<hbm>> -> memref<1x1x1x8x128xf32, #tpu.memory_space<hbm>>
      %dma_wait3A_1028 = tpu.memref_squeeze %dma_wait3A_1027 : memref<1x1x1x8x128xf32, #tpu.memory_space<hbm>> -> memref<8x128xf32, #tpu.memory_space<hbm>>
      %dma_wait3A_1029 = arith.constant 0 : i32
      %dma_wait3A_1030 = arith.constant 0 : i32
      %dma_wait3A_1031 = tpu.memref_slice %arg6[%scan3A_9, %dma_wait3A_1021, %add3A_522, %dma_wait3A_1029, %dma_wait3A_1030] : memref<200x8x128x8x128xf32, #tpu.memory_space<hbm>> -> memref<1x1x1x8x128xf32, #tpu.memory_space<hbm>>
      %dma_wait3A_1032 = tpu.memref_squeeze %dma_wait3A_1031 : memref<1x1x1x8x128xf32, #tpu.memory_space<hbm>> -> memref<8x128xf32, #tpu.memory_space<hbm>>
      %dma_wait3A_1033 = arith.constant 40 : i32
      %dma_wait3A_1034 = arith.constant 256 : i32
      %dma_wait3A_1035 = tpu.memref_slice %arg11[%dma_wait3A_1033, %dma_wait3A_1034] : memref<64x513xf32, #tpu.memory_space<vmem>> -> memref<8x128xf32, #tpu.memory_space<vmem>>
      tpu.wait_dma2 semaphore(%arg13 : memref<!tpu.dma_semaphore, #tpu.memory_space<semaphore_mem>>) src(%dma_wait3A_1035 : memref<8x128xf32, #tpu.memory_space<vmem>>) dst(%dma_wait3A_1032 : memref<8x128xf32, #tpu.memory_space<hbm>>)
      %dma_wait3A_1036 = arith.constant 5 : i32
      %dma_wait3A_1037 = arith.constant 40 : i32
      %dma_wait3A_1038 = arith.constant 384 : i32
      %dma_wait3A_1039 = tpu.memref_slice %arg11[%dma_wait3A_1037, %dma_wait3A_1038] : memref<64x513xf32, #tpu.memory_space<vmem>> -> memref<8x128xf32, #tpu.memory_space<vmem>>
      %dma_wait3A_1040 = arith.constant 0 : i32
      %dma_wait3A_1041 = arith.constant 0 : i32
      %dma_wait3A_1042 = tpu.memref_slice %arg6[%scan3A_9, %dma_wait3A_1036, %add3A_539, %dma_wait3A_1040, %dma_wait3A_1041] : memref<200x8x128x8x128xf32, #tpu.memory_space<hbm>> -> memref<1x1x1x8x128xf32, #tpu.memory_space<hbm>>
      %dma_wait3A_1043 = tpu.memref_squeeze %dma_wait3A_1042 : memref<1x1x1x8x128xf32, #tpu.memory_space<hbm>> -> memref<8x128xf32, #tpu.memory_space<hbm>>
      %dma_wait3A_1044 = arith.constant 0 : i32
      %dma_wait3A_1045 = arith.constant 0 : i32
      %dma_wait3A_1046 = tpu.memref_slice %arg6[%scan3A_9, %dma_wait3A_1036, %add3A_539, %dma_wait3A_1044, %dma_wait3A_1045] : memref<200x8x128x8x128xf32, #tpu.memory_space<hbm>> -> memref<1x1x1x8x128xf32, #tpu.memory_space<hbm>>
      %dma_wait3A_1047 = tpu.memref_squeeze %dma_wait3A_1046 : memref<1x1x1x8x128xf32, #tpu.memory_space<hbm>> -> memref<8x128xf32, #tpu.memory_space<hbm>>
      %dma_wait3A_1048 = arith.constant 40 : i32
      %dma_wait3A_1049 = arith.constant 384 : i32
      %dma_wait3A_1050 = tpu.memref_slice %arg11[%dma_wait3A_1048, %dma_wait3A_1049] : memref<64x513xf32, #tpu.memory_space<vmem>> -> memref<8x128xf32, #tpu.memory_space<vmem>>
      tpu.wait_dma2 semaphore(%arg13 : memref<!tpu.dma_semaphore, #tpu.memory_space<semaphore_mem>>) src(%dma_wait3A_1050 : memref<8x128xf32, #tpu.memory_space<vmem>>) dst(%dma_wait3A_1047 : memref<8x128xf32, #tpu.memory_space<hbm>>)
      %dma_wait3A_1051 = arith.constant 6 : i32
      %dma_wait3A_1052 = arith.constant 48 : i32
      %dma_wait3A_1053 = arith.constant 0 : i32
      %dma_wait3A_1054 = tpu.memref_slice %arg11[%dma_wait3A_1052, %dma_wait3A_1053] : memref<64x513xf32, #tpu.memory_space<vmem>> -> memref<8x128xf32, #tpu.memory_space<vmem>>
      %dma_wait3A_1055 = arith.constant 0 : i32
      %dma_wait3A_1056 = arith.constant 0 : i32
      %dma_wait3A_1057 = tpu.memref_slice %arg6[%scan3A_9, %dma_wait3A_1051, %add3A_556, %dma_wait3A_1055, %dma_wait3A_1056] : memref<200x8x128x8x128xf32, #tpu.memory_space<hbm>> -> memref<1x1x1x8x128xf32, #tpu.memory_space<hbm>>
      %dma_wait3A_1058 = tpu.memref_squeeze %dma_wait3A_1057 : memref<1x1x1x8x128xf32, #tpu.memory_space<hbm>> -> memref<8x128xf32, #tpu.memory_space<hbm>>
      %dma_wait3A_1059 = arith.constant 0 : i32
      %dma_wait3A_1060 = arith.constant 0 : i32
      %dma_wait3A_1061 = tpu.memref_slice %arg6[%scan3A_9, %dma_wait3A_1051, %add3A_556, %dma_wait3A_1059, %dma_wait3A_1060] : memref<200x8x128x8x128xf32, #tpu.memory_space<hbm>> -> memref<1x1x1x8x128xf32, #tpu.memory_space<hbm>>
      %dma_wait3A_1062 = tpu.memref_squeeze %dma_wait3A_1061 : memref<1x1x1x8x128xf32, #tpu.memory_space<hbm>> -> memref<8x128xf32, #tpu.memory_space<hbm>>
      %dma_wait3A_1063 = arith.constant 48 : i32
      %dma_wait3A_1064 = arith.constant 0 : i32
      %dma_wait3A_1065 = tpu.memref_slice %arg11[%dma_wait3A_1063, %dma_wait3A_1064] : memref<64x513xf32, #tpu.memory_space<vmem>> -> memref<8x128xf32, #tpu.memory_space<vmem>>
      tpu.wait_dma2 semaphore(%arg13 : memref<!tpu.dma_semaphore, #tpu.memory_space<semaphore_mem>>) src(%dma_wait3A_1065 : memref<8x128xf32, #tpu.memory_space<vmem>>) dst(%dma_wait3A_1062 : memref<8x128xf32, #tpu.memory_space<hbm>>)
      %dma_wait3A_1066 = arith.constant 6 : i32
      %dma_wait3A_1067 = arith.constant 48 : i32
      %dma_wait3A_1068 = arith.constant 128 : i32
      %dma_wait3A_1069 = tpu.memref_slice %arg11[%dma_wait3A_1067, %dma_wait3A_1068] : memref<64x513xf32, #tpu.memory_space<vmem>> -> memref<8x128xf32, #tpu.memory_space<vmem>>
      %dma_wait3A_1070 = arith.constant 0 : i32
      %dma_wait3A_1071 = arith.constant 0 : i32
      %dma_wait3A_1072 = tpu.memref_slice %arg6[%scan3A_9, %dma_wait3A_1066, %add3A_573, %dma_wait3A_1070, %dma_wait3A_1071] : memref<200x8x128x8x128xf32, #tpu.memory_space<hbm>> -> memref<1x1x1x8x128xf32, #tpu.memory_space<hbm>>
      %dma_wait3A_1073 = tpu.memref_squeeze %dma_wait3A_1072 : memref<1x1x1x8x128xf32, #tpu.memory_space<hbm>> -> memref<8x128xf32, #tpu.memory_space<hbm>>
      %dma_wait3A_1074 = arith.constant 0 : i32
      %dma_wait3A_1075 = arith.constant 0 : i32
      %dma_wait3A_1076 = tpu.memref_slice %arg6[%scan3A_9, %dma_wait3A_1066, %add3A_573, %dma_wait3A_1074, %dma_wait3A_1075] : memref<200x8x128x8x128xf32, #tpu.memory_space<hbm>> -> memref<1x1x1x8x128xf32, #tpu.memory_space<hbm>>
      %dma_wait3A_1077 = tpu.memref_squeeze %dma_wait3A_1076 : memref<1x1x1x8x128xf32, #tpu.memory_space<hbm>> -> memref<8x128xf32, #tpu.memory_space<hbm>>
      %dma_wait3A_1078 = arith.constant 48 : i32
      %dma_wait3A_1079 = arith.constant 128 : i32
      %dma_wait3A_1080 = tpu.memref_slice %arg11[%dma_wait3A_1078, %dma_wait3A_1079] : memref<64x513xf32, #tpu.memory_space<vmem>> -> memref<8x128xf32, #tpu.memory_space<vmem>>
      tpu.wait_dma2 semaphore(%arg13 : memref<!tpu.dma_semaphore, #tpu.memory_space<semaphore_mem>>) src(%dma_wait3A_1080 : memref<8x128xf32, #tpu.memory_space<vmem>>) dst(%dma_wait3A_1077 : memref<8x128xf32, #tpu.memory_space<hbm>>)
      %dma_wait3A_1081 = arith.constant 6 : i32
      %dma_wait3A_1082 = arith.constant 48 : i32
      %dma_wait3A_1083 = arith.constant 256 : i32
      %dma_wait3A_1084 = tpu.memref_slice %arg11[%dma_wait3A_1082, %dma_wait3A_1083] : memref<64x513xf32, #tpu.memory_space<vmem>> -> memref<8x128xf32, #tpu.memory_space<vmem>>
      %dma_wait3A_1085 = arith.constant 0 : i32
      %dma_wait3A_1086 = arith.constant 0 : i32
      %dma_wait3A_1087 = tpu.memref_slice %arg6[%scan3A_9, %dma_wait3A_1081, %add3A_590, %dma_wait3A_1085, %dma_wait3A_1086] : memref<200x8x128x8x128xf32, #tpu.memory_space<hbm>> -> memref<1x1x1x8x128xf32, #tpu.memory_space<hbm>>
      %dma_wait3A_1088 = tpu.memref_squeeze %dma_wait3A_1087 : memref<1x1x1x8x128xf32, #tpu.memory_space<hbm>> -> memref<8x128xf32, #tpu.memory_space<hbm>>
      %dma_wait3A_1089 = arith.constant 0 : i32
      %dma_wait3A_1090 = arith.constant 0 : i32
      %dma_wait3A_1091 = tpu.memref_slice %arg6[%scan3A_9, %dma_wait3A_1081, %add3A_590, %dma_wait3A_1089, %dma_wait3A_1090] : memref<200x8x128x8x128xf32, #tpu.memory_space<hbm>> -> memref<1x1x1x8x128xf32, #tpu.memory_space<hbm>>
      %dma_wait3A_1092 = tpu.memref_squeeze %dma_wait3A_1091 : memref<1x1x1x8x128xf32, #tpu.memory_space<hbm>> -> memref<8x128xf32, #tpu.memory_space<hbm>>
      %dma_wait3A_1093 = arith.constant 48 : i32
      %dma_wait3A_1094 = arith.constant 256 : i32
      %dma_wait3A_1095 = tpu.memref_slice %arg11[%dma_wait3A_1093, %dma_wait3A_1094] : memref<64x513xf32, #tpu.memory_space<vmem>> -> memref<8x128xf32, #tpu.memory_space<vmem>>
      tpu.wait_dma2 semaphore(%arg13 : memref<!tpu.dma_semaphore, #tpu.memory_space<semaphore_mem>>) src(%dma_wait3A_1095 : memref<8x128xf32, #tpu.memory_space<vmem>>) dst(%dma_wait3A_1092 : memref<8x128xf32, #tpu.memory_space<hbm>>)
      %dma_wait3A_1096 = arith.constant 6 : i32
      %dma_wait3A_1097 = arith.constant 48 : i32
      %dma_wait3A_1098 = arith.constant 384 : i32
      %dma_wait3A_1099 = tpu.memref_slice %arg11[%dma_wait3A_1097, %dma_wait3A_1098] : memref<64x513xf32, #tpu.memory_space<vmem>> -> memref<8x128xf32, #tpu.memory_space<vmem>>
      %dma_wait3A_1100 = arith.constant 0 : i32
      %dma_wait3A_1101 = arith.constant 0 : i32
      %dma_wait3A_1102 = tpu.memref_slice %arg6[%scan3A_9, %dma_wait3A_1096, %add3A_607, %dma_wait3A_1100, %dma_wait3A_1101] : memref<200x8x128x8x128xf32, #tpu.memory_space<hbm>> -> memref<1x1x1x8x128xf32, #tpu.memory_space<hbm>>
      %dma_wait3A_1103 = tpu.memref_squeeze %dma_wait3A_1102 : memref<1x1x1x8x128xf32, #tpu.memory_space<hbm>> -> memref<8x128xf32, #tpu.memory_space<hbm>>
      %dma_wait3A_1104 = arith.constant 0 : i32
      %dma_wait3A_1105 = arith.constant 0 : i32
      %dma_wait3A_1106 = tpu.memref_slice %arg6[%scan3A_9, %dma_wait3A_1096, %add3A_607, %dma_wait3A_1104, %dma_wait3A_1105] : memref<200x8x128x8x128xf32, #tpu.memory_space<hbm>> -> memref<1x1x1x8x128xf32, #tpu.memory_space<hbm>>
      %dma_wait3A_1107 = tpu.memref_squeeze %dma_wait3A_1106 : memref<1x1x1x8x128xf32, #tpu.memory_space<hbm>> -> memref<8x128xf32, #tpu.memory_space<hbm>>
      %dma_wait3A_1108 = arith.constant 48 : i32
      %dma_wait3A_1109 = arith.constant 384 : i32
      %dma_wait3A_1110 = tpu.memref_slice %arg11[%dma_wait3A_1108, %dma_wait3A_1109] : memref<64x513xf32, #tpu.memory_space<vmem>> -> memref<8x128xf32, #tpu.memory_space<vmem>>
      tpu.wait_dma2 semaphore(%arg13 : memref<!tpu.dma_semaphore, #tpu.memory_space<semaphore_mem>>) src(%dma_wait3A_1110 : memref<8x128xf32, #tpu.memory_space<vmem>>) dst(%dma_wait3A_1107 : memref<8x128xf32, #tpu.memory_space<hbm>>)
      %dma_wait3A_1111 = arith.constant 7 : i32
      %dma_wait3A_1112 = arith.constant 56 : i32
      %dma_wait3A_1113 = arith.constant 0 : i32
      %dma_wait3A_1114 = tpu.memref_slice %arg11[%dma_wait3A_1112, %dma_wait3A_1113] : memref<64x513xf32, #tpu.memory_space<vmem>> -> memref<8x128xf32, #tpu.memory_space<vmem>>
      %dma_wait3A_1115 = arith.constant 0 : i32
      %dma_wait3A_1116 = arith.constant 0 : i32
      %dma_wait3A_1117 = tpu.memref_slice %arg6[%scan3A_9, %dma_wait3A_1111, %add3A_624, %dma_wait3A_1115, %dma_wait3A_1116] : memref<200x8x128x8x128xf32, #tpu.memory_space<hbm>> -> memref<1x1x1x8x128xf32, #tpu.memory_space<hbm>>
      %dma_wait3A_1118 = tpu.memref_squeeze %dma_wait3A_1117 : memref<1x1x1x8x128xf32, #tpu.memory_space<hbm>> -> memref<8x128xf32, #tpu.memory_space<hbm>>
      %dma_wait3A_1119 = arith.constant 0 : i32
      %dma_wait3A_1120 = arith.constant 0 : i32
      %dma_wait3A_1121 = tpu.memref_slice %arg6[%scan3A_9, %dma_wait3A_1111, %add3A_624, %dma_wait3A_1119, %dma_wait3A_1120] : memref<200x8x128x8x128xf32, #tpu.memory_space<hbm>> -> memref<1x1x1x8x128xf32, #tpu.memory_space<hbm>>
      %dma_wait3A_1122 = tpu.memref_squeeze %dma_wait3A_1121 : memref<1x1x1x8x128xf32, #tpu.memory_space<hbm>> -> memref<8x128xf32, #tpu.memory_space<hbm>>
      %dma_wait3A_1123 = arith.constant 56 : i32
      %dma_wait3A_1124 = arith.constant 0 : i32
      %dma_wait3A_1125 = tpu.memref_slice %arg11[%dma_wait3A_1123, %dma_wait3A_1124] : memref<64x513xf32, #tpu.memory_space<vmem>> -> memref<8x128xf32, #tpu.memory_space<vmem>>
      tpu.wait_dma2 semaphore(%arg13 : memref<!tpu.dma_semaphore, #tpu.memory_space<semaphore_mem>>) src(%dma_wait3A_1125 : memref<8x128xf32, #tpu.memory_space<vmem>>) dst(%dma_wait3A_1122 : memref<8x128xf32, #tpu.memory_space<hbm>>)
      %dma_wait3A_1126 = arith.constant 7 : i32
      %dma_wait3A_1127 = arith.constant 56 : i32
      %dma_wait3A_1128 = arith.constant 128 : i32
      %dma_wait3A_1129 = tpu.memref_slice %arg11[%dma_wait3A_1127, %dma_wait3A_1128] : memref<64x513xf32, #tpu.memory_space<vmem>> -> memref<8x128xf32, #tpu.memory_space<vmem>>
      %dma_wait3A_1130 = arith.constant 0 : i32
      %dma_wait3A_1131 = arith.constant 0 : i32
      %dma_wait3A_1132 = tpu.memref_slice %arg6[%scan3A_9, %dma_wait3A_1126, %add3A_641, %dma_wait3A_1130, %dma_wait3A_1131] : memref<200x8x128x8x128xf32, #tpu.memory_space<hbm>> -> memref<1x1x1x8x128xf32, #tpu.memory_space<hbm>>
      %dma_wait3A_1133 = tpu.memref_squeeze %dma_wait3A_1132 : memref<1x1x1x8x128xf32, #tpu.memory_space<hbm>> -> memref<8x128xf32, #tpu.memory_space<hbm>>
      %dma_wait3A_1134 = arith.constant 0 : i32
      %dma_wait3A_1135 = arith.constant 0 : i32
      %dma_wait3A_1136 = tpu.memref_slice %arg6[%scan3A_9, %dma_wait3A_1126, %add3A_641, %dma_wait3A_1134, %dma_wait3A_1135] : memref<200x8x128x8x128xf32, #tpu.memory_space<hbm>> -> memref<1x1x1x8x128xf32, #tpu.memory_space<hbm>>
      %dma_wait3A_1137 = tpu.memref_squeeze %dma_wait3A_1136 : memref<1x1x1x8x128xf32, #tpu.memory_space<hbm>> -> memref<8x128xf32, #tpu.memory_space<hbm>>
      %dma_wait3A_1138 = arith.constant 56 : i32
      %dma_wait3A_1139 = arith.constant 128 : i32
      %dma_wait3A_1140 = tpu.memref_slice %arg11[%dma_wait3A_1138, %dma_wait3A_1139] : memref<64x513xf32, #tpu.memory_space<vmem>> -> memref<8x128xf32, #tpu.memory_space<vmem>>
      tpu.wait_dma2 semaphore(%arg13 : memref<!tpu.dma_semaphore, #tpu.memory_space<semaphore_mem>>) src(%dma_wait3A_1140 : memref<8x128xf32, #tpu.memory_space<vmem>>) dst(%dma_wait3A_1137 : memref<8x128xf32, #tpu.memory_space<hbm>>)
      %dma_wait3A_1141 = arith.constant 7 : i32
      %dma_wait3A_1142 = arith.constant 56 : i32
      %dma_wait3A_1143 = arith.constant 256 : i32
      %dma_wait3A_1144 = tpu.memref_slice %arg11[%dma_wait3A_1142, %dma_wait3A_1143] : memref<64x513xf32, #tpu.memory_space<vmem>> -> memref<8x128xf32, #tpu.memory_space<vmem>>
      %dma_wait3A_1145 = arith.constant 0 : i32
      %dma_wait3A_1146 = arith.constant 0 : i32
      %dma_wait3A_1147 = tpu.memref_slice %arg6[%scan3A_9, %dma_wait3A_1141, %add3A_658, %dma_wait3A_1145, %dma_wait3A_1146] : memref<200x8x128x8x128xf32, #tpu.memory_space<hbm>> -> memref<1x1x1x8x128xf32, #tpu.memory_space<hbm>>
      %dma_wait3A_1148 = tpu.memref_squeeze %dma_wait3A_1147 : memref<1x1x1x8x128xf32, #tpu.memory_space<hbm>> -> memref<8x128xf32, #tpu.memory_space<hbm>>
      %dma_wait3A_1149 = arith.constant 0 : i32
      %dma_wait3A_1150 = arith.constant 0 : i32
      %dma_wait3A_1151 = tpu.memref_slice %arg6[%scan3A_9, %dma_wait3A_1141, %add3A_658, %dma_wait3A_1149, %dma_wait3A_1150] : memref<200x8x128x8x128xf32, #tpu.memory_space<hbm>> -> memref<1x1x1x8x128xf32, #tpu.memory_space<hbm>>
      %dma_wait3A_1152 = tpu.memref_squeeze %dma_wait3A_1151 : memref<1x1x1x8x128xf32, #tpu.memory_space<hbm>> -> memref<8x128xf32, #tpu.memory_space<hbm>>
      %dma_wait3A_1153 = arith.constant 56 : i32
      %dma_wait3A_1154 = arith.constant 256 : i32
      %dma_wait3A_1155 = tpu.memref_slice %arg11[%dma_wait3A_1153, %dma_wait3A_1154] : memref<64x513xf32, #tpu.memory_space<vmem>> -> memref<8x128xf32, #tpu.memory_space<vmem>>
      tpu.wait_dma2 semaphore(%arg13 : memref<!tpu.dma_semaphore, #tpu.memory_space<semaphore_mem>>) src(%dma_wait3A_1155 : memref<8x128xf32, #tpu.memory_space<vmem>>) dst(%dma_wait3A_1152 : memref<8x128xf32, #tpu.memory_space<hbm>>)
      %dma_wait3A_1156 = arith.constant 7 : i32
      %dma_wait3A_1157 = arith.constant 56 : i32
      %dma_wait3A_1158 = arith.constant 384 : i32
      %dma_wait3A_1159 = tpu.memref_slice %arg11[%dma_wait3A_1157, %dma_wait3A_1158] : memref<64x513xf32, #tpu.memory_space<vmem>> -> memref<8x128xf32, #tpu.memory_space<vmem>>
      %dma_wait3A_1160 = arith.constant 0 : i32
      %dma_wait3A_1161 = arith.constant 0 : i32
      %dma_wait3A_1162 = tpu.memref_slice %arg6[%scan3A_9, %dma_wait3A_1156, %add3A_675, %dma_wait3A_1160, %dma_wait3A_1161] : memref<200x8x128x8x128xf32, #tpu.memory_space<hbm>> -> memref<1x1x1x8x128xf32, #tpu.memory_space<hbm>>
      %dma_wait3A_1163 = tpu.memref_squeeze %dma_wait3A_1162 : memref<1x1x1x8x128xf32, #tpu.memory_space<hbm>> -> memref<8x128xf32, #tpu.memory_space<hbm>>
      %dma_wait3A_1164 = arith.constant 0 : i32
      %dma_wait3A_1165 = arith.constant 0 : i32
      %dma_wait3A_1166 = tpu.memref_slice %arg6[%scan3A_9, %dma_wait3A_1156, %add3A_675, %dma_wait3A_1164, %dma_wait3A_1165] : memref<200x8x128x8x128xf32, #tpu.memory_space<hbm>> -> memref<1x1x1x8x128xf32, #tpu.memory_space<hbm>>
      %dma_wait3A_1167 = tpu.memref_squeeze %dma_wait3A_1166 : memref<1x1x1x8x128xf32, #tpu.memory_space<hbm>> -> memref<8x128xf32, #tpu.memory_space<hbm>>
      %dma_wait3A_1168 = arith.constant 56 : i32
      %dma_wait3A_1169 = arith.constant 384 : i32
      %dma_wait3A_1170 = tpu.memref_slice %arg11[%dma_wait3A_1168, %dma_wait3A_1169] : memref<64x513xf32, #tpu.memory_space<vmem>> -> memref<8x128xf32, #tpu.memory_space<vmem>>
      tpu.wait_dma2 semaphore(%arg13 : memref<!tpu.dma_semaphore, #tpu.memory_space<semaphore_mem>>) src(%dma_wait3A_1170 : memref<8x128xf32, #tpu.memory_space<vmem>>) dst(%dma_wait3A_1167 : memref<8x128xf32, #tpu.memory_space<hbm>>)
    }
    %scan3A_8 = arith.constant 200 : i32
    return
  }
}

</mosaic_0001>

<sc_bundles>
// kernel: _run.3.cloned.1.call-start
scs
__scs_entry_jumppad:
0x0: {  	(pc) =	sbr.rel $0x88, $3  }
0x1: {  	(tag) =	ssettag $0x0;
	lr =	simm.s32 $0x1  }
0x2: {  	[smem:$0x3F9D] =	sst lr;
	_ =	strace $0xD0000000  }
0x3: {  	_ = 	snop  }
0x4: {  	_ = 	snop  }
0x5: {  	_ = 	snop  }
0x6: {  	_ = 	snop  }
0x7: {  	_ = 	snop  }
__scs_overlays_trampoline_lowered:
0x8: {  	[smem:$0x3FAC] =	sst s0  }
0x9: {  	[smem:$0x3FAD] =	sst s1  }
0xa: {  	[smem:$0x3FAE] =	sst s2  }
0xb: {  	[smem:$0x3FAF] =	sst s3  }
0xc: {  	[smem:$0x3FB0] =	sst s4  }
0xd: {  	[smem:$0x3FB1] =	sst s5  }
0xe: {  	[smem:$0x3FB2] =	sst s6  }
0xf: {  	[smem:$0x3FB3] =	sst s7  }
0x10: {  	[smem:$0x3FB4] =	sst s8  }
0x11: {  	[smem:$0x3FB5] =	sst s9;
	s0 =	simm.s32 @!p0 $0x0  }
0x12: {  	s1 =	sld [smem:$0x3F9B];
	s0 =	simm.s32 @p0 $0x1  }
0x13: {  	[smem:$0x3FB6] =	sst s0;
	s0 =	simm.s32 @!p1 $0x0  }
0x14: {  	s2 =	sld [smem:$0x3F9A];
	s0 =	simm.s32 @p1 $0x1  }
0x15: {  	[smem:$0x3FB7] =	sst s0;
	s0 =	simm.s32 @!p2 $0x0  }
0x16: {  	s3 =	sld [smem:$0x3FDB];
	s0 =	simm.s32 @p2 $0x1  }
0x17: {  	s4 =	simm.s32 $0x1BF5;
	[smem:$0x3FB9] =	sst s0  }
0x18: {  	s0 =	sld [smem:$0x3F9C];
	_ =	swait.ge [sflag:s4], $0x0  }
0x19: {  	s7 =	sld [smem:$0x3F9D]  }
0x1a: {  	s8 =	sadd.s32 $0xFFFFE003, lr  }
0x1b: {  	s9 =	sadd.s32 $0xFFFFFEF7, lr;
	s5 =	simm.s32 $0xFFFFFFFF;
	p2 =	slt.u32 s8, $0xFFFFF086  }
0x1c: {  	p1 =	slt.u32 s9, $0xF7A;
	s5 =	simm.s32 @!p2 $0x0  }
0x1d: {  	s5 =	simm.s32 @p1 $0x1;
	p0 =	seq.s32 s7, s2  }
0x1e: {  	s7 =	smul.u32 @!p0 $0xF7A, s2;
	p2 =	seq.s32 @!p0 s5, $0x0  }
0x1f: {  	s9 =	smul.u32 $0xF7A, s1;
	s8 =	simm.s32 @!p0 $0x1BF5;
	p2 =	por !p2, p0  }
0x20: {  	[sflag:s8] =	ssyncset.s32 @!p0 $0xFFFFF086;
	s6 =	sadd.s32 @!p0 s3, s7;
	s7 =	simm.s32 @!p0 $0x108  }
0x21: {  	s3 =	sadd.s32 s3, s9;
	s6 =	sadd.s32 @!p0 $0x88, s6;
	s7 =	simm.s32 @p2 $0x1082  }
0x22: {  	[simem:s7], [sflag:s8] =	dma.local @!p0 [hbm:s6], $0xF7A  }
0x23: {  	s9 =	sor.u32 $0xD0000000, s2;
	s6 =	simm.s32 $0x108;
	_ =	swait.ge @!p0 [sflag:s8], $0x0  }
0x24: {  	s3 =	sadd.s32 $0x88, s3;
	s6 =	simm.s32 @!p1 $0x1082;
	[sflag:s4] =	ssyncset.s32 $0xFFFFF086  }
0x25: {  	[simem:s6], [sflag:s4] =	dma.local [hbm:s3], $0xF7A  }
0x26: {  	[smem:$0x3F9D] =	sst s1;
	(tag) =	ssettag s2;
	_ =	strace s9  }
0x27: {  	s1 =	sld [smem:$0x3FAD]  }
0x28: {  	s2 =	sld [smem:$0x3FAE]  }
0x29: {  	s4 =	sld [smem:$0x3FB0]  }
0x2a: {  	p0 =	seq.s32 s5, $0x0;
	s5 =	sld [smem:$0x3FB1]  }
0x2b: {  	s6 =	sld [smem:$0x3FB2]  }
0x2c: {  	s7 =	sld [smem:$0x3FB3]  }
0x2d: {  	s3 =	simm.s32 $0x108;
	s8 =	sld [smem:$0x3FB4]  }
0x2e: {  	s3 =	simm.s32 @!p0 $0x1082;
	s9 =	sld [smem:$0x3FB5]  }
0x2f: {  	lr =	sadd.s32 s0, s3;
	s0 =	sld [smem:$0x3FAC]  }
0x30: {  	s3 =	sld [smem:$0x3FAF]  }
0x31: {  	[smem:$0x3FB8] =	sst s10  }
0x32: {  	s10 =	sld [smem:$0x3FB6];
	_ =	sdelay $0x3  }
0x33: {  	p0 =	seq.s32 s10, $0x1;
	s10 =	sld [smem:$0x3FB8];
	_ =	sdelay $0x3  }
0x34: {  	[smem:$0x3FB8] =	sst s10  }
0x35: {  	s10 =	sld [smem:$0x3FB7];
	_ =	sdelay $0x3  }
0x36: {  	p1 =	seq.s32 s10, $0x1;
	s10 =	sld [smem:$0x3FB8];
	_ =	sdelay $0x3  }
0x37: {  	[smem:$0x3FB8] =	sst s10  }
0x38: {  	s10 =	sld [smem:$0x3FB9]  }
0x39: {  	_ = 	snop;
	(pc) =	sbr.ind lr, $3  }
0x3a: {  	_ = 	snop  }
0x3b: {  	_ = 	snop  }
0x3c: {  	p2 =	seq.s32 s10, $0x1;
	s10 =	sld [smem:$0x3FB8]  }
0x3d: {  	_ =	shalt  }
0x3e: {  	_ =	shalt  }
0x3f: {  	_ =	shalt  }
0x40: {  	_ =	shalt  }
0x41: {  	_ =	shalt  }
0x42: {  	_ =	shalt  }
0x43: {  	_ =	shalt  }
0x44: {  	_ =	shalt  }
0x45: {  	_ =	shalt  }
0x46: {  	_ =	shalt  }
0x47: {  	_ =	shalt  }
0x48: {  	_ =	shalt  }
0x49: {  	_ =	shalt  }
0x4a: {  	_ =	shalt  }
0x4b: {  	_ =	shalt  }
0x4c: {  	_ =	shalt  }
0x4d: {  	_ =	shalt  }
0x4e: {  	_ =	shalt  }
0x4f: {  	_ =	shalt  }
0x50: {  	_ =	shalt  }
0x51: {  	_ =	shalt  }
0x52: {  	_ =	shalt  }
0x53: {  	_ =	shalt  }
0x54: {  	_ =	shalt  }
0x55: {  	_ =	shalt  }
0x56: {  	_ =	shalt  }
0x57: {  	_ =	shalt  }
0x58: {  	_ =	shalt  }
0x59: {  	_ =	shalt  }
0x5a: {  	_ =	shalt  }
0x5b: {  	_ =	shalt  }
0x5c: {  	_ =	shalt  }
0x5d: {  	_ =	shalt  }
0x5e: {  	_ =	shalt  }
0x5f: {  	_ =	shalt  }
0x60: {  	_ =	shalt  }
0x61: {  	_ =	shalt  }
0x62: {  	_ =	shalt  }
0x63: {  	_ =	shalt  }
0x64: {  	_ =	shalt  }
0x65: {  	_ =	shalt  }
0x66: {  	_ =	shalt  }
0x67: {  	_ =	shalt  }
0x68: {  	_ =	shalt  }
0x69: {  	_ =	shalt  }
0x6a: {  	_ =	shalt  }
0x6b: {  	_ =	shalt  }
0x6c: {  	_ =	shalt  }
0x6d: {  	_ =	shalt  }
0x6e: {  	_ =	shalt  }
0x6f: {  	_ =	shalt  }
0x70: {  	_ =	shalt  }
0x71: {  	_ =	shalt  }
0x72: {  	_ =	shalt  }
0x73: {  	_ =	shalt  }
0x74: {  	_ =	shalt  }
0x75: {  	_ =	shalt  }
0x76: {  	_ =	shalt  }
0x77: {  	_ =	shalt  }
0x78: {  	_ =	shalt  }
0x79: {  	_ =	shalt  }
0x7a: {  	_ =	shalt  }
0x7b: {  	_ =	shalt  }
0x7c: {  	_ =	shalt  }
0x7d: {  	_ =	shalt  }
0x7e: {  	_ =	shalt  }
0x7f: {  	_ =	shalt  }
0x80: {  	_ =	shalt  }
0x81: {  	_ =	shalt  }
0x82: {  	_ =	shalt  }
0x83: {  	_ =	shalt  }
0x84: {  	_ =	shalt  }
0x85: {  	_ =	shalt  }
0x86: {  	_ =	shalt  }
0x87: {  	_ =	shalt  }
.Lfunc_end0:
.L_simem_size_0:
called_computation_lowered:
.L_overlay_start_0:
0x88: {  	s2 =	sld [smem:$0x3FD9]  }
0x89: {  	s3 =	sld [smem:$0x3FFE];
	_ =	sdelay $0x1  }
0x8a: {  	s1 =	srdreg.scid  }
0x8b: {  	s0 =	sand.u32 $0x1, s1  }
0x8c: {  	s17 =	sshll.u32 s0, $0xA;
	s2 =	sadd.s32 s3, s2  }
0x8d: {  	s2 =	sadd.s32 s2, s17  }
0x8e: {  	[smem:$0x3FC4] =	sst s2  }
0x8f: {  	_ = 	snop  }
0x90: {  	s2 =	sld [smem:$0x3FD0];
	(tm) =	ssettm $0x1  }
0x91: {  	s18 =	sld [smem:$0x3FFB];
	_ =	sdelay $0x3  }
0x92: {  	_ =	strace s18  }
0x93: {  	s3 =	sld [smem:$0x3FFC];
	_ =	sdelay $0x3  }
0x94: {  	_ =	strace s3  }
0x95: {  	s3 =	sld [smem:$0x3FFD];
	_ =	sdelay $0x3  }
0x96: {  	_ =	strace s3  }
0x97: {  	_ =	strace $0x8FFFFFFF  }
0x98: {  	s19 =	sld [smem:$0x3FDB];
	_ =	sdelay $0x1  }
0x99: {  	s4 =	simm.s32 $_scs_section_size  }
0x9a: {  	s5 =	simm.s32 $_size__tile_overlayer_lowered;
	s6 =	simm.s32 $_tile_overlayer_lowered  }
0x9b: {  	s22 =	simm.s32 $0x1BFF;
	s21 =	sshll.u32 s6, $0x1;
	s3 =	sadd.s32 s4, s19  }
0x9c: {  	s7 =	simm.s32 $0x0;
	s20 =	sshll.u32 s5, $0x1;
	s5 =	sadd.s32 s21, s3  }
0x9d: {  	[timem:s7], [sflag:s22] =	dma.local [hbm:s5], s20  }
0x9e: {  	_ =	swait.ge [sflag:s22], s20  }
0x9f: {  	s4 =	ssub.s32 $0x0, s20;
	[sflag:s22] =	ssyncset.done $0x0  }
0xa0: {  	[sflag:s22] =	ssyncadd.s32 s4;
	_ =	sdelay $0x1  }
0xa1: {  	s23 =	simm.s32 $0x1B8B  }
0xa2: {  	_ =	swait.ge [sflag:s23], $0x1  }
0xa3: {  	[sflag:s23] =	ssyncset.done $0x0  }
0xa4: {  	s25 =	simm.s32 $0x1B8E;
	s24 =	sld [smem:$0x3FFE];
	[sflag:s23] =	ssyncadd.s32 $0xFFFFFFFF  }
0xa5: {  	s26 =	simm.s32 $execute0_lowered;
	[smem:$0x3FD2] =	sst s25  }
0xa6: {  	s5 =	sshll.u32 s26, $0x1;
	_ =	strace $0x80000046;
	[dreg:$0x1] =	wrdreg $0xFFFFFFFF  }
0xa7: {  	s28 =	simm.s32 $_size_execute0_lowered;
	s3 =	sadd.s32 s3, s5;
	[dreg:$0x0] =	wrdreg $0x0  }
0xa8: {  	s5 =	sshll.u32 s28, $0x1;
	[dreg:$0x2] =	wrdreg s3  }
0xa9: {  	[dreg:$0x3] =	wrdreg s5  }
0xaa: {  	[dreg:$0x4] =	wrdreg $0xC0  }
0xab: {  	_ =	task [dreg:s7], $0x5FFFF  }
0xac: {  	[dreg:$0x1] =	wrdreg $0xFFFFFFFF  }
0xad: {  	[dreg:$0x0] =	wrdreg $0x60  }
0xae: {  	[dreg:$0x2] =	wrdreg s24  }
0xaf: {  	[dreg:$0x3] =	wrdreg s2  }
0xb0: {  	[dreg:$0x4] =	wrdreg $0x9  }
0xb1: {  	_ =	task.clear_ibuf [dreg:s7], $0x5FFFF;
	_ =	strace $0x90000046  }
0xb2: {  	s29 =	simm.s32 $0x9;
	_ =	strace $0x80000048  }
0xb3: {  	_ =	swait.ge [sflag:s29], $0x1  }
0xb4: {  	[sflag:s29] =	ssyncadd.s32 $0xFFFFFFFF  }
0xb5: {  	_ =	strace $0x90000048  }
0xb6: {  	_ =	sfence  }
0xb7: {  	s30 =	sld [smem:$0x0];
	_ =	sdelay $0x2  }
0xb8: {  	s31 =	sshll.u32 s1, $0xD;
	s1 =	sshrl.u32 s1, $0x2  }
0xb9: {  	s3 =	sand.u32 $0x4000, s31;
	s1 =	sadd.s32 s1, s30  }
0xba: {  	s0 =	sor.u32 s3, s0;
	s1 =	sshll.u32 s1, $0x11  }
0xbb: {  	s0 =	sor.u32 s1, s0  }
0xbc: {  	s0 =	sadd.s32 $0x8F2B, s0  }
0xbd: {  	[sflag:s0] =	ssyncadd.remote.s32 $0x1  }
0xbe: {  	_ =	sfence.sel $0xFFFF  }
0xbf: {  	[dreg:$0x0] =	wrdreg $0xFFFFFFFF;
	(pc) =	sbr.abs _section_cstart, $3  }
0xc0: {  	[dreg:$0x1] =	wrdreg $0xFFFFFFFF  }
0xc1: {  	_ =	task.clear_ibuf [dreg:s7], $0x2FFFF;
	_ =	strace $0x9FFFFFFF  }
0xc2: {  	(tm) =	ssettm $0x7FFFFFFF  }
0xc3: {  	_ =	shalt  }
tec
execute0_lowered:
.L_overlay_start_1:
0x0: {  	(tag) =	ssettag $0x1  }
0x1: {  	s0 =	rddreg [dreg:$0x0]  }
0x2: {  	s1 =	rddreg [dreg:$0x1]  }
0x3: {  	s2 =	simm.s32 $0x0;
	s4 =	srdreg.scid;
	s10 =	stileid.u32  }
0x4: {  	s18 =	simm.s32 $0x3;
	s19 =	simm.s32 $0x200;
	s20 =	simm.s32 $0x80  }
0x5: {  	s21 =	simm.s32 $0x1;
	s22 =	simm.s32 $0x8400;
	s17 =	simm.s32 $0xFF60  }
0x6: {  	s23 =	simm.s32 $0x10168;
	s24 =	simm.s32 $0x10578;
	s25 =	simm.s32 $0x2  }
0x7: {  	[smem:$0x7FF] =	sst s2;
	s3 =	sadd.s32 $0x1600, s0;
	s4 =	sand.u32 $0x1, s4  }
0x8: {  	s5 =	sadd.s32 $0x65600, s0;
	s6 =	sadd.s32 $0x12B200, s0;
	s7 =	sadd.s32 $0xC9600, s0  }
0x9: {  	s11 =	sadd.s32 $0x8000, s1;
	s12 =	sadd.s32 $0xC000, s1;
	s13 =	sadd.s32 $0x10000, s1  }
0xa: {  	s14 =	sadd.s32 $0x14000, s1;
	s15 =	sadd.s32 $0x18000, s1;
	s8 =	ssub.s32 $0x2, s4  }
0xb: {  	v0 =	vlaneseq.u32;
	s16 =	sadd.s32 $0x1C000, s1;
	s4 =	sshll.u32 s4, $0x4;
	s9 =	sshrl.u32 s8, $0x1  }
0xc: {  	v0 =	vmul.u32 $0x208, v0;
	_ =	strace $0x80000047;
	s4 =	sor.u32 s10, s4;
	s31 =	ssub.s32 s8, s9  }
0xd: {  	s10 =	sadd.s32 $0x4000, s1;
	s8 =	sshll.u32 s4, $0xC;
	s0 =	smax.u32 s31, $0x1  }
0xe: {  	v1 =	vadd.s32 $0x2080, v0;
	v2 =	vadd.s32 $0x4100, v0;
	v3 =	vadd.s32 $0x6180, v0;
	s9 =	sshll.u32 s4, $0x6;
	s4 =	simm.s32 $0x0;
	[dreg:$0x3] =	wrdreg s0  }
.LBB2_1:
0xf: {  	[dreg:$0x4] =	wrdreg s4;
	s26 =	simm.s32 $0x0  }
.LBB2_2:
0x10: {  	s0 =	sshll.u32 s26, $0xB  }
0x11: {  	s0 =	sor.u32 s9, s0  }
0x12: {  	s28 =	simm.s32 $0x0;
	s4 =	sadd.s32 s3, s0  }
0x13: {  	[tilespmem:s28], [sflag:$0x3] =	stream.linear.gather [hbm4b:s4+s28], $0x200, $0x38;
	[tilespmem:$0x10600] =	vst v63  }
0x14: {  	_ =	swait.ge [sflag:s18], $0x200  }
0x15: {  	[sflag:s18] =	ssyncset.done $0x0  }
0x16: {  	s0 =	sadd.s32 s5, s0;
	[sflag:s18] =	ssyncadd.s32 $0xFFFFFE00  }
0x17: {  	[tilespmem:s19], [sflag:$0x3] =	stream.linear.gather [hbm4b:s0+s28], $0x200, $0x38;
	[tilespmem:$0x10600] =	vst v63  }
0x18: {  	_ =	swait.ge [sflag:s18], $0x200  }
0x19: {  	[sflag:s18] =	ssyncset.done $0x0  }
0x1a: {  	s4 =	simm.s32 $0x400;
	[sflag:s18] =	ssyncadd.s32 $0xFFFFFE00  }
0x1b: {  	[tilespmem:s4], [sflag:$0x1] =	stream.indirect.gather [hbm4b:s6+s20], $0x20, s28, s20, $0xb8;
	[tilespmem:$0x10600] =	vst v63  }
0x1c: {  	s4 =	simm.s32 $0x4400  }
0x1d: {  	[tilespmem:s4], [sflag:$0x1] =	stream.indirect.gather [hbm4b:s7+s20], $0x20, s19, s20, $0xb8;
	[tilespmem:$0x10600] =	vst v63  }
0x1e: {  	s4 =	simm.s32 $0x1400  }
0x1f: {  	[tilespmem:s4], [sflag:$0x1] =	stream.indirect.gather [hbm4b:s6+s20], $0x20, s20, s20, $0xb8;
	[tilespmem:$0x10600] =	vst v63  }
0x20: {  	s0 =	simm.s32 $0x280;
	s4 =	simm.s32 $0x5400  }
0x21: {  	[tilespmem:s4], [sflag:$0x1] =	stream.indirect.gather [hbm4b:s7+s20], $0x20, s0, s20, $0xb8;
	[tilespmem:$0x10600] =	vst v63  }
0x22: {  	s0 =	simm.s32 $0x100;
	s4 =	simm.s32 $0x2400  }
0x23: {  	[tilespmem:s4], [sflag:$0x1] =	stream.indirect.gather [hbm4b:s6+s20], $0x20, s0, s20, $0xb8;
	[tilespmem:$0x10600] =	vst v63  }
0x24: {  	s0 =	simm.s32 $0x300;
	s4 =	simm.s32 $0x6400  }
0x25: {  	[tilespmem:s4], [sflag:$0x1] =	stream.indirect.gather [hbm4b:s7+s20], $0x20, s0, s20, $0xb8;
	[tilespmem:$0x10600] =	vst v63  }
0x26: {  	s0 =	simm.s32 $0x180;
	s4 =	simm.s32 $0x3400  }
0x27: {  	[tilespmem:s4], [sflag:$0x1] =	stream.indirect.gather [hbm4b:s6+s20], $0x20, s0, s20, $0xb8;
	[tilespmem:$0x10600] =	vst v63  }
0x28: {  	s0 =	simm.s32 $0x380;
	s4 =	simm.s32 $0x7400  }
0x29: {  	[tilespmem:s4], [sflag:$0x1] =	stream.indirect.gather [hbm4b:s7+s20], $0x20, s0, s20, $0xb8;
	[tilespmem:$0x10600] =	vst v63  }
0x2a: {  	_ =	swait.ge [sflag:s21], $0x1000  }
0x2b: {  	[sflag:s21] =	ssyncset.done $0x0  }
0x2c: {  	[sflag:s21] =	ssyncadd.s32 $0xFFFFF000  }
0x2d: {  	_ =	swait.ge [sflag:s21], $0x1000  }
0x2e: {  	[sflag:s21] =	ssyncset.done $0x0  }
0x2f: {  	[sflag:s21] =	ssyncadd.s32 $0xFFFFF000  }
0x30: {  	_ =	swait.ge [sflag:s21], $0x1000  }
0x31: {  	[sflag:s21] =	ssyncset.done $0x0  }
0x32: {  	[sflag:s21] =	ssyncadd.s32 $0xFFFFF000  }
0x33: {  	_ =	swait.ge [sflag:s21], $0x1000  }
0x34: {  	[sflag:s21] =	ssyncset.done $0x0  }
0x35: {  	[sflag:s21] =	ssyncadd.s32 $0xFFFFF000  }
0x36: {  	_ =	swait.ge [sflag:s21], $0x1000  }
0x37: {  	[sflag:s21] =	ssyncset.done $0x0  }
0x38: {  	[sflag:s21] =	ssyncadd.s32 $0xFFFFF000  }
0x39: {  	_ =	swait.ge [sflag:s21], $0x1000  }
0x3a: {  	[sflag:s21] =	ssyncset.done $0x0  }
0x3b: {  	[sflag:s21] =	ssyncadd.s32 $0xFFFFF000  }
0x3c: {  	_ =	swait.ge [sflag:s21], $0x1000  }
0x3d: {  	[sflag:s21] =	ssyncset.done $0x0  }
0x3e: {  	[sflag:s21] =	ssyncadd.s32 $0xFFFFF000  }
0x3f: {  	s4 =	simm.s32 $0x3;
	_ =	swait.ge [sflag:s21], $0x1000  }
0x40: {  	v4 =	vmov s4;
	[sflag:s21] =	ssyncset.done $0x0  }
0x41: {  	s0 =	simm.s32 $0x440;
	v5 =	vand.u32 $0x1FF, v4;
	v4 =	vmov s28;
	[sflag:s21] =	ssyncadd.s32 $0xFFFFF000  }
0x42: {  	v8 =	vadd.s32 v0, v5;
	v6 =	vand.u32 $0x1FC, v4;
	v7 =	vld [tilespmem:s0+$0x20]  }
0x43: {  	s4 =	simm.s32 $0x1;
	v10 =	vadd.s32 v0, v6;
	v9 =	vld [tilespmem:s0+$0xFFFFFFC0]  }
0x44: {  	v4 =	vmov s4;
	s4 =	simm.s32 $0x2  }
0x45: {  	v11 =	vand.u32 $0x1FD, v4;
	v13 =	vmov s4  }
0x46: {  	v12 =	vadd.s32 v0, v11;
	v13 =	vand.u32 $0x1FE, v13;
	v4 =	vld [tilespmem:s0+$0xFFFFFFE0]  }
0x47: {  	v15 =	vadd.s32 v0, v13;
	v14 =	vld [tilespmem:s0+$0x0];
	[tilespmem:v8+s22+$0x0] =	vst.idx.msk $0xffff, v7  }
0x48: {  	v8 =	vadd.s32 v1, v5;
	[tilespmem:v10+s22+$0x0] =	vst.idx.msk $0xffff, v9;
	v7 =	vld [tilespmem:s0+$0x30]  }
0x49: {  	v10 =	vadd.s32 v1, v6;
	v9 =	vld [tilespmem:s0+$0xFFFFFFD0];
	_ =	sdelay $0x1  }
0x4a: {  	[tilespmem:v12+s22+$0x0] =	vst.idx.msk $0xffff, v4  }
0x4b: {  	v12 =	vadd.s32 v1, v11;
	[tilespmem:v15+s22+$0x0] =	vst.idx.msk $0xffff, v14;
	v4 =	vld [tilespmem:s0+$0xFFFFFFF0]  }
0x4c: {  	s29 =	simm.s32 $0x4440;
	v16 =	vadd.s32 v1, v13;
	v15 =	vld [tilespmem:s0+$0x10];
	s0 =	simm.s32 $0x7;
	[tilespmem:v8+s22+$0x0] =	vst.idx.msk $0xffff, v7  }
0x4d: {  	v14 =	vadd.s32 v2, v5;
	[tilespmem:v10+s22+$0x0] =	vst.idx.msk $0xffff, v9;
	v8 =	vmov s0;
	v7 =	vld [tilespmem:s29+$0x20]  }
0x4e: {  	s30 =	simm.s32 $0x4C0;
	v10 =	vadd.s32 v2, v6;
	v9 =	vld [tilespmem:s29+$0xFFFFFFC0];
	v8 =	vand.u32 $0x1FF, v8  }
0x4f: {  	s4 =	simm.s32 $0x4;
	v18 =	vld [tilespmem:s30+$0x20];
	v19 =	vadd.s32 v0, v8  }
0x50: {  	[tilespmem:v12+s22+$0x0] =	vst.idx.msk $0xffff, v4;
	v4 =	vmov s4;
	s4 =	simm.s32 $0x5  }
0x51: {  	v17 =	vadd.s32 v2, v11;
	[tilespmem:v16+s22+$0x0] =	vst.idx.msk $0xffff, v15;
	v12 =	vld [tilespmem:s29+$0xFFFFFFE0];
	v4 =	vand.u32 $0x1FC, v4;
	v22 =	vmov s4  }
0x52: {  	v20 =	vld [tilespmem:s30+$0xFFFFFFC0];
	s4 =	simm.s32 $0x6;
	v21 =	vadd.s32 v0, v4;
	[tilespmem:v14+s22+$0x0] =	vst.idx.msk $0xffff, v7;
	v7 =	vand.u32 $0x1FD, v22  }
0x53: {  	v14 =	vmov s4;
	[tilespmem:v10+s22+$0x0] =	vst.idx.msk $0xffff, v9;
	v9 =	vld [tilespmem:s30+$0xFFFFFFE0];
	v10 =	vadd.s32 v0, v7  }
0x54: {  	v16 =	vadd.s32 v3, v5;
	v5 =	vand.u32 $0x1FE, v14;
	[tilespmem:v19+s22+$0x0] =	vst.idx.msk $0xffff, v18;
	v18 =	vld [tilespmem:s29+$0x0];
	v19 =	vadd.s32 v2, v13  }
0x55: {  	v14 =	vld [tilespmem:s30+$0x0];
	v62 =	vadd.s32 v0, v5  }
0x56: {  	[tilespmem:v17+s22+$0x0] =	vst.idx.msk $0xffff, v12;
	v15 =	vld [tilespmem:s29+$0x30]  }
0x57: {  	v63 =	vadd.s32 v1, v8;
	[tilespmem:v21+s22+$0x0] =	vst.idx.msk $0xffff, v20;
	v20 =	vld [tilespmem:s30+$0x30]  }
0x58: {  	v24 =	vadd.s32 v1, v4;
	v23 =	vld [tilespmem:s30+$0xFFFFFFD0];
	[tilespmem:v10+s22+$0x0] =	vst.idx.msk $0xffff, v9  }
0x59: {  	v26 =	vadd.s32 v3, v11;
	v25 =	vld [tilespmem:s29+$0xFFFFFFF0];
	[tilespmem:v19+s22+$0x0] =	vst.idx.msk $0xffff, v18  }
0x5a: {  	v18 =	vadd.s32 v1, v7;
	v17 =	vld [tilespmem:s30+$0xFFFFFFF0];
	[tilespmem:v62+s22+$0x0] =	vst.idx.msk $0xffff, v14  }
0x5b: {  	[tilespmem:v16+s22+$0x0] =	vst.idx.msk $0xffff, v15;
	v16 =	vadd.s32 v1, v5;
	v12 =	vld [tilespmem:s30+$0x10]  }
0x5c: {  	s28 =	simm.s32 $0x44C0;
	v15 =	vadd.s32 v3, v13;
	[tilespmem:v63+s22+$0x0] =	vst.idx.msk $0xffff, v20;
	v9 =	vld [tilespmem:s29+$0x10]  }
0x5d: {  	v13 =	vadd.s32 v2, v8;
	[tilespmem:v24+s22+$0x0] =	vst.idx.msk $0xffff, v23;
	v10 =	vld [tilespmem:s28+$0x20]  }
0x5e: {  	s31 =	simm.s32 $0x8;
	s0 =	simm.s32 $0xC;
	s4 =	simm.s32 $0xB;
	[tilespmem:v26+s22+$0x0] =	vst.idx.msk $0xffff, v25;
	v14 =	vadd.s32 v2, v4;
	v11 =	vld [tilespmem:s28+$0xFFFFFFC0]  }
.LBB2_3:
0x5f: {  	p0 =	slt.u32 s0, $0x1FC;
	v19 =	vmov s4;
	[tilespmem:v18+s22+$0x0] =	vst.idx.msk $0xffff, v17;
	v17 =	vld [tilespmem:s29+$0xFFFFFFD0];
	v18 =	vadd.s32 v3, v6;
	v6 =	vmov v4;
	s29 =	smov.u32 s28  }
0x60: {  	v4 =	vmov s31;
	v21 =	vadd.s32 v2, v7;
	s30 =	sadd.s32 $0x80, s30;
	v19 =	vand.u32 $0x1FF, v19;
	v20 =	vld [tilespmem:s28+$0xFFFFFFE0];
	[tilespmem:v16+s22+$0x0] =	vst.idx.msk $0xffff, v12  }
0x61: {  	s4 =	sadd.s32 $0x1, s31;
	v4 =	vand.u32 $0x1FC, v4;
	v12 =	vld [tilespmem:s30+$0x20];
	v16 =	vadd.s32 v0, v19;
	[tilespmem:v15+s22+$0x0] =	vst.idx.msk $0xffff, v9  }
0x62: {  	v22 =	vmov s4;
	s4 =	sadd.s32 $0x2, s31;
	s31 =	smov.u32 s0;
	v15 =	vadd.s32 v0, v4;
	v9 =	vld [tilespmem:s30+$0xFFFFFFC0];
	[tilespmem:v13+s22+$0x0] =	vst.idx.msk $0xffff, v10  }
0x63: {  	v10 =	vand.u32 $0x1FD, v22;
	v13 =	vmov s4;
	[tilespmem:v14+s22+$0x0] =	vst.idx.msk $0xffff, v11;
	v11 =	vld [tilespmem:s28+$0x30];
	v14 =	vadd.s32 v3, v8;
	v8 =	vmovc v19  }
0x64: {  	v22 =	vadd.s32 v0, v10;
	v13 =	vand.u32 $0x1FE, v13;
	v19 =	vld [tilespmem:s30+$0xFFFFFFE0];
	[tilespmem:v18+s22+$0x0] =	vst.idx.msk $0xffff, v17  }
0x65: {  	v24 =	vadd.s32 v0, v13;
	v23 =	vld [tilespmem:s30+$0x0];
	[tilespmem:v21+s22+$0x0] =	vst.idx.msk $0xffff, v20  }
0x66: {  	v21 =	vadd.s32 v2, v5;
	[tilespmem:v16+s22+$0x0] =	vst.idx.msk $0xffff, v12;
	v20 =	vld [tilespmem:s28+$0x0]  }
0x67: {  	[tilespmem:v15+s22+$0x0] =	vst.idx.msk $0xffff, v9;
	v9 =	vld [tilespmem:s30+$0x30];
	v15 =	vadd.s32 v1, v8  }
0x68: {  	v26 =	vadd.s32 v1, v4;
	v25 =	vld [tilespmem:s30+$0xFFFFFFD0];
	[tilespmem:v14+s22+$0x0] =	vst.idx.msk $0xffff, v11  }
0x69: {  	[tilespmem:v22+s22+$0x0] =	vst.idx.msk $0xffff, v19;
	v19 =	vld [tilespmem:s28+$0xFFFFFFF0];
	v22 =	vadd.s32 v3, v7;
	v7 =	vmov v10  }
.Ltmp0:
0x6a: {  	v17 =	vld [tilespmem:s30+$0xFFFFFFF0];
	v18 =	vadd.s32 v1, v7;
	[tilespmem:v24+s22+$0x0] =	vst.idx.msk $0xffff, v23;
	(pc) =	sbr.rel @p0 .LBB2_3-.Ltmp0, $4  }
0x6b: {  	v16 =	vadd.s32 v1, v13;
	v12 =	vld [tilespmem:s30+$0x10];
	[tilespmem:v21+s22+$0x0] =	vst.idx.msk $0xffff, v20  }
0x6c: {  	s28 =	sadd.s32 $0x80, s28;
	[tilespmem:v15+s22+$0x0] =	vst.idx.msk $0xffff, v9;
	v9 =	vld [tilespmem:s29+$0x10];
	v15 =	vadd.s32 v3, v5;
	v5 =	vmov v13  }
0x6d: {  	v13 =	vadd.s32 v2, v8;
	[tilespmem:v26+s22+$0x0] =	vst.idx.msk $0xffff, v25;
	v10 =	vld [tilespmem:s28+$0x20]  }
0x6e: {  	s0 =	sadd.s32 $0x4, s0;
	s4 =	sadd.s32 $0x3, s31;
	v14 =	vadd.s32 v2, v4;
	v11 =	vld [tilespmem:s28+$0xFFFFFFC0];
	[tilespmem:v22+s22+$0x0] =	vst.idx.msk $0xffff, v19  }
0x6f: {  	_ =	sdelay $0x2  }
0x70: {  	v19 =	vmov s4  }
0x71: {  	s0 =	sadd.s32 $0x1, s31;
	v20 =	vld [tilespmem:s29+$0xFFFFFFD0];
	[tilespmem:v18+s22+$0x0] =	vst.idx.msk $0xffff, v17;
	v6 =	vadd.s32 v3, v6;
	s29 =	sadd.s32 $0x80, s30;
	v21 =	vmov s31;
	v30 =	vand.u32 $0x1FF, v19  }
0x72: {  	s30 =	sadd.s32 $0x2, s31;
	v31 =	vmov s0;
	[tilespmem:v16+s22+$0x0] =	vst.idx.msk $0xffff, v12;
	v33 =	vld [tilespmem:s29+$0x20];
	v21 =	vand.u32 $0x1FC, v21;
	v34 =	vadd.s32 v0, v30  }
0x73: {  	v32 =	vmov s30;
	v22 =	vld [tilespmem:s29+$0xFFFFFFC0];
	v18 =	vand.u32 $0x1FD, v31;
	[tilespmem:v15+s22+$0x0] =	vst.idx.msk $0xffff, v9;
	v39 =	vadd.s32 v0, v21  }
0x74: {  	v35 =	vld [tilespmem:s29+$0xFFFFFFE0];
	v19 =	vand.u32 $0x1FE, v32;
	v36 =	vadd.s32 v0, v18;
	[tilespmem:v13+s22+$0x0] =	vst.idx.msk $0xffff, v10  }
0x75: {  	v37 =	vld [tilespmem:s29+$0x0];
	v38 =	vadd.s32 v0, v19;
	[tilespmem:v14+s22+$0x0] =	vst.idx.msk $0xffff, v11  }
0x76: {  	v41 =	vadd.s32 v2, v7;
	v40 =	vld [tilespmem:s28+$0xFFFFFFE0];
	[tilespmem:v6+s22+$0x0] =	vst.idx.msk $0xffff, v20  }
0x77: {  	v49 =	vadd.s32 v2, v5;
	v48 =	vld [tilespmem:s28+$0x0];
	[tilespmem:v34+s22+$0x0] =	vst.idx.msk $0xffff, v33  }
0x78: {  	v43 =	vadd.s32 v1, v30;
	[tilespmem:v39+s22+$0x0] =	vst.idx.msk $0xffff, v22;
	v12 =	vld [tilespmem:s29+$0x30]  }
0x79: {  	v47 =	vadd.s32 v1, v21;
	[tilespmem:v36+s22+$0x0] =	vst.idx.msk $0xffff, v35;
	v46 =	vld [tilespmem:s29+$0xFFFFFFD0]  }
0x7a: {  	v44 =	vadd.s32 v1, v18;
	[tilespmem:v38+s22+$0x0] =	vst.idx.msk $0xffff, v37;
	v9 =	vld [tilespmem:s29+$0xFFFFFFF0]  }
0x7b: {  	v45 =	vadd.s32 v1, v19;
	[tilespmem:v41+s22+$0x0] =	vst.idx.msk $0xffff, v40;
	v10 =	vld [tilespmem:s29+$0x10]  }
0x7c: {  	v8 =	vadd.s32 v3, v8;
	v42 =	vld [tilespmem:s28+$0x30];
	[tilespmem:v49+s22+$0x0] =	vst.idx.msk $0xffff, v48  }
0x7d: {  	s4 =	sadd.s32 $0x80, s28;
	v5 =	vadd.s32 v3, v5;
	v14 =	vld [tilespmem:s28+$0x10];
	[tilespmem:v43+s22+$0x0] =	vst.idx.msk $0xffff, v12  }
0x7e: {  	v52 =	vadd.s32 v2, v30;
	[tilespmem:v47+s22+$0x0] =	vst.idx.msk $0xffff, v46;
	v12 =	vld [tilespmem:s4+$0x20]  }
0x7f: {  	v57 =	vadd.s32 v2, v21;
	[tilespmem:v44+s22+$0x0] =	vst.idx.msk $0xffff, v9;
	v56 =	vld [tilespmem:s4+$0xFFFFFFC0]  }
0x80: {  	v53 =	vadd.s32 v2, v18;
	[tilespmem:v45+s22+$0x0] =	vst.idx.msk $0xffff, v10;
	v9 =	vld [tilespmem:s4+$0xFFFFFFE0]  }
0x81: {  	v55 =	vadd.s32 v2, v19;
	[tilespmem:v8+s22+$0x0] =	vst.idx.msk $0xffff, v42;
	v54 =	vld [tilespmem:s4+$0x0]  }
0x82: {  	v4 =	vadd.s32 v3, v4;
	v58 =	vld [tilespmem:s28+$0xFFFFFFD0];
	[tilespmem:v5+s22+$0x0] =	vst.idx.msk $0xffff, v14  }
0x83: {  	v51 =	vadd.s32 v3, v7;
	v50 =	vld [tilespmem:s28+$0xFFFFFFF0];
	[tilespmem:v52+s22+$0x0] =	vst.idx.msk $0xffff, v12  }
0x84: {  	v60 =	vadd.s32 v3, v30;
	[tilespmem:v57+s22+$0x0] =	vst.idx.msk $0xffff, v56;
	v59 =	vld [tilespmem:s4+$0x30]  }
0x85: {  	v63 =	vadd.s32 v3, v21;
	[tilespmem:v53+s22+$0x0] =	vst.idx.msk $0xffff, v9;
	v5 =	vld [tilespmem:s4+$0xFFFFFFD0]  }
0x86: {  	v61 =	vadd.s32 v3, v18;
	[tilespmem:v55+s22+$0x0] =	vst.idx.msk $0xffff, v54;
	v9 =	vld [tilespmem:s4+$0xFFFFFFF0]  }
0x87: {  	v62 =	vadd.s32 v3, v19;
	[tilespmem:v4+s22+$0x0] =	vst.idx.msk $0xffff, v58;
	v6 =	vld [tilespmem:s4+$0x10]  }
0x88: {  	[tilespmem:v51+s22+$0x0] =	vst.idx.msk $0xffff, v50  }
0x89: {  	s29 =	sshll.u32 s26, $0x14;
	[tilespmem:v60+s22+$0x0] =	vst.idx.msk $0xffff, v59  }
0x8a: {  	s0 =	sor.u32 s8, s29;
	[tilespmem:v63+s22+$0x0] =	vst.idx.msk $0xffff, v5  }
0x8b: {  	s28 =	sshrl.u32 s0, $0x3;
	[tilespmem:v61+s22+$0x0] =	vst.idx.msk $0xffff, v9  }
0x8c: {  	s0 =	sadd.s32 s1, s28;
	[tilespmem:v62+s22+$0x0] =	vst.idx.msk $0xffff, v6  }
0x8d: {  	[hbm4b:s0+s2] =	stream.linear.scatter [tilespmem:s22], [sflag:$0x2], $0x80, $0x38;
	[tilespmem:$0x10600] =	vst v63  }
0x8e: {  	s31 =	simm.s32 $0x8608;
	s30 =	sadd.s32 $0x10, s0  }
0x8f: {  	[hbm4b:s30+s2] =	stream.linear.scatter [tilespmem:s31], [sflag:$0x2], $0x80, $0x38;
	[tilespmem:$0x10600] =	vst v63  }
0x90: {  	s30 =	sadd.s32 $0x20, s0;
	s31 =	simm.s32 $0x8810  }
0x91: {  	[hbm4b:s30+s2] =	stream.linear.scatter [tilespmem:s31], [sflag:$0x2], $0x80, $0x38;
	[tilespmem:$0x10600] =	vst v63  }
0x92: {  	s30 =	sadd.s32 $0x30, s0;
	s31 =	simm.s32 $0x8A18  }
0x93: {  	[hbm4b:s30+s2] =	stream.linear.scatter [tilespmem:s31], [sflag:$0x2], $0x80, $0x38;
	[tilespmem:$0x10600] =	vst v63  }
0x94: {  	s30 =	sadd.s32 $0x40, s0;
	s31 =	simm.s32 $0x8C20  }
0x95: {  	[hbm4b:s30+s2] =	stream.linear.scatter [tilespmem:s31], [sflag:$0x2], $0x80, $0x38;
	[tilespmem:$0x10600] =	vst v63  }
0x96: {  	s30 =	sadd.s32 $0x50, s0;
	s31 =	simm.s32 $0x8E28  }
0x97: {  	[hbm4b:s30+s2] =	stream.linear.scatter [tilespmem:s31], [sflag:$0x2], $0x80, $0x38;
	[tilespmem:$0x10600] =	vst v63  }
0x98: {  	s30 =	sadd.s32 $0x60, s0;
	s31 =	simm.s32 $0x9030  }
0x99: {  	[hbm4b:s30+s2] =	stream.linear.scatter [tilespmem:s31], [sflag:$0x2], $0x80, $0x38;
	[tilespmem:$0x10600] =	vst v63  }
0x9a: {  	s30 =	sadd.s32 $0x70, s0;
	s31 =	simm.s32 $0x9238  }
0x9b: {  	[hbm4b:s30+s2] =	stream.linear.scatter [tilespmem:s31], [sflag:$0x2], $0x80, $0x38;
	[tilespmem:$0x10600] =	vst v63  }
0x9c: {  	s30 =	sadd.s32 $0x80, s0;
	s31 =	simm.s32 $0x8480  }
0x9d: {  	[hbm4b:s30+s2] =	stream.linear.scatter [tilespmem:s31], [sflag:$0x2], $0x80, $0x38;
	[tilespmem:$0x10600] =	vst v63  }
0x9e: {  	s30 =	sadd.s32 $0x90, s0;
	s31 =	simm.s32 $0x8688  }
0x9f: {  	[hbm4b:s30+s2] =	stream.linear.scatter [tilespmem:s31], [sflag:$0x2], $0x80, $0x38;
	[tilespmem:$0x10600] =	vst v63  }
0xa0: {  	s30 =	sadd.s32 $0xA0, s0;
	s31 =	simm.s32 $0x8890  }
0xa1: {  	[hbm4b:s30+s2] =	stream.linear.scatter [tilespmem:s31], [sflag:$0x2], $0x80, $0x38;
	[tilespmem:$0x10600] =	vst v63  }
0xa2: {  	s30 =	sadd.s32 $0xB0, s0;
	s31 =	simm.s32 $0x8A98  }
0xa3: {  	[hbm4b:s30+s2] =	stream.linear.scatter [tilespmem:s31], [sflag:$0x2], $0x80, $0x38;
	[tilespmem:$0x10600] =	vst v63  }
0xa4: {  	s30 =	sadd.s32 $0xC0, s0;
	s31 =	simm.s32 $0x8CA0  }
0xa5: {  	[hbm4b:s30+s2] =	stream.linear.scatter [tilespmem:s31], [sflag:$0x2], $0x80, $0x38;
	[tilespmem:$0x10600] =	vst v63  }
0xa6: {  	s30 =	sadd.s32 $0xD0, s0;
	s31 =	simm.s32 $0x8EA8  }
0xa7: {  	[hbm4b:s30+s2] =	stream.linear.scatter [tilespmem:s31], [sflag:$0x2], $0x80, $0x38;
	[tilespmem:$0x10600] =	vst v63  }
0xa8: {  	s30 =	sadd.s32 $0xE0, s0;
	s31 =	simm.s32 $0x90B0  }
0xa9: {  	[hbm4b:s30+s2] =	stream.linear.scatter [tilespmem:s31], [sflag:$0x2], $0x80, $0x38;
	[tilespmem:$0x10600] =	vst v63  }
0xaa: {  	s30 =	sadd.s32 $0xF0, s0;
	s31 =	simm.s32 $0x92B8  }
0xab: {  	[hbm4b:s30+s2] =	stream.linear.scatter [tilespmem:s31], [sflag:$0x2], $0x80, $0x38;
	[tilespmem:$0x10600] =	vst v63  }
0xac: {  	s30 =	sadd.s32 $0x100, s0;
	s31 =	simm.s32 $0x8500  }
0xad: {  	[hbm4b:s30+s2] =	stream.linear.scatter [tilespmem:s31], [sflag:$0x2], $0x80, $0x38;
	[tilespmem:$0x10600] =	vst v63  }
0xae: {  	s30 =	sadd.s32 $0x110, s0;
	s31 =	simm.s32 $0x8708  }
0xaf: {  	[hbm4b:s30+s2] =	stream.linear.scatter [tilespmem:s31], [sflag:$0x2], $0x80, $0x38;
	[tilespmem:$0x10600] =	vst v63  }
0xb0: {  	s30 =	sadd.s32 $0x120, s0;
	s31 =	simm.s32 $0x8910  }
0xb1: {  	[hbm4b:s30+s2] =	stream.linear.scatter [tilespmem:s31], [sflag:$0x2], $0x80, $0x38;
	[tilespmem:$0x10600] =	vst v63  }
0xb2: {  	s30 =	sadd.s32 $0x130, s0;
	s31 =	simm.s32 $0x8B18  }
0xb3: {  	[hbm4b:s30+s2] =	stream.linear.scatter [tilespmem:s31], [sflag:$0x2], $0x80, $0x38;
	[tilespmem:$0x10600] =	vst v63  }
0xb4: {  	s30 =	sadd.s32 $0x140, s0;
	s31 =	simm.s32 $0x8D20  }
0xb5: {  	[hbm4b:s30+s2] =	stream.linear.scatter [tilespmem:s31], [sflag:$0x2], $0x80, $0x38;
	[tilespmem:$0x10600] =	vst v63  }
0xb6: {  	s30 =	sadd.s32 $0x150, s0;
	s31 =	simm.s32 $0x8F28  }
0xb7: {  	[hbm4b:s30+s2] =	stream.linear.scatter [tilespmem:s31], [sflag:$0x2], $0x80, $0x38;
	[tilespmem:$0x10600] =	vst v63  }
0xb8: {  	s30 =	sadd.s32 $0x160, s0;
	s31 =	simm.s32 $0x9130  }
0xb9: {  	[hbm4b:s30+s2] =	stream.linear.scatter [tilespmem:s31], [sflag:$0x2], $0x80, $0x38;
	[tilespmem:$0x10600] =	vst v63  }
0xba: {  	s30 =	sadd.s32 $0x170, s0;
	s31 =	simm.s32 $0x9338  }
0xbb: {  	[hbm4b:s30+s2] =	stream.linear.scatter [tilespmem:s31], [sflag:$0x2], $0x80, $0x38;
	[tilespmem:$0x10600] =	vst v63  }
0xbc: {  	s30 =	sadd.s32 $0x180, s0;
	s31 =	simm.s32 $0x8580  }
0xbd: {  	[hbm4b:s30+s2] =	stream.linear.scatter [tilespmem:s31], [sflag:$0x2], $0x80, $0x38;
	[tilespmem:$0x10600] =	vst v63  }
0xbe: {  	s30 =	sadd.s32 $0x190, s0;
	s31 =	simm.s32 $0x8788  }
0xbf: {  	[hbm4b:s30+s2] =	stream.linear.scatter [tilespmem:s31], [sflag:$0x2], $0x80, $0x38;
	[tilespmem:$0x10600] =	vst v63  }
0xc0: {  	s30 =	sadd.s32 $0x1A0, s0;
	s31 =	simm.s32 $0x8990  }
0xc1: {  	[hbm4b:s30+s2] =	stream.linear.scatter [tilespmem:s31], [sflag:$0x2], $0x80, $0x38;
	[tilespmem:$0x10600] =	vst v63  }
0xc2: {  	s30 =	sadd.s32 $0x1B0, s0;
	s31 =	simm.s32 $0x8B98  }
0xc3: {  	[hbm4b:s30+s2] =	stream.linear.scatter [tilespmem:s31], [sflag:$0x2], $0x80, $0x38;
	[tilespmem:$0x10600] =	vst v63  }
0xc4: {  	s30 =	sadd.s32 $0x1C0, s0;
	s31 =	simm.s32 $0x8DA0  }
0xc5: {  	[hbm4b:s30+s2] =	stream.linear.scatter [tilespmem:s31], [sflag:$0x2], $0x80, $0x38;
	[tilespmem:$0x10600] =	vst v63  }
0xc6: {  	s30 =	sadd.s32 $0x1D0, s0;
	s31 =	simm.s32 $0x8FA8  }
0xc7: {  	[hbm4b:s30+s2] =	stream.linear.scatter [tilespmem:s31], [sflag:$0x2], $0x80, $0x38;
	[tilespmem:$0x10600] =	vst v63  }
0xc8: {  	s30 =	sadd.s32 $0x1E0, s0;
	s31 =	simm.s32 $0x91B0  }
0xc9: {  	[hbm4b:s30+s2] =	stream.linear.scatter [tilespmem:s31], [sflag:$0x2], $0x80, $0x38;
	[tilespmem:$0x10600] =	vst v63  }
0xca: {  	s29 =	simm.s32 $0x93B8;
	s0 =	sadd.s32 $0x1F0, s0  }
0xcb: {  	[hbm4b:s0+s2] =	stream.linear.scatter [tilespmem:s29], [sflag:$0x2], $0x80, $0x38;
	[tilespmem:$0x10600] =	vst v63  }
0xcc: {  	s30 =	simm.s32 $0x9440;
	s0 =	sadd.s32 s28, s10  }
0xcd: {  	[hbm4b:s0+s2] =	stream.linear.scatter [tilespmem:s30], [sflag:$0x2], $0x80, $0x38;
	[tilespmem:$0x10600] =	vst v63  }
0xce: {  	s31 =	sadd.s32 $0x10, s0;
	s30 =	simm.s32 $0x9648  }
0xcf: {  	[hbm4b:s31+s2] =	stream.linear.scatter [tilespmem:s30], [sflag:$0x2], $0x80, $0x38;
	[tilespmem:$0x10600] =	vst v63  }
0xd0: {  	s31 =	sadd.s32 $0x20, s0;
	s30 =	simm.s32 $0x9850  }
0xd1: {  	[hbm4b:s31+s2] =	stream.linear.scatter [tilespmem:s30], [sflag:$0x2], $0x80, $0x38;
	[tilespmem:$0x10600] =	vst v63  }
0xd2: {  	s31 =	sadd.s32 $0x30, s0;
	s30 =	simm.s32 $0x9A58  }
0xd3: {  	[hbm4b:s31+s2] =	stream.linear.scatter [tilespmem:s30], [sflag:$0x2], $0x80, $0x38;
	[tilespmem:$0x10600] =	vst v63  }
0xd4: {  	s31 =	sadd.s32 $0x40, s0;
	s30 =	simm.s32 $0x9C60  }
0xd5: {  	[hbm4b:s31+s2] =	stream.linear.scatter [tilespmem:s30], [sflag:$0x2], $0x80, $0x38;
	[tilespmem:$0x10600] =	vst v63  }
0xd6: {  	s31 =	sadd.s32 $0x50, s0;
	s30 =	simm.s32 $0x9E68  }
0xd7: {  	[hbm4b:s31+s2] =	stream.linear.scatter [tilespmem:s30], [sflag:$0x2], $0x80, $0x38;
	[tilespmem:$0x10600] =	vst v63  }
0xd8: {  	s31 =	sadd.s32 $0x60, s0;
	s30 =	simm.s32 $0xA070  }
0xd9: {  	[hbm4b:s31+s2] =	stream.linear.scatter [tilespmem:s30], [sflag:$0x2], $0x80, $0x38;
	[tilespmem:$0x10600] =	vst v63  }
0xda: {  	s29 =	sor.u32 $0x4080, s28;
	s0 =	sadd.s32 $0x70, s0;
	s31 =	simm.s32 $0xA278  }
0xdb: {  	[hbm4b:s0+s2] =	stream.linear.scatter [tilespmem:s31], [sflag:$0x2], $0x80, $0x38;
	[tilespmem:$0x10600] =	vst v63  }
0xdc: {  	s30 =	simm.s32 $0x94C0;
	s0 =	sadd.s32 s1, s29  }
0xdd: {  	[hbm4b:s0+s2] =	stream.linear.scatter [tilespmem:s30], [sflag:$0x2], $0x80, $0x38;
	[tilespmem:$0x10600] =	vst v63  }
0xde: {  	s31 =	sadd.s32 $0x10, s0;
	s30 =	simm.s32 $0x96C8  }
0xdf: {  	[hbm4b:s31+s2] =	stream.linear.scatter [tilespmem:s30], [sflag:$0x2], $0x80, $0x38;
	[tilespmem:$0x10600] =	vst v63  }
0xe0: {  	s31 =	sadd.s32 $0x20, s0;
	s30 =	simm.s32 $0x98D0  }
0xe1: {  	[hbm4b:s31+s2] =	stream.linear.scatter [tilespmem:s30], [sflag:$0x2], $0x80, $0x38;
	[tilespmem:$0x10600] =	vst v63  }
0xe2: {  	s31 =	sadd.s32 $0x30, s0;
	s30 =	simm.s32 $0x9AD8  }
0xe3: {  	[hbm4b:s31+s2] =	stream.linear.scatter [tilespmem:s30], [sflag:$0x2], $0x80, $0x38;
	[tilespmem:$0x10600] =	vst v63  }
0xe4: {  	s31 =	sadd.s32 $0x40, s0;
	s30 =	simm.s32 $0x9CE0  }
0xe5: {  	[hbm4b:s31+s2] =	stream.linear.scatter [tilespmem:s30], [sflag:$0x2], $0x80, $0x38;
	[tilespmem:$0x10600] =	vst v63  }
0xe6: {  	s31 =	sadd.s32 $0x50, s0;
	s30 =	simm.s32 $0x9EE8  }
0xe7: {  	[hbm4b:s31+s2] =	stream.linear.scatter [tilespmem:s30], [sflag:$0x2], $0x80, $0x38;
	[tilespmem:$0x10600] =	vst v63  }
0xe8: {  	s31 =	sadd.s32 $0x60, s0;
	s30 =	simm.s32 $0xA0F0  }
0xe9: {  	[hbm4b:s31+s2] =	stream.linear.scatter [tilespmem:s30], [sflag:$0x2], $0x80, $0x38;
	[tilespmem:$0x10600] =	vst v63  }
0xea: {  	s29 =	sor.u32 $0x4100, s28;
	s0 =	sadd.s32 $0x70, s0;
	s31 =	simm.s32 $0xA2F8  }
0xeb: {  	[hbm4b:s0+s2] =	stream.linear.scatter [tilespmem:s31], [sflag:$0x2], $0x80, $0x38;
	[tilespmem:$0x10600] =	vst v63  }
0xec: {  	s30 =	simm.s32 $0x9540;
	s0 =	sadd.s32 s1, s29  }
0xed: {  	[hbm4b:s0+s2] =	stream.linear.scatter [tilespmem:s30], [sflag:$0x2], $0x80, $0x38;
	[tilespmem:$0x10600] =	vst v63  }
0xee: {  	s31 =	sadd.s32 $0x10, s0;
	s30 =	simm.s32 $0x9748  }
0xef: {  	[hbm4b:s31+s2] =	stream.linear.scatter [tilespmem:s30], [sflag:$0x2], $0x80, $0x38;
	[tilespmem:$0x10600] =	vst v63  }
0xf0: {  	s31 =	sadd.s32 $0x20, s0;
	s30 =	simm.s32 $0x9950  }
0xf1: {  	[hbm4b:s31+s2] =	stream.linear.scatter [tilespmem:s30], [sflag:$0x2], $0x80, $0x38;
	[tilespmem:$0x10600] =	vst v63  }
0xf2: {  	s31 =	sadd.s32 $0x30, s0;
	s30 =	simm.s32 $0x9B58  }
0xf3: {  	[hbm4b:s31+s2] =	stream.linear.scatter [tilespmem:s30], [sflag:$0x2], $0x80, $0x38;
	[tilespmem:$0x10600] =	vst v63  }
0xf4: {  	s31 =	sadd.s32 $0x40, s0;
	s30 =	simm.s32 $0x9D60  }
0xf5: {  	[hbm4b:s31+s2] =	stream.linear.scatter [tilespmem:s30], [sflag:$0x2], $0x80, $0x38;
	[tilespmem:$0x10600] =	vst v63  }
0xf6: {  	s31 =	sadd.s32 $0x50, s0;
	s30 =	simm.s32 $0x9F68  }
0xf7: {  	[hbm4b:s31+s2] =	stream.linear.scatter [tilespmem:s30], [sflag:$0x2], $0x80, $0x38;
	[tilespmem:$0x10600] =	vst v63  }
0xf8: {  	s31 =	sadd.s32 $0x60, s0;
	s30 =	simm.s32 $0xA170  }
0xf9: {  	[hbm4b:s31+s2] =	stream.linear.scatter [tilespmem:s30], [sflag:$0x2], $0x80, $0x38;
	[tilespmem:$0x10600] =	vst v63  }
0xfa: {  	s4 =	sor.u32 $0x4180, s28;
	s0 =	sadd.s32 $0x70, s0;
	s31 =	simm.s32 $0xA378  }
0xfb: {  	[hbm4b:s0+s2] =	stream.linear.scatter [tilespmem:s31], [sflag:$0x2], $0x80, $0x38;
	[tilespmem:$0x10600] =	vst v63  }
0xfc: {  	s29 =	simm.s32 $0x95C0;
	s0 =	sadd.s32 s1, s4  }
0xfd: {  	[hbm4b:s0+s2] =	stream.linear.scatter [tilespmem:s29], [sflag:$0x2], $0x80, $0x38;
	[tilespmem:$0x10600] =	vst v63  }
0xfe: {  	s31 =	simm.s32 $0x97C8;
	s30 =	sadd.s32 $0x10, s0  }
0xff: {  	[hbm4b:s30+s2] =	stream.linear.scatter [tilespmem:s31], [sflag:$0x2], $0x80, $0x38;
	[tilespmem:$0x10600] =	vst v63  }
0x100: {  	s30 =	sadd.s32 $0x20, s0;
	s31 =	simm.s32 $0x99D0  }
0x101: {  	[hbm4b:s30+s2] =	stream.linear.scatter [tilespmem:s31], [sflag:$0x2], $0x80, $0x38;
	[tilespmem:$0x10600] =	vst v63  }
0x102: {  	s30 =	sadd.s32 $0x30, s0;
	s31 =	simm.s32 $0x9BD8  }
0x103: {  	[hbm4b:s30+s2] =	stream.linear.scatter [tilespmem:s31], [sflag:$0x2], $0x80, $0x38;
	[tilespmem:$0x10600] =	vst v63  }
0x104: {  	s30 =	sadd.s32 $0x40, s0;
	s31 =	simm.s32 $0x9DE0  }
0x105: {  	[hbm4b:s30+s2] =	stream.linear.scatter [tilespmem:s31], [sflag:$0x2], $0x80, $0x38;
	[tilespmem:$0x10600] =	vst v63  }
0x106: {  	s30 =	sadd.s32 $0x50, s0;
	s31 =	simm.s32 $0x9FE8  }
0x107: {  	[hbm4b:s30+s2] =	stream.linear.scatter [tilespmem:s31], [sflag:$0x2], $0x80, $0x38;
	[tilespmem:$0x10600] =	vst v63  }
0x108: {  	s30 =	sadd.s32 $0x60, s0;
	s31 =	simm.s32 $0xA1F0  }
0x109: {  	[hbm4b:s30+s2] =	stream.linear.scatter [tilespmem:s31], [sflag:$0x2], $0x80, $0x38;
	[tilespmem:$0x10600] =	vst v63  }
0x10a: {  	s29 =	simm.s32 $0xA3F8;
	s0 =	sadd.s32 $0x70, s0  }
0x10b: {  	[hbm4b:s0+s2] =	stream.linear.scatter [tilespmem:s29], [sflag:$0x2], $0x80, $0x38;
	[tilespmem:$0x10600] =	vst v63  }
0x10c: {  	s30 =	simm.s32 $0xA480;
	s0 =	sadd.s32 s28, s11  }
0x10d: {  	[hbm4b:s0+s2] =	stream.linear.scatter [tilespmem:s30], [sflag:$0x2], $0x80, $0x38;
	[tilespmem:$0x10600] =	vst v63  }
0x10e: {  	s31 =	sadd.s32 $0x10, s0;
	s30 =	simm.s32 $0xA688  }
0x10f: {  	[hbm4b:s31+s2] =	stream.linear.scatter [tilespmem:s30], [sflag:$0x2], $0x80, $0x38;
	[tilespmem:$0x10600] =	vst v63  }
0x110: {  	s31 =	sadd.s32 $0x20, s0;
	s30 =	simm.s32 $0xA890  }
0x111: {  	[hbm4b:s31+s2] =	stream.linear.scatter [tilespmem:s30], [sflag:$0x2], $0x80, $0x38;
	[tilespmem:$0x10600] =	vst v63  }
0x112: {  	s31 =	sadd.s32 $0x30, s0;
	s30 =	simm.s32 $0xAA98  }
0x113: {  	[hbm4b:s31+s2] =	stream.linear.scatter [tilespmem:s30], [sflag:$0x2], $0x80, $0x38;
	[tilespmem:$0x10600] =	vst v63  }
0x114: {  	s31 =	sadd.s32 $0x40, s0;
	s30 =	simm.s32 $0xACA0  }
0x115: {  	[hbm4b:s31+s2] =	stream.linear.scatter [tilespmem:s30], [sflag:$0x2], $0x80, $0x38;
	[tilespmem:$0x10600] =	vst v63  }
0x116: {  	s31 =	sadd.s32 $0x50, s0;
	s30 =	simm.s32 $0xAEA8  }
0x117: {  	[hbm4b:s31+s2] =	stream.linear.scatter [tilespmem:s30], [sflag:$0x2], $0x80, $0x38;
	[tilespmem:$0x10600] =	vst v63  }
0x118: {  	s31 =	sadd.s32 $0x60, s0;
	s30 =	simm.s32 $0xB0B0  }
0x119: {  	[hbm4b:s31+s2] =	stream.linear.scatter [tilespmem:s30], [sflag:$0x2], $0x80, $0x38;
	[tilespmem:$0x10600] =	vst v63  }
0x11a: {  	s29 =	sor.u32 $0x8080, s28;
	s0 =	sadd.s32 $0x70, s0;
	s31 =	simm.s32 $0xB2B8  }
0x11b: {  	[hbm4b:s0+s2] =	stream.linear.scatter [tilespmem:s31], [sflag:$0x2], $0x80, $0x38;
	[tilespmem:$0x10600] =	vst v63  }
0x11c: {  	s30 =	simm.s32 $0xA500;
	s0 =	sadd.s32 s1, s29  }
0x11d: {  	[hbm4b:s0+s2] =	stream.linear.scatter [tilespmem:s30], [sflag:$0x2], $0x80, $0x38;
	[tilespmem:$0x10600] =	vst v63  }
0x11e: {  	s31 =	sadd.s32 $0x10, s0;
	s30 =	simm.s32 $0xA708  }
0x11f: {  	[hbm4b:s31+s2] =	stream.linear.scatter [tilespmem:s30], [sflag:$0x2], $0x80, $0x38;
	[tilespmem:$0x10600] =	vst v63  }
0x120: {  	s31 =	sadd.s32 $0x20, s0;
	s30 =	simm.s32 $0xA910  }
0x121: {  	[hbm4b:s31+s2] =	stream.linear.scatter [tilespmem:s30], [sflag:$0x2], $0x80, $0x38;
	[tilespmem:$0x10600] =	vst v63  }
0x122: {  	s31 =	sadd.s32 $0x30, s0;
	s30 =	simm.s32 $0xAB18  }
0x123: {  	[hbm4b:s31+s2] =	stream.linear.scatter [tilespmem:s30], [sflag:$0x2], $0x80, $0x38;
	[tilespmem:$0x10600] =	vst v63  }
0x124: {  	s31 =	sadd.s32 $0x40, s0;
	s30 =	simm.s32 $0xAD20  }
0x125: {  	[hbm4b:s31+s2] =	stream.linear.scatter [tilespmem:s30], [sflag:$0x2], $0x80, $0x38;
	[tilespmem:$0x10600] =	vst v63  }
0x126: {  	s31 =	sadd.s32 $0x50, s0;
	s30 =	simm.s32 $0xAF28  }
0x127: {  	[hbm4b:s31+s2] =	stream.linear.scatter [tilespmem:s30], [sflag:$0x2], $0x80, $0x38;
	[tilespmem:$0x10600] =	vst v63  }
0x128: {  	s31 =	sadd.s32 $0x60, s0;
	s30 =	simm.s32 $0xB130  }
0x129: {  	[hbm4b:s31+s2] =	stream.linear.scatter [tilespmem:s30], [sflag:$0x2], $0x80, $0x38;
	[tilespmem:$0x10600] =	vst v63  }
0x12a: {  	s29 =	sor.u32 $0x8100, s28;
	s0 =	sadd.s32 $0x70, s0;
	s31 =	simm.s32 $0xB338  }
0x12b: {  	[hbm4b:s0+s2] =	stream.linear.scatter [tilespmem:s31], [sflag:$0x2], $0x80, $0x38;
	[tilespmem:$0x10600] =	vst v63  }
0x12c: {  	s30 =	simm.s32 $0xA580;
	s0 =	sadd.s32 s1, s29  }
0x12d: {  	[hbm4b:s0+s2] =	stream.linear.scatter [tilespmem:s30], [sflag:$0x2], $0x80, $0x38;
	[tilespmem:$0x10600] =	vst v63  }
0x12e: {  	s31 =	sadd.s32 $0x10, s0;
	s30 =	simm.s32 $0xA788  }
0x12f: {  	[hbm4b:s31+s2] =	stream.linear.scatter [tilespmem:s30], [sflag:$0x2], $0x80, $0x38;
	[tilespmem:$0x10600] =	vst v63  }
0x130: {  	s31 =	sadd.s32 $0x20, s0;
	s30 =	simm.s32 $0xA990  }
0x131: {  	[hbm4b:s31+s2] =	stream.linear.scatter [tilespmem:s30], [sflag:$0x2], $0x80, $0x38;
	[tilespmem:$0x10600] =	vst v63  }
0x132: {  	s31 =	sadd.s32 $0x30, s0;
	s30 =	simm.s32 $0xAB98  }
0x133: {  	[hbm4b:s31+s2] =	stream.linear.scatter [tilespmem:s30], [sflag:$0x2], $0x80, $0x38;
	[tilespmem:$0x10600] =	vst v63  }
0x134: {  	s31 =	sadd.s32 $0x40, s0;
	s30 =	simm.s32 $0xADA0  }
0x135: {  	[hbm4b:s31+s2] =	stream.linear.scatter [tilespmem:s30], [sflag:$0x2], $0x80, $0x38;
	[tilespmem:$0x10600] =	vst v63  }
0x136: {  	s31 =	sadd.s32 $0x50, s0;
	s30 =	simm.s32 $0xAFA8  }
0x137: {  	[hbm4b:s31+s2] =	stream.linear.scatter [tilespmem:s30], [sflag:$0x2], $0x80, $0x38;
	[tilespmem:$0x10600] =	vst v63  }
0x138: {  	s31 =	sadd.s32 $0x60, s0;
	s30 =	simm.s32 $0xB1B0  }
0x139: {  	[hbm4b:s31+s2] =	stream.linear.scatter [tilespmem:s30], [sflag:$0x2], $0x80, $0x38;
	[tilespmem:$0x10600] =	vst v63  }
0x13a: {  	s4 =	sor.u32 $0x8180, s28;
	s0 =	sadd.s32 $0x70, s0;
	s31 =	simm.s32 $0xB3B8  }
0x13b: {  	[hbm4b:s0+s2] =	stream.linear.scatter [tilespmem:s31], [sflag:$0x2], $0x80, $0x38;
	[tilespmem:$0x10600] =	vst v63  }
0x13c: {  	s29 =	simm.s32 $0xA600;
	s0 =	sadd.s32 s1, s4  }
0x13d: {  	[hbm4b:s0+s2] =	stream.linear.scatter [tilespmem:s29], [sflag:$0x2], $0x80, $0x38;
	[tilespmem:$0x10600] =	vst v63  }
0x13e: {  	s31 =	simm.s32 $0xA808;
	s30 =	sadd.s32 $0x10, s0  }
0x13f: {  	[hbm4b:s30+s2] =	stream.linear.scatter [tilespmem:s31], [sflag:$0x2], $0x80, $0x38;
	[tilespmem:$0x10600] =	vst v63  }
0x140: {  	s30 =	sadd.s32 $0x20, s0;
	s31 =	simm.s32 $0xAA10  }
0x141: {  	[hbm4b:s30+s2] =	stream.linear.scatter [tilespmem:s31], [sflag:$0x2], $0x80, $0x38;
	[tilespmem:$0x10600] =	vst v63  }
0x142: {  	s30 =	sadd.s32 $0x30, s0;
	s31 =	simm.s32 $0xAC18  }
0x143: {  	[hbm4b:s30+s2] =	stream.linear.scatter [tilespmem:s31], [sflag:$0x2], $0x80, $0x38;
	[tilespmem:$0x10600] =	vst v63  }
0x144: {  	s30 =	sadd.s32 $0x40, s0;
	s31 =	simm.s32 $0xAE20  }
0x145: {  	[hbm4b:s30+s2] =	stream.linear.scatter [tilespmem:s31], [sflag:$0x2], $0x80, $0x38;
	[tilespmem:$0x10600] =	vst v63  }
0x146: {  	s30 =	sadd.s32 $0x50, s0;
	s31 =	simm.s32 $0xB028  }
0x147: {  	[hbm4b:s30+s2] =	stream.linear.scatter [tilespmem:s31], [sflag:$0x2], $0x80, $0x38;
	[tilespmem:$0x10600] =	vst v63  }
0x148: {  	s30 =	sadd.s32 $0x60, s0;
	s31 =	simm.s32 $0xB230  }
0x149: {  	[hbm4b:s30+s2] =	stream.linear.scatter [tilespmem:s31], [sflag:$0x2], $0x80, $0x38;
	[tilespmem:$0x10600] =	vst v63  }
0x14a: {  	s29 =	simm.s32 $0xB438;
	s0 =	sadd.s32 $0x70, s0  }
0x14b: {  	[hbm4b:s0+s2] =	stream.linear.scatter [tilespmem:s29], [sflag:$0x2], $0x80, $0x38;
	[tilespmem:$0x10600] =	vst v63  }
0x14c: {  	s30 =	simm.s32 $0xB4C0;
	s0 =	sadd.s32 s28, s12  }
0x14d: {  	[hbm4b:s0+s2] =	stream.linear.scatter [tilespmem:s30], [sflag:$0x2], $0x80, $0x38;
	[tilespmem:$0x10600] =	vst v63  }
0x14e: {  	s31 =	sadd.s32 $0x10, s0;
	s30 =	simm.s32 $0xB6C8  }
0x14f: {  	[hbm4b:s31+s2] =	stream.linear.scatter [tilespmem:s30], [sflag:$0x2], $0x80, $0x38;
	[tilespmem:$0x10600] =	vst v63  }
0x150: {  	s31 =	sadd.s32 $0x20, s0;
	s30 =	simm.s32 $0xB8D0  }
0x151: {  	[hbm4b:s31+s2] =	stream.linear.scatter [tilespmem:s30], [sflag:$0x2], $0x80, $0x38;
	[tilespmem:$0x10600] =	vst v63  }
0x152: {  	s31 =	sadd.s32 $0x30, s0;
	s30 =	simm.s32 $0xBAD8  }
0x153: {  	[hbm4b:s31+s2] =	stream.linear.scatter [tilespmem:s30], [sflag:$0x2], $0x80, $0x38;
	[tilespmem:$0x10600] =	vst v63  }
0x154: {  	s31 =	sadd.s32 $0x40, s0;
	s30 =	simm.s32 $0xBCE0  }
0x155: {  	[hbm4b:s31+s2] =	stream.linear.scatter [tilespmem:s30], [sflag:$0x2], $0x80, $0x38;
	[tilespmem:$0x10600] =	vst v63  }
0x156: {  	s31 =	sadd.s32 $0x50, s0;
	s30 =	simm.s32 $0xBEE8  }
0x157: {  	[hbm4b:s31+s2] =	stream.linear.scatter [tilespmem:s30], [sflag:$0x2], $0x80, $0x38;
	[tilespmem:$0x10600] =	vst v63  }
0x158: {  	s31 =	sadd.s32 $0x60, s0;
	s30 =	simm.s32 $0xC0F0  }
0x159: {  	[hbm4b:s31+s2] =	stream.linear.scatter [tilespmem:s30], [sflag:$0x2], $0x80, $0x38;
	[tilespmem:$0x10600] =	vst v63  }
0x15a: {  	s29 =	sor.u32 $0xC080, s28;
	s0 =	sadd.s32 $0x70, s0;
	s31 =	simm.s32 $0xC2F8  }
0x15b: {  	[hbm4b:s0+s2] =	stream.linear.scatter [tilespmem:s31], [sflag:$0x2], $0x80, $0x38;
	[tilespmem:$0x10600] =	vst v63  }
0x15c: {  	s30 =	simm.s32 $0xB540;
	s0 =	sadd.s32 s1, s29  }
0x15d: {  	[hbm4b:s0+s2] =	stream.linear.scatter [tilespmem:s30], [sflag:$0x2], $0x80, $0x38;
	[tilespmem:$0x10600] =	vst v63  }
0x15e: {  	s31 =	sadd.s32 $0x10, s0;
	s30 =	simm.s32 $0xB748  }
0x15f: {  	[hbm4b:s31+s2] =	stream.linear.scatter [tilespmem:s30], [sflag:$0x2], $0x80, $0x38;
	[tilespmem:$0x10600] =	vst v63  }
0x160: {  	s31 =	sadd.s32 $0x20, s0;
	s30 =	simm.s32 $0xB950  }
0x161: {  	[hbm4b:s31+s2] =	stream.linear.scatter [tilespmem:s30], [sflag:$0x2], $0x80, $0x38;
	[tilespmem:$0x10600] =	vst v63  }
0x162: {  	s31 =	sadd.s32 $0x30, s0;
	s30 =	simm.s32 $0xBB58  }
0x163: {  	[hbm4b:s31+s2] =	stream.linear.scatter [tilespmem:s30], [sflag:$0x2], $0x80, $0x38;
	[tilespmem:$0x10600] =	vst v63  }
0x164: {  	s31 =	sadd.s32 $0x40, s0;
	s30 =	simm.s32 $0xBD60  }
0x165: {  	[hbm4b:s31+s2] =	stream.linear.scatter [tilespmem:s30], [sflag:$0x2], $0x80, $0x38;
	[tilespmem:$0x10600] =	vst v63  }
0x166: {  	s31 =	sadd.s32 $0x50, s0;
	s30 =	simm.s32 $0xBF68  }
0x167: {  	[hbm4b:s31+s2] =	stream.linear.scatter [tilespmem:s30], [sflag:$0x2], $0x80, $0x38;
	[tilespmem:$0x10600] =	vst v63  }
0x168: {  	s31 =	sadd.s32 $0x60, s0;
	s30 =	simm.s32 $0xC170  }
0x169: {  	[hbm4b:s31+s2] =	stream.linear.scatter [tilespmem:s30], [sflag:$0x2], $0x80, $0x38;
	[tilespmem:$0x10600] =	vst v63  }
0x16a: {  	s29 =	sor.u32 $0xC100, s28;
	s0 =	sadd.s32 $0x70, s0;
	s31 =	simm.s32 $0xC378  }
0x16b: {  	[hbm4b:s0+s2] =	stream.linear.scatter [tilespmem:s31], [sflag:$0x2], $0x80, $0x38;
	[tilespmem:$0x10600] =	vst v63  }
0x16c: {  	s30 =	simm.s32 $0xB5C0;
	s0 =	sadd.s32 s1, s29  }
0x16d: {  	[hbm4b:s0+s2] =	stream.linear.scatter [tilespmem:s30], [sflag:$0x2], $0x80, $0x38;
	[tilespmem:$0x10600] =	vst v63  }
0x16e: {  	s31 =	sadd.s32 $0x10, s0;
	s30 =	simm.s32 $0xB7C8  }
0x16f: {  	[hbm4b:s31+s2] =	stream.linear.scatter [tilespmem:s30], [sflag:$0x2], $0x80, $0x38;
	[tilespmem:$0x10600] =	vst v63  }
0x170: {  	s31 =	sadd.s32 $0x20, s0;
	s30 =	simm.s32 $0xB9D0  }
0x171: {  	[hbm4b:s31+s2] =	stream.linear.scatter [tilespmem:s30], [sflag:$0x2], $0x80, $0x38;
	[tilespmem:$0x10600] =	vst v63  }
0x172: {  	s31 =	sadd.s32 $0x30, s0;
	s30 =	simm.s32 $0xBBD8  }
0x173: {  	[hbm4b:s31+s2] =	stream.linear.scatter [tilespmem:s30], [sflag:$0x2], $0x80, $0x38;
	[tilespmem:$0x10600] =	vst v63  }
0x174: {  	s31 =	sadd.s32 $0x40, s0;
	s30 =	simm.s32 $0xBDE0  }
0x175: {  	[hbm4b:s31+s2] =	stream.linear.scatter [tilespmem:s30], [sflag:$0x2], $0x80, $0x38;
	[tilespmem:$0x10600] =	vst v63  }
0x176: {  	s31 =	sadd.s32 $0x50, s0;
	s30 =	simm.s32 $0xBFE8  }
0x177: {  	[hbm4b:s31+s2] =	stream.linear.scatter [tilespmem:s30], [sflag:$0x2], $0x80, $0x38;
	[tilespmem:$0x10600] =	vst v63  }
0x178: {  	s31 =	sadd.s32 $0x60, s0;
	s30 =	simm.s32 $0xC1F0  }
0x179: {  	[hbm4b:s31+s2] =	stream.linear.scatter [tilespmem:s30], [sflag:$0x2], $0x80, $0x38;
	[tilespmem:$0x10600] =	vst v63  }
0x17a: {  	s4 =	sor.u32 $0xC180, s28;
	s0 =	sadd.s32 $0x70, s0;
	s31 =	simm.s32 $0xC3F8  }
0x17b: {  	[hbm4b:s0+s2] =	stream.linear.scatter [tilespmem:s31], [sflag:$0x2], $0x80, $0x38;
	[tilespmem:$0x10600] =	vst v63  }
0x17c: {  	s29 =	simm.s32 $0xB640;
	s0 =	sadd.s32 s1, s4  }
0x17d: {  	[hbm4b:s0+s2] =	stream.linear.scatter [tilespmem:s29], [sflag:$0x2], $0x80, $0x38;
	[tilespmem:$0x10600] =	vst v63  }
0x17e: {  	s31 =	simm.s32 $0xB848;
	s30 =	sadd.s32 $0x10, s0  }
0x17f: {  	[hbm4b:s30+s2] =	stream.linear.scatter [tilespmem:s31], [sflag:$0x2], $0x80, $0x38;
	[tilespmem:$0x10600] =	vst v63  }
0x180: {  	s30 =	sadd.s32 $0x20, s0;
	s31 =	simm.s32 $0xBA50  }
0x181: {  	[hbm4b:s30+s2] =	stream.linear.scatter [tilespmem:s31], [sflag:$0x2], $0x80, $0x38;
	[tilespmem:$0x10600] =	vst v63  }
0x182: {  	s30 =	sadd.s32 $0x30, s0;
	s31 =	simm.s32 $0xBC58  }
0x183: {  	[hbm4b:s30+s2] =	stream.linear.scatter [tilespmem:s31], [sflag:$0x2], $0x80, $0x38;
	[tilespmem:$0x10600] =	vst v63  }
0x184: {  	s30 =	sadd.s32 $0x40, s0;
	s31 =	simm.s32 $0xBE60  }
0x185: {  	[hbm4b:s30+s2] =	stream.linear.scatter [tilespmem:s31], [sflag:$0x2], $0x80, $0x38;
	[tilespmem:$0x10600] =	vst v63  }
0x186: {  	s30 =	sadd.s32 $0x50, s0;
	s31 =	simm.s32 $0xC068  }
0x187: {  	[hbm4b:s30+s2] =	stream.linear.scatter [tilespmem:s31], [sflag:$0x2], $0x80, $0x38;
	[tilespmem:$0x10600] =	vst v63  }
0x188: {  	s30 =	sadd.s32 $0x60, s0;
	s31 =	simm.s32 $0xC270  }
0x189: {  	[hbm4b:s30+s2] =	stream.linear.scatter [tilespmem:s31], [sflag:$0x2], $0x80, $0x38;
	[tilespmem:$0x10600] =	vst v63  }
0x18a: {  	s29 =	simm.s32 $0xC478;
	s0 =	sadd.s32 $0x70, s0  }
0x18b: {  	[hbm4b:s0+s2] =	stream.linear.scatter [tilespmem:s29], [sflag:$0x2], $0x80, $0x38;
	[tilespmem:$0x10600] =	vst v63  }
0x18c: {  	s30 =	simm.s32 $0xC500;
	s0 =	sadd.s32 s28, s13  }
0x18d: {  	[hbm4b:s0+s2] =	stream.linear.scatter [tilespmem:s30], [sflag:$0x2], $0x80, $0x38;
	[tilespmem:$0x10600] =	vst v63  }
0x18e: {  	s31 =	sadd.s32 $0x10, s0;
	s30 =	simm.s32 $0xC708  }
0x18f: {  	[hbm4b:s31+s2] =	stream.linear.scatter [tilespmem:s30], [sflag:$0x2], $0x80, $0x38;
	[tilespmem:$0x10600] =	vst v63  }
0x190: {  	s31 =	sadd.s32 $0x20, s0;
	s30 =	simm.s32 $0xC910  }
0x191: {  	[hbm4b:s31+s2] =	stream.linear.scatter [tilespmem:s30], [sflag:$0x2], $0x80, $0x38;
	[tilespmem:$0x10600] =	vst v63  }
0x192: {  	s31 =	sadd.s32 $0x30, s0;
	s30 =	simm.s32 $0xCB18  }
0x193: {  	[hbm4b:s31+s2] =	stream.linear.scatter [tilespmem:s30], [sflag:$0x2], $0x80, $0x38;
	[tilespmem:$0x10600] =	vst v63  }
0x194: {  	s31 =	sadd.s32 $0x40, s0;
	s30 =	simm.s32 $0xCD20  }
0x195: {  	[hbm4b:s31+s2] =	stream.linear.scatter [tilespmem:s30], [sflag:$0x2], $0x80, $0x38;
	[tilespmem:$0x10600] =	vst v63  }
0x196: {  	s31 =	sadd.s32 $0x50, s0;
	s30 =	simm.s32 $0xCF28  }
0x197: {  	[hbm4b:s31+s2] =	stream.linear.scatter [tilespmem:s30], [sflag:$0x2], $0x80, $0x38;
	[tilespmem:$0x10600] =	vst v63  }
0x198: {  	s31 =	sadd.s32 $0x60, s0;
	s30 =	simm.s32 $0xD130  }
0x199: {  	[hbm4b:s31+s2] =	stream.linear.scatter [tilespmem:s30], [sflag:$0x2], $0x80, $0x38;
	[tilespmem:$0x10600] =	vst v63  }
0x19a: {  	s29 =	sor.u32 $0x10080, s28;
	s0 =	sadd.s32 $0x70, s0;
	s31 =	simm.s32 $0xD338  }
0x19b: {  	[hbm4b:s0+s2] =	stream.linear.scatter [tilespmem:s31], [sflag:$0x2], $0x80, $0x38;
	[tilespmem:$0x10600] =	vst v63  }
0x19c: {  	s30 =	simm.s32 $0xC580;
	s0 =	sadd.s32 s1, s29  }
0x19d: {  	[hbm4b:s0+s2] =	stream.linear.scatter [tilespmem:s30], [sflag:$0x2], $0x80, $0x38;
	[tilespmem:$0x10600] =	vst v63  }
0x19e: {  	s31 =	sadd.s32 $0x10, s0;
	s30 =	simm.s32 $0xC788  }
0x19f: {  	[hbm4b:s31+s2] =	stream.linear.scatter [tilespmem:s30], [sflag:$0x2], $0x80, $0x38;
	[tilespmem:$0x10600] =	vst v63  }
0x1a0: {  	s31 =	sadd.s32 $0x20, s0;
	s30 =	simm.s32 $0xC990  }
0x1a1: {  	[hbm4b:s31+s2] =	stream.linear.scatter [tilespmem:s30], [sflag:$0x2], $0x80, $0x38;
	[tilespmem:$0x10600] =	vst v63  }
0x1a2: {  	s31 =	sadd.s32 $0x30, s0;
	s30 =	simm.s32 $0xCB98  }
0x1a3: {  	[hbm4b:s31+s2] =	stream.linear.scatter [tilespmem:s30], [sflag:$0x2], $0x80, $0x38;
	[tilespmem:$0x10600] =	vst v63  }
0x1a4: {  	s31 =	sadd.s32 $0x40, s0;
	s30 =	simm.s32 $0xCDA0  }
0x1a5: {  	[hbm4b:s31+s2] =	stream.linear.scatter [tilespmem:s30], [sflag:$0x2], $0x80, $0x38;
	[tilespmem:$0x10600] =	vst v63  }
0x1a6: {  	s31 =	sadd.s32 $0x50, s0;
	s30 =	simm.s32 $0xCFA8  }
0x1a7: {  	[hbm4b:s31+s2] =	stream.linear.scatter [tilespmem:s30], [sflag:$0x2], $0x80, $0x38;
	[tilespmem:$0x10600] =	vst v63  }
0x1a8: {  	s31 =	sadd.s32 $0x60, s0;
	s30 =	simm.s32 $0xD1B0  }
0x1a9: {  	[hbm4b:s31+s2] =	stream.linear.scatter [tilespmem:s30], [sflag:$0x2], $0x80, $0x38;
	[tilespmem:$0x10600] =	vst v63  }
0x1aa: {  	s29 =	sor.u32 $0x10100, s28;
	s0 =	sadd.s32 $0x70, s0;
	s31 =	simm.s32 $0xD3B8  }
0x1ab: {  	[hbm4b:s0+s2] =	stream.linear.scatter [tilespmem:s31], [sflag:$0x2], $0x80, $0x38;
	[tilespmem:$0x10600] =	vst v63  }
0x1ac: {  	s30 =	simm.s32 $0xC600;
	s0 =	sadd.s32 s1, s29  }
0x1ad: {  	[hbm4b:s0+s2] =	stream.linear.scatter [tilespmem:s30], [sflag:$0x2], $0x80, $0x38;
	[tilespmem:$0x10600] =	vst v63  }
0x1ae: {  	s31 =	sadd.s32 $0x10, s0;
	s30 =	simm.s32 $0xC808  }
0x1af: {  	[hbm4b:s31+s2] =	stream.linear.scatter [tilespmem:s30], [sflag:$0x2], $0x80, $0x38;
	[tilespmem:$0x10600] =	vst v63  }
0x1b0: {  	s31 =	sadd.s32 $0x20, s0;
	s30 =	simm.s32 $0xCA10  }
0x1b1: {  	[hbm4b:s31+s2] =	stream.linear.scatter [tilespmem:s30], [sflag:$0x2], $0x80, $0x38;
	[tilespmem:$0x10600] =	vst v63  }
0x1b2: {  	s31 =	sadd.s32 $0x30, s0;
	s30 =	simm.s32 $0xCC18  }
0x1b3: {  	[hbm4b:s31+s2] =	stream.linear.scatter [tilespmem:s30], [sflag:$0x2], $0x80, $0x38;
	[tilespmem:$0x10600] =	vst v63  }
0x1b4: {  	s31 =	sadd.s32 $0x40, s0;
	s30 =	simm.s32 $0xCE20  }
0x1b5: {  	[hbm4b:s31+s2] =	stream.linear.scatter [tilespmem:s30], [sflag:$0x2], $0x80, $0x38;
	[tilespmem:$0x10600] =	vst v63  }
0x1b6: {  	s31 =	sadd.s32 $0x50, s0;
	s30 =	simm.s32 $0xD028  }
0x1b7: {  	[hbm4b:s31+s2] =	stream.linear.scatter [tilespmem:s30], [sflag:$0x2], $0x80, $0x38;
	[tilespmem:$0x10600] =	vst v63  }
0x1b8: {  	s31 =	sadd.s32 $0x60, s0;
	s30 =	simm.s32 $0xD230  }
0x1b9: {  	[hbm4b:s31+s2] =	stream.linear.scatter [tilespmem:s30], [sflag:$0x2], $0x80, $0x38;
	[tilespmem:$0x10600] =	vst v63  }
0x1ba: {  	s4 =	sor.u32 $0x10180, s28;
	s0 =	sadd.s32 $0x70, s0;
	s31 =	simm.s32 $0xD438  }
0x1bb: {  	[hbm4b:s0+s2] =	stream.linear.scatter [tilespmem:s31], [sflag:$0x2], $0x80, $0x38;
	[tilespmem:$0x10600] =	vst v63  }
0x1bc: {  	s29 =	simm.s32 $0xC680;
	s0 =	sadd.s32 s1, s4  }
0x1bd: {  	[hbm4b:s0+s2] =	stream.linear.scatter [tilespmem:s29], [sflag:$0x2], $0x80, $0x38;
	[tilespmem:$0x10600] =	vst v63  }
0x1be: {  	s31 =	simm.s32 $0xC888;
	s30 =	sadd.s32 $0x10, s0  }
0x1bf: {  	[hbm4b:s30+s2] =	stream.linear.scatter [tilespmem:s31], [sflag:$0x2], $0x80, $0x38;
	[tilespmem:$0x10600] =	vst v63  }
0x1c0: {  	s30 =	sadd.s32 $0x20, s0;
	s31 =	simm.s32 $0xCA90  }
0x1c1: {  	[hbm4b:s30+s2] =	stream.linear.scatter [tilespmem:s31], [sflag:$0x2], $0x80, $0x38;
	[tilespmem:$0x10600] =	vst v63  }
0x1c2: {  	s30 =	sadd.s32 $0x30, s0;
	s31 =	simm.s32 $0xCC98  }
0x1c3: {  	[hbm4b:s30+s2] =	stream.linear.scatter [tilespmem:s31], [sflag:$0x2], $0x80, $0x38;
	[tilespmem:$0x10600] =	vst v63  }
0x1c4: {  	s30 =	sadd.s32 $0x40, s0;
	s31 =	simm.s32 $0xCEA0  }
0x1c5: {  	[hbm4b:s30+s2] =	stream.linear.scatter [tilespmem:s31], [sflag:$0x2], $0x80, $0x38;
	[tilespmem:$0x10600] =	vst v63  }
0x1c6: {  	s30 =	sadd.s32 $0x50, s0;
	s31 =	simm.s32 $0xD0A8  }
0x1c7: {  	[hbm4b:s30+s2] =	stream.linear.scatter [tilespmem:s31], [sflag:$0x2], $0x80, $0x38;
	[tilespmem:$0x10600] =	vst v63  }
0x1c8: {  	s30 =	sadd.s32 $0x60, s0;
	s31 =	simm.s32 $0xD2B0  }
0x1c9: {  	[hbm4b:s30+s2] =	stream.linear.scatter [tilespmem:s31], [sflag:$0x2], $0x80, $0x38;
	[tilespmem:$0x10600] =	vst v63  }
0x1ca: {  	s29 =	simm.s32 $0xD4B8;
	s0 =	sadd.s32 $0x70, s0  }
0x1cb: {  	[hbm4b:s0+s2] =	stream.linear.scatter [tilespmem:s29], [sflag:$0x2], $0x80, $0x38;
	[tilespmem:$0x10600] =	vst v63  }
0x1cc: {  	s30 =	simm.s32 $0xD540;
	s0 =	sadd.s32 s28, s14  }
0x1cd: {  	[hbm4b:s0+s2] =	stream.linear.scatter [tilespmem:s30], [sflag:$0x2], $0x80, $0x38;
	[tilespmem:$0x10600] =	vst v63  }
0x1ce: {  	s31 =	sadd.s32 $0x10, s0;
	s30 =	simm.s32 $0xD748  }
0x1cf: {  	[hbm4b:s31+s2] =	stream.linear.scatter [tilespmem:s30], [sflag:$0x2], $0x80, $0x38;
	[tilespmem:$0x10600] =	vst v63  }
0x1d0: {  	s31 =	sadd.s32 $0x20, s0;
	s30 =	simm.s32 $0xD950  }
0x1d1: {  	[hbm4b:s31+s2] =	stream.linear.scatter [tilespmem:s30], [sflag:$0x2], $0x80, $0x38;
	[tilespmem:$0x10600] =	vst v63  }
0x1d2: {  	s31 =	sadd.s32 $0x30, s0;
	s30 =	simm.s32 $0xDB58  }
0x1d3: {  	[hbm4b:s31+s2] =	stream.linear.scatter [tilespmem:s30], [sflag:$0x2], $0x80, $0x38;
	[tilespmem:$0x10600] =	vst v63  }
0x1d4: {  	s31 =	sadd.s32 $0x40, s0;
	s30 =	simm.s32 $0xDD60  }
0x1d5: {  	[hbm4b:s31+s2] =	stream.linear.scatter [tilespmem:s30], [sflag:$0x2], $0x80, $0x38;
	[tilespmem:$0x10600] =	vst v63  }
0x1d6: {  	s31 =	sadd.s32 $0x50, s0;
	s30 =	simm.s32 $0xDF68  }
0x1d7: {  	[hbm4b:s31+s2] =	stream.linear.scatter [tilespmem:s30], [sflag:$0x2], $0x80, $0x38;
	[tilespmem:$0x10600] =	vst v63  }
0x1d8: {  	s31 =	sadd.s32 $0x60, s0;
	s30 =	simm.s32 $0xE170  }
0x1d9: {  	[hbm4b:s31+s2] =	stream.linear.scatter [tilespmem:s30], [sflag:$0x2], $0x80, $0x38;
	[tilespmem:$0x10600] =	vst v63  }
0x1da: {  	s29 =	sor.u32 $0x14080, s28;
	s0 =	sadd.s32 $0x70, s0;
	s31 =	simm.s32 $0xE378  }
0x1db: {  	[hbm4b:s0+s2] =	stream.linear.scatter [tilespmem:s31], [sflag:$0x2], $0x80, $0x38;
	[tilespmem:$0x10600] =	vst v63  }
0x1dc: {  	s30 =	simm.s32 $0xD5C0;
	s0 =	sadd.s32 s1, s29  }
0x1dd: {  	[hbm4b:s0+s2] =	stream.linear.scatter [tilespmem:s30], [sflag:$0x2], $0x80, $0x38;
	[tilespmem:$0x10600] =	vst v63  }
0x1de: {  	s31 =	sadd.s32 $0x10, s0;
	s30 =	simm.s32 $0xD7C8  }
0x1df: {  	[hbm4b:s31+s2] =	stream.linear.scatter [tilespmem:s30], [sflag:$0x2], $0x80, $0x38;
	[tilespmem:$0x10600] =	vst v63  }
0x1e0: {  	s31 =	sadd.s32 $0x20, s0;
	s30 =	simm.s32 $0xD9D0  }
0x1e1: {  	[hbm4b:s31+s2] =	stream.linear.scatter [tilespmem:s30], [sflag:$0x2], $0x80, $0x38;
	[tilespmem:$0x10600] =	vst v63  }
0x1e2: {  	s31 =	sadd.s32 $0x30, s0;
	s30 =	simm.s32 $0xDBD8  }
0x1e3: {  	[hbm4b:s31+s2] =	stream.linear.scatter [tilespmem:s30], [sflag:$0x2], $0x80, $0x38;
	[tilespmem:$0x10600] =	vst v63  }
0x1e4: {  	s31 =	sadd.s32 $0x40, s0;
	s30 =	simm.s32 $0xDDE0  }
0x1e5: {  	[hbm4b:s31+s2] =	stream.linear.scatter [tilespmem:s30], [sflag:$0x2], $0x80, $0x38;
	[tilespmem:$0x10600] =	vst v63  }
0x1e6: {  	s31 =	sadd.s32 $0x50, s0;
	s30 =	simm.s32 $0xDFE8  }
0x1e7: {  	[hbm4b:s31+s2] =	stream.linear.scatter [tilespmem:s30], [sflag:$0x2], $0x80, $0x38;
	[tilespmem:$0x10600] =	vst v63  }
0x1e8: {  	s31 =	sadd.s32 $0x60, s0;
	s30 =	simm.s32 $0xE1F0  }
0x1e9: {  	[hbm4b:s31+s2] =	stream.linear.scatter [tilespmem:s30], [sflag:$0x2], $0x80, $0x38;
	[tilespmem:$0x10600] =	vst v63  }
0x1ea: {  	s29 =	sor.u32 $0x14100, s28;
	s0 =	sadd.s32 $0x70, s0;
	s31 =	simm.s32 $0xE3F8  }
0x1eb: {  	[hbm4b:s0+s2] =	stream.linear.scatter [tilespmem:s31], [sflag:$0x2], $0x80, $0x38;
	[tilespmem:$0x10600] =	vst v63  }
0x1ec: {  	s30 =	simm.s32 $0xD640;
	s0 =	sadd.s32 s1, s29  }
0x1ed: {  	[hbm4b:s0+s2] =	stream.linear.scatter [tilespmem:s30], [sflag:$0x2], $0x80, $0x38;
	[tilespmem:$0x10600] =	vst v63  }
0x1ee: {  	s31 =	sadd.s32 $0x10, s0;
	s30 =	simm.s32 $0xD848  }
0x1ef: {  	[hbm4b:s31+s2] =	stream.linear.scatter [tilespmem:s30], [sflag:$0x2], $0x80, $0x38;
	[tilespmem:$0x10600] =	vst v63  }
0x1f0: {  	s31 =	sadd.s32 $0x20, s0;
	s30 =	simm.s32 $0xDA50  }
0x1f1: {  	[hbm4b:s31+s2] =	stream.linear.scatter [tilespmem:s30], [sflag:$0x2], $0x80, $0x38;
	[tilespmem:$0x10600] =	vst v63  }
0x1f2: {  	s31 =	sadd.s32 $0x30, s0;
	s30 =	simm.s32 $0xDC58  }
0x1f3: {  	[hbm4b:s31+s2] =	stream.linear.scatter [tilespmem:s30], [sflag:$0x2], $0x80, $0x38;
	[tilespmem:$0x10600] =	vst v63  }
0x1f4: {  	s31 =	sadd.s32 $0x40, s0;
	s30 =	simm.s32 $0xDE60  }
0x1f5: {  	[hbm4b:s31+s2] =	stream.linear.scatter [tilespmem:s30], [sflag:$0x2], $0x80, $0x38;
	[tilespmem:$0x10600] =	vst v63  }
0x1f6: {  	s31 =	sadd.s32 $0x50, s0;
	s30 =	simm.s32 $0xE068  }
0x1f7: {  	[hbm4b:s31+s2] =	stream.linear.scatter [tilespmem:s30], [sflag:$0x2], $0x80, $0x38;
	[tilespmem:$0x10600] =	vst v63  }
0x1f8: {  	s31 =	sadd.s32 $0x60, s0;
	s30 =	simm.s32 $0xE270  }
0x1f9: {  	[hbm4b:s31+s2] =	stream.linear.scatter [tilespmem:s30], [sflag:$0x2], $0x80, $0x38;
	[tilespmem:$0x10600] =	vst v63  }
0x1fa: {  	s4 =	sor.u32 $0x14180, s28;
	s0 =	sadd.s32 $0x70, s0;
	s31 =	simm.s32 $0xE478  }
0x1fb: {  	[hbm4b:s0+s2] =	stream.linear.scatter [tilespmem:s31], [sflag:$0x2], $0x80, $0x38;
	[tilespmem:$0x10600] =	vst v63  }
0x1fc: {  	s29 =	simm.s32 $0xD6C0;
	s0 =	sadd.s32 s1, s4  }
0x1fd: {  	[hbm4b:s0+s2] =	stream.linear.scatter [tilespmem:s29], [sflag:$0x2], $0x80, $0x38;
	[tilespmem:$0x10600] =	vst v63  }
0x1fe: {  	s31 =	simm.s32 $0xD8C8;
	s30 =	sadd.s32 $0x10, s0  }
0x1ff: {  	[hbm4b:s30+s2] =	stream.linear.scatter [tilespmem:s31], [sflag:$0x2], $0x80, $0x38;
	[tilespmem:$0x10600] =	vst v63  }
0x200: {  	s30 =	sadd.s32 $0x20, s0;
	s31 =	simm.s32 $0xDAD0  }
0x201: {  	[hbm4b:s30+s2] =	stream.linear.scatter [tilespmem:s31], [sflag:$0x2], $0x80, $0x38;
	[tilespmem:$0x10600] =	vst v63  }
0x202: {  	s30 =	sadd.s32 $0x30, s0;
	s31 =	simm.s32 $0xDCD8  }
0x203: {  	[hbm4b:s30+s2] =	stream.linear.scatter [tilespmem:s31], [sflag:$0x2], $0x80, $0x38;
	[tilespmem:$0x10600] =	vst v63  }
0x204: {  	s30 =	sadd.s32 $0x40, s0;
	s31 =	simm.s32 $0xDEE0  }
0x205: {  	[hbm4b:s30+s2] =	stream.linear.scatter [tilespmem:s31], [sflag:$0x2], $0x80, $0x38;
	[tilespmem:$0x10600] =	vst v63  }
0x206: {  	s30 =	sadd.s32 $0x50, s0;
	s31 =	simm.s32 $0xE0E8  }
0x207: {  	[hbm4b:s30+s2] =	stream.linear.scatter [tilespmem:s31], [sflag:$0x2], $0x80, $0x38;
	[tilespmem:$0x10600] =	vst v63  }
0x208: {  	s30 =	sadd.s32 $0x60, s0;
	s31 =	simm.s32 $0xE2F0  }
0x209: {  	[hbm4b:s30+s2] =	stream.linear.scatter [tilespmem:s31], [sflag:$0x2], $0x80, $0x38;
	[tilespmem:$0x10600] =	vst v63  }
0x20a: {  	s29 =	simm.s32 $0xE4F8;
	s0 =	sadd.s32 $0x70, s0  }
0x20b: {  	[hbm4b:s0+s2] =	stream.linear.scatter [tilespmem:s29], [sflag:$0x2], $0x80, $0x38;
	[tilespmem:$0x10600] =	vst v63  }
0x20c: {  	s30 =	simm.s32 $0xE580;
	s0 =	sadd.s32 s28, s15  }
0x20d: {  	[hbm4b:s0+s2] =	stream.linear.scatter [tilespmem:s30], [sflag:$0x2], $0x80, $0x38;
	[tilespmem:$0x10600] =	vst v63  }
0x20e: {  	s31 =	sadd.s32 $0x10, s0;
	s30 =	simm.s32 $0xE788  }
0x20f: {  	[hbm4b:s31+s2] =	stream.linear.scatter [tilespmem:s30], [sflag:$0x2], $0x80, $0x38;
	[tilespmem:$0x10600] =	vst v63  }
0x210: {  	s31 =	sadd.s32 $0x20, s0;
	s30 =	simm.s32 $0xE990  }
0x211: {  	[hbm4b:s31+s2] =	stream.linear.scatter [tilespmem:s30], [sflag:$0x2], $0x80, $0x38;
	[tilespmem:$0x10600] =	vst v63  }
0x212: {  	s31 =	sadd.s32 $0x30, s0;
	s30 =	simm.s32 $0xEB98  }
0x213: {  	[hbm4b:s31+s2] =	stream.linear.scatter [tilespmem:s30], [sflag:$0x2], $0x80, $0x38;
	[tilespmem:$0x10600] =	vst v63  }
0x214: {  	s31 =	sadd.s32 $0x40, s0;
	s30 =	simm.s32 $0xEDA0  }
0x215: {  	[hbm4b:s31+s2] =	stream.linear.scatter [tilespmem:s30], [sflag:$0x2], $0x80, $0x38;
	[tilespmem:$0x10600] =	vst v63  }
0x216: {  	s31 =	sadd.s32 $0x50, s0;
	s30 =	simm.s32 $0xEFA8  }
0x217: {  	[hbm4b:s31+s2] =	stream.linear.scatter [tilespmem:s30], [sflag:$0x2], $0x80, $0x38;
	[tilespmem:$0x10600] =	vst v63  }
0x218: {  	s31 =	sadd.s32 $0x60, s0;
	s30 =	simm.s32 $0xF1B0  }
0x219: {  	[hbm4b:s31+s2] =	stream.linear.scatter [tilespmem:s30], [sflag:$0x2], $0x80, $0x38;
	[tilespmem:$0x10600] =	vst v63  }
0x21a: {  	s29 =	sor.u32 $0x18080, s28;
	s0 =	sadd.s32 $0x70, s0;
	s31 =	simm.s32 $0xF3B8  }
0x21b: {  	[hbm4b:s0+s2] =	stream.linear.scatter [tilespmem:s31], [sflag:$0x2], $0x80, $0x38;
	[tilespmem:$0x10600] =	vst v63  }
0x21c: {  	s30 =	simm.s32 $0xE600;
	s0 =	sadd.s32 s1, s29  }
0x21d: {  	[hbm4b:s0+s2] =	stream.linear.scatter [tilespmem:s30], [sflag:$0x2], $0x80, $0x38;
	[tilespmem:$0x10600] =	vst v63  }
0x21e: {  	s31 =	sadd.s32 $0x10, s0;
	s30 =	simm.s32 $0xE808  }
0x21f: {  	[hbm4b:s31+s2] =	stream.linear.scatter [tilespmem:s30], [sflag:$0x2], $0x80, $0x38;
	[tilespmem:$0x10600] =	vst v63  }
0x220: {  	s31 =	sadd.s32 $0x20, s0;
	s30 =	simm.s32 $0xEA10  }
0x221: {  	[hbm4b:s31+s2] =	stream.linear.scatter [tilespmem:s30], [sflag:$0x2], $0x80, $0x38;
	[tilespmem:$0x10600] =	vst v63  }
0x222: {  	s31 =	sadd.s32 $0x30, s0;
	s30 =	simm.s32 $0xEC18  }
0x223: {  	[hbm4b:s31+s2] =	stream.linear.scatter [tilespmem:s30], [sflag:$0x2], $0x80, $0x38;
	[tilespmem:$0x10600] =	vst v63  }
0x224: {  	s31 =	sadd.s32 $0x40, s0;
	s30 =	simm.s32 $0xEE20  }
0x225: {  	[hbm4b:s31+s2] =	stream.linear.scatter [tilespmem:s30], [sflag:$0x2], $0x80, $0x38;
	[tilespmem:$0x10600] =	vst v63  }
0x226: {  	s31 =	sadd.s32 $0x50, s0;
	s30 =	simm.s32 $0xF028  }
0x227: {  	[hbm4b:s31+s2] =	stream.linear.scatter [tilespmem:s30], [sflag:$0x2], $0x80, $0x38;
	[tilespmem:$0x10600] =	vst v63  }
0x228: {  	s31 =	sadd.s32 $0x60, s0;
	s30 =	simm.s32 $0xF230  }
0x229: {  	[hbm4b:s31+s2] =	stream.linear.scatter [tilespmem:s30], [sflag:$0x2], $0x80, $0x38;
	[tilespmem:$0x10600] =	vst v63  }
0x22a: {  	s29 =	sor.u32 $0x18100, s28;
	s0 =	sadd.s32 $0x70, s0;
	s31 =	simm.s32 $0xF438  }
0x22b: {  	[hbm4b:s0+s2] =	stream.linear.scatter [tilespmem:s31], [sflag:$0x2], $0x80, $0x38;
	[tilespmem:$0x10600] =	vst v63  }
0x22c: {  	s30 =	simm.s32 $0xE680;
	s0 =	sadd.s32 s1, s29  }
0x22d: {  	[hbm4b:s0+s2] =	stream.linear.scatter [tilespmem:s30], [sflag:$0x2], $0x80, $0x38;
	[tilespmem:$0x10600] =	vst v63  }
0x22e: {  	s31 =	sadd.s32 $0x10, s0;
	s30 =	simm.s32 $0xE888  }
0x22f: {  	[hbm4b:s31+s2] =	stream.linear.scatter [tilespmem:s30], [sflag:$0x2], $0x80, $0x38;
	[tilespmem:$0x10600] =	vst v63  }
0x230: {  	s31 =	sadd.s32 $0x20, s0;
	s30 =	simm.s32 $0xEA90  }
0x231: {  	[hbm4b:s31+s2] =	stream.linear.scatter [tilespmem:s30], [sflag:$0x2], $0x80, $0x38;
	[tilespmem:$0x10600] =	vst v63  }
0x232: {  	s31 =	sadd.s32 $0x30, s0;
	s30 =	simm.s32 $0xEC98  }
0x233: {  	[hbm4b:s31+s2] =	stream.linear.scatter [tilespmem:s30], [sflag:$0x2], $0x80, $0x38;
	[tilespmem:$0x10600] =	vst v63  }
0x234: {  	s31 =	sadd.s32 $0x40, s0;
	s30 =	simm.s32 $0xEEA0  }
0x235: {  	[hbm4b:s31+s2] =	stream.linear.scatter [tilespmem:s30], [sflag:$0x2], $0x80, $0x38;
	[tilespmem:$0x10600] =	vst v63  }
0x236: {  	s31 =	sadd.s32 $0x50, s0;
	s30 =	simm.s32 $0xF0A8  }
0x237: {  	[hbm4b:s31+s2] =	stream.linear.scatter [tilespmem:s30], [sflag:$0x2], $0x80, $0x38;
	[tilespmem:$0x10600] =	vst v63  }
0x238: {  	s31 =	sadd.s32 $0x60, s0;
	s30 =	simm.s32 $0xF2B0  }
0x239: {  	[hbm4b:s31+s2] =	stream.linear.scatter [tilespmem:s30], [sflag:$0x2], $0x80, $0x38;
	[tilespmem:$0x10600] =	vst v63  }
0x23a: {  	s4 =	sor.u32 $0x18180, s28;
	s0 =	sadd.s32 $0x70, s0;
	s31 =	simm.s32 $0xF4B8  }
0x23b: {  	[hbm4b:s0+s2] =	stream.linear.scatter [tilespmem:s31], [sflag:$0x2], $0x80, $0x38;
	[tilespmem:$0x10600] =	vst v63  }
0x23c: {  	s29 =	simm.s32 $0xE700;
	s0 =	sadd.s32 s1, s4  }
0x23d: {  	[hbm4b:s0+s2] =	stream.linear.scatter [tilespmem:s29], [sflag:$0x2], $0x80, $0x38;
	[tilespmem:$0x10600] =	vst v63  }
0x23e: {  	s31 =	simm.s32 $0xE908;
	s30 =	sadd.s32 $0x10, s0  }
0x23f: {  	[hbm4b:s30+s2] =	stream.linear.scatter [tilespmem:s31], [sflag:$0x2], $0x80, $0x38;
	[tilespmem:$0x10600] =	vst v63  }
0x240: {  	s30 =	sadd.s32 $0x20, s0;
	s31 =	simm.s32 $0xEB10  }
0x241: {  	[hbm4b:s30+s2] =	stream.linear.scatter [tilespmem:s31], [sflag:$0x2], $0x80, $0x38;
	[tilespmem:$0x10600] =	vst v63  }
0x242: {  	s30 =	sadd.s32 $0x30, s0;
	s31 =	simm.s32 $0xED18  }
0x243: {  	[hbm4b:s30+s2] =	stream.linear.scatter [tilespmem:s31], [sflag:$0x2], $0x80, $0x38;
	[tilespmem:$0x10600] =	vst v63  }
0x244: {  	s30 =	sadd.s32 $0x40, s0;
	s31 =	simm.s32 $0xEF20  }
0x245: {  	[hbm4b:s30+s2] =	stream.linear.scatter [tilespmem:s31], [sflag:$0x2], $0x80, $0x38;
	[tilespmem:$0x10600] =	vst v63  }
0x246: {  	s30 =	sadd.s32 $0x50, s0;
	s31 =	simm.s32 $0xF128  }
0x247: {  	[hbm4b:s30+s2] =	stream.linear.scatter [tilespmem:s31], [sflag:$0x2], $0x80, $0x38;
	[tilespmem:$0x10600] =	vst v63  }
0x248: {  	s30 =	sadd.s32 $0x60, s0;
	s31 =	simm.s32 $0xF330  }
0x249: {  	[hbm4b:s30+s2] =	stream.linear.scatter [tilespmem:s31], [sflag:$0x2], $0x80, $0x38;
	[tilespmem:$0x10600] =	vst v63  }
0x24a: {  	s29 =	simm.s32 $0xF538;
	s0 =	sadd.s32 $0x70, s0  }
0x24b: {  	[hbm4b:s0+s2] =	stream.linear.scatter [tilespmem:s29], [sflag:$0x2], $0x80, $0x38;
	[tilespmem:$0x10600] =	vst v63  }
0x24c: {  	s30 =	simm.s32 $0xF5C0;
	s0 =	sadd.s32 s28, s16  }
0x24d: {  	[hbm4b:s0+s2] =	stream.linear.scatter [tilespmem:s30], [sflag:$0x2], $0x80, $0x38;
	[tilespmem:$0x10600] =	vst v63  }
0x24e: {  	s31 =	sadd.s32 $0x10, s0;
	s30 =	simm.s32 $0xF7C8  }
0x24f: {  	[hbm4b:s31+s2] =	stream.linear.scatter [tilespmem:s30], [sflag:$0x2], $0x80, $0x38;
	[tilespmem:$0x10600] =	vst v63  }
0x250: {  	s31 =	sadd.s32 $0x20, s0;
	s30 =	simm.s32 $0xF9D0  }
0x251: {  	[hbm4b:s31+s2] =	stream.linear.scatter [tilespmem:s30], [sflag:$0x2], $0x80, $0x38;
	[tilespmem:$0x10600] =	vst v63  }
0x252: {  	s31 =	sadd.s32 $0x30, s0;
	s30 =	simm.s32 $0xFBD8  }
0x253: {  	[hbm4b:s31+s2] =	stream.linear.scatter [tilespmem:s30], [sflag:$0x2], $0x80, $0x38;
	[tilespmem:$0x10600] =	vst v63  }
0x254: {  	s31 =	sadd.s32 $0x40, s0;
	s30 =	simm.s32 $0xFDE0  }
0x255: {  	[hbm4b:s31+s2] =	stream.linear.scatter [tilespmem:s30], [sflag:$0x2], $0x80, $0x38;
	[tilespmem:$0x10600] =	vst v63  }
0x256: {  	s31 =	sadd.s32 $0x50, s0;
	s30 =	simm.s32 $0xFFE8  }
0x257: {  	[hbm4b:s31+s2] =	stream.linear.scatter [tilespmem:s30], [sflag:$0x2], $0x80, $0x38;
	[tilespmem:$0x10600] =	vst v63  }
0x258: {  	s31 =	sadd.s32 $0x60, s0;
	s30 =	simm.s32 $0x101F0  }
0x259: {  	[hbm4b:s31+s2] =	stream.linear.scatter [tilespmem:s30], [sflag:$0x2], $0x80, $0x38;
	[tilespmem:$0x10600] =	vst v63  }
0x25a: {  	s29 =	sor.u32 $0x1C080, s28;
	s0 =	sadd.s32 $0x70, s0;
	s31 =	simm.s32 $0x103F8  }
0x25b: {  	[hbm4b:s0+s2] =	stream.linear.scatter [tilespmem:s31], [sflag:$0x2], $0x80, $0x38;
	[tilespmem:$0x10600] =	vst v63  }
0x25c: {  	s30 =	simm.s32 $0xF640;
	s0 =	sadd.s32 s1, s29  }
0x25d: {  	[hbm4b:s0+s2] =	stream.linear.scatter [tilespmem:s30], [sflag:$0x2], $0x80, $0x38;
	[tilespmem:$0x10600] =	vst v63  }
0x25e: {  	s31 =	sadd.s32 $0x10, s0;
	s30 =	simm.s32 $0xF848  }
0x25f: {  	[hbm4b:s31+s2] =	stream.linear.scatter [tilespmem:s30], [sflag:$0x2], $0x80, $0x38;
	[tilespmem:$0x10600] =	vst v63  }
0x260: {  	s31 =	sadd.s32 $0x20, s0;
	s30 =	simm.s32 $0xFA50  }
0x261: {  	[hbm4b:s31+s2] =	stream.linear.scatter [tilespmem:s30], [sflag:$0x2], $0x80, $0x38;
	[tilespmem:$0x10600] =	vst v63  }
0x262: {  	s31 =	sadd.s32 $0x30, s0;
	s30 =	simm.s32 $0xFC58  }
0x263: {  	[hbm4b:s31+s2] =	stream.linear.scatter [tilespmem:s30], [sflag:$0x2], $0x80, $0x38;
	[tilespmem:$0x10600] =	vst v63  }
0x264: {  	s31 =	sadd.s32 $0x40, s0;
	s30 =	simm.s32 $0xFE60  }
0x265: {  	[hbm4b:s31+s2] =	stream.linear.scatter [tilespmem:s30], [sflag:$0x2], $0x80, $0x38;
	[tilespmem:$0x10600] =	vst v63  }
0x266: {  	s31 =	sadd.s32 $0x50, s0;
	s30 =	simm.s32 $0x10068  }
0x267: {  	[hbm4b:s31+s2] =	stream.linear.scatter [tilespmem:s30], [sflag:$0x2], $0x80, $0x38;
	[tilespmem:$0x10600] =	vst v63  }
0x268: {  	s31 =	sadd.s32 $0x60, s0;
	s30 =	simm.s32 $0x10270  }
0x269: {  	[hbm4b:s31+s2] =	stream.linear.scatter [tilespmem:s30], [sflag:$0x2], $0x80, $0x38;
	[tilespmem:$0x10600] =	vst v63  }
0x26a: {  	s29 =	sor.u32 $0x1C100, s28;
	s0 =	sadd.s32 $0x70, s0;
	s31 =	simm.s32 $0x10478  }
0x26b: {  	[hbm4b:s0+s2] =	stream.linear.scatter [tilespmem:s31], [sflag:$0x2], $0x80, $0x38;
	[tilespmem:$0x10600] =	vst v63  }
0x26c: {  	s30 =	simm.s32 $0xF6C0;
	s0 =	sadd.s32 s1, s29  }
0x26d: {  	[hbm4b:s0+s2] =	stream.linear.scatter [tilespmem:s30], [sflag:$0x2], $0x80, $0x38;
	[tilespmem:$0x10600] =	vst v63  }
0x26e: {  	s31 =	sadd.s32 $0x10, s0;
	s30 =	simm.s32 $0xF8C8  }
0x26f: {  	[hbm4b:s31+s2] =	stream.linear.scatter [tilespmem:s30], [sflag:$0x2], $0x80, $0x38;
	[tilespmem:$0x10600] =	vst v63  }
0x270: {  	s31 =	sadd.s32 $0x20, s0;
	s30 =	simm.s32 $0xFAD0  }
0x271: {  	[hbm4b:s31+s2] =	stream.linear.scatter [tilespmem:s30], [sflag:$0x2], $0x80, $0x38;
	[tilespmem:$0x10600] =	vst v63  }
0x272: {  	s31 =	sadd.s32 $0x30, s0;
	s30 =	simm.s32 $0xFCD8  }
0x273: {  	[hbm4b:s31+s2] =	stream.linear.scatter [tilespmem:s30], [sflag:$0x2], $0x80, $0x38;
	[tilespmem:$0x10600] =	vst v63  }
0x274: {  	s31 =	sadd.s32 $0x40, s0;
	s30 =	simm.s32 $0xFEE0  }
0x275: {  	[hbm4b:s31+s2] =	stream.linear.scatter [tilespmem:s30], [sflag:$0x2], $0x80, $0x38;
	[tilespmem:$0x10600] =	vst v63  }
0x276: {  	s31 =	sadd.s32 $0x50, s0;
	s30 =	simm.s32 $0x100E8  }
0x277: {  	[hbm4b:s31+s2] =	stream.linear.scatter [tilespmem:s30], [sflag:$0x2], $0x80, $0x38;
	[tilespmem:$0x10600] =	vst v63  }
0x278: {  	s31 =	sadd.s32 $0x60, s0;
	s30 =	simm.s32 $0x102F0  }
0x279: {  	[hbm4b:s31+s2] =	stream.linear.scatter [tilespmem:s30], [sflag:$0x2], $0x80, $0x38;
	[tilespmem:$0x10600] =	vst v63  }
0x27a: {  	s4 =	sor.u32 $0x1C180, s28;
	s0 =	sadd.s32 $0x70, s0;
	s31 =	simm.s32 $0x104F8  }
0x27b: {  	[hbm4b:s0+s2] =	stream.linear.scatter [tilespmem:s31], [sflag:$0x2], $0x80, $0x38;
	[tilespmem:$0x10600] =	vst v63  }
0x27c: {  	s28 =	simm.s32 $0xF740;
	s0 =	sadd.s32 s1, s4  }
0x27d: {  	[hbm4b:s0+s2] =	stream.linear.scatter [tilespmem:s28], [sflag:$0x2], $0x80, $0x38;
	[tilespmem:$0x10600] =	vst v63  }
0x27e: {  	s30 =	simm.s32 $0xF948;
	s29 =	sadd.s32 $0x10, s0  }
0x27f: {  	[hbm4b:s29+s2] =	stream.linear.scatter [tilespmem:s30], [sflag:$0x2], $0x80, $0x38;
	[tilespmem:$0x10600] =	vst v63  }
0x280: {  	s31 =	sadd.s32 $0x20, s0;
	s29 =	simm.s32 $0xFB50  }
0x281: {  	[hbm4b:s31+s2] =	stream.linear.scatter [tilespmem:s29], [sflag:$0x2], $0x80, $0x38;
	[tilespmem:$0x10600] =	vst v63  }
0x282: {  	s30 =	sadd.s32 $0x30, s0;
	s31 =	simm.s32 $0xFD58  }
0x283: {  	[hbm4b:s30+s2] =	stream.linear.scatter [tilespmem:s31], [sflag:$0x2], $0x80, $0x38;
	[tilespmem:$0x10600] =	vst v63  }
0x284: {  	s28 =	sadd.s32 $0x40, s0  }
0x285: {  	[hbm4b:s28+s2] =	stream.linear.scatter [tilespmem:s17], [sflag:$0x2], $0x80, $0x38;
	[tilespmem:$0x10600] =	vst v63  }
0x286: {  	s29 =	sadd.s32 $0x50, s0  }
0x287: {  	[hbm4b:s29+s2] =	stream.linear.scatter [tilespmem:s23], [sflag:$0x2], $0x80, $0x38;
	[tilespmem:$0x10600] =	vst v63  }
0x288: {  	s30 =	sadd.s32 $0x60, s0;
	s31 =	simm.s32 $0x10370  }
0x289: {  	[hbm4b:s30+s2] =	stream.linear.scatter [tilespmem:s31], [sflag:$0x2], $0x80, $0x38;
	[tilespmem:$0x10600] =	vst v63  }
0x28a: {  	s0 =	sadd.s32 $0x70, s0  }
0x28b: {  	[hbm4b:s0+s2] =	stream.linear.scatter [tilespmem:s24], [sflag:$0x2], $0x80, $0x38;
	[tilespmem:$0x10600] =	vst v63  }
0x28c: {  	_ =	swait.ge [sflag:s25], $0x400  }
0x28d: {  	[sflag:s25] =	ssyncset.done $0x0  }
0x28e: {  	[sflag:s25] =	ssyncadd.s32 $0xFFFFFC00  }
0x28f: {  	_ =	swait.ge [sflag:s25], $0x400  }
0x290: {  	[sflag:s25] =	ssyncset.done $0x0  }
0x291: {  	[sflag:s25] =	ssyncadd.s32 $0xFFFFFC00  }
0x292: {  	_ =	swait.ge [sflag:s25], $0x400  }
0x293: {  	[sflag:s25] =	ssyncset.done $0x0  }
0x294: {  	[sflag:s25] =	ssyncadd.s32 $0xFFFFFC00  }
0x295: {  	_ =	swait.ge [sflag:s25], $0x400  }
0x296: {  	[sflag:s25] =	ssyncset.done $0x0  }
0x297: {  	[sflag:s25] =	ssyncadd.s32 $0xFFFFFC00  }
0x298: {  	_ =	swait.ge [sflag:s25], $0x400  }
0x299: {  	[sflag:s25] =	ssyncset.done $0x0  }
0x29a: {  	[sflag:s25] =	ssyncadd.s32 $0xFFFFFC00  }
0x29b: {  	_ =	swait.ge [sflag:s25], $0x400  }
0x29c: {  	[sflag:s25] =	ssyncset.done $0x0  }
0x29d: {  	[sflag:s25] =	ssyncadd.s32 $0xFFFFFC00  }
0x29e: {  	_ =	swait.ge [sflag:s25], $0x400  }
0x29f: {  	[sflag:s25] =	ssyncset.done $0x0  }
0x2a0: {  	[sflag:s25] =	ssyncadd.s32 $0xFFFFFC00  }
0x2a1: {  	_ =	swait.ge [sflag:s25], $0x400  }
0x2a2: {  	[sflag:s25] =	ssyncset.done $0x0  }
0x2a3: {  	[sflag:s25] =	ssyncadd.s32 $0xFFFFFC00  }
0x2a4: {  	_ =	swait.ge [sflag:s25], $0x400  }
0x2a5: {  	[sflag:s25] =	ssyncset.done $0x0  }
0x2a6: {  	[sflag:s25] =	ssyncadd.s32 $0xFFFFFC00  }
0x2a7: {  	_ =	swait.ge [sflag:s25], $0x400  }
0x2a8: {  	[sflag:s25] =	ssyncset.done $0x0  }
0x2a9: {  	[sflag:s25] =	ssyncadd.s32 $0xFFFFFC00  }
0x2aa: {  	_ =	swait.ge [sflag:s25], $0x400  }
0x2ab: {  	[sflag:s25] =	ssyncset.done $0x0  }
0x2ac: {  	[sflag:s25] =	ssyncadd.s32 $0xFFFFFC00  }
0x2ad: {  	_ =	swait.ge [sflag:s25], $0x400  }
0x2ae: {  	[sflag:s25] =	ssyncset.done $0x0  }
0x2af: {  	[sflag:s25] =	ssyncadd.s32 $0xFFFFFC00  }
0x2b0: {  	_ =	swait.ge [sflag:s25], $0x400  }
0x2b1: {  	[sflag:s25] =	ssyncset.done $0x0  }
0x2b2: {  	[sflag:s25] =	ssyncadd.s32 $0xFFFFFC00  }
0x2b3: {  	_ =	swait.ge [sflag:s25], $0x400  }
0x2b4: {  	[sflag:s25] =	ssyncset.done $0x0  }
0x2b5: {  	[sflag:s25] =	ssyncadd.s32 $0xFFFFFC00  }
0x2b6: {  	_ =	swait.ge [sflag:s25], $0x400  }
0x2b7: {  	[sflag:s25] =	ssyncset.done $0x0  }
0x2b8: {  	[sflag:s25] =	ssyncadd.s32 $0xFFFFFC00  }
0x2b9: {  	_ =	swait.ge [sflag:s25], $0x400  }
0x2ba: {  	[sflag:s25] =	ssyncset.done $0x0  }
0x2bb: {  	[sflag:s25] =	ssyncadd.s32 $0xFFFFFC00  }
0x2bc: {  	_ =	swait.ge [sflag:s25], $0x400  }
0x2bd: {  	[sflag:s25] =	ssyncset.done $0x0  }
0x2be: {  	[sflag:s25] =	ssyncadd.s32 $0xFFFFFC00  }
0x2bf: {  	_ =	swait.ge [sflag:s25], $0x400  }
0x2c0: {  	[sflag:s25] =	ssyncset.done $0x0  }
0x2c1: {  	[sflag:s25] =	ssyncadd.s32 $0xFFFFFC00  }
0x2c2: {  	_ =	swait.ge [sflag:s25], $0x400  }
0x2c3: {  	[sflag:s25] =	ssyncset.done $0x0  }
0x2c4: {  	[sflag:s25] =	ssyncadd.s32 $0xFFFFFC00  }
0x2c5: {  	_ =	swait.ge [sflag:s25], $0x400  }
0x2c6: {  	[sflag:s25] =	ssyncset.done $0x0  }
0x2c7: {  	[sflag:s25] =	ssyncadd.s32 $0xFFFFFC00  }
0x2c8: {  	_ =	swait.ge [sflag:s25], $0x400  }
0x2c9: {  	[sflag:s25] =	ssyncset.done $0x0  }
0x2ca: {  	[sflag:s25] =	ssyncadd.s32 $0xFFFFFC00  }
0x2cb: {  	_ =	swait.ge [sflag:s25], $0x400  }
0x2cc: {  	[sflag:s25] =	ssyncset.done $0x0  }
0x2cd: {  	[sflag:s25] =	ssyncadd.s32 $0xFFFFFC00  }
0x2ce: {  	_ =	swait.ge [sflag:s25], $0x400  }
0x2cf: {  	[sflag:s25] =	ssyncset.done $0x0  }
0x2d0: {  	[sflag:s25] =	ssyncadd.s32 $0xFFFFFC00  }
0x2d1: {  	_ =	swait.ge [sflag:s25], $0x400  }
0x2d2: {  	[sflag:s25] =	ssyncset.done $0x0  }
0x2d3: {  	[sflag:s25] =	ssyncadd.s32 $0xFFFFFC00  }
0x2d4: {  	_ =	swait.ge [sflag:s25], $0x400  }
0x2d5: {  	[sflag:s25] =	ssyncset.done $0x0  }
0x2d6: {  	[sflag:s25] =	ssyncadd.s32 $0xFFFFFC00  }
0x2d7: {  	_ =	swait.ge [sflag:s25], $0x400  }
0x2d8: {  	[sflag:s25] =	ssyncset.done $0x0  }
0x2d9: {  	[sflag:s25] =	ssyncadd.s32 $0xFFFFFC00  }
0x2da: {  	_ =	swait.ge [sflag:s25], $0x400  }
0x2db: {  	[sflag:s25] =	ssyncset.done $0x0  }
0x2dc: {  	[sflag:s25] =	ssyncadd.s32 $0xFFFFFC00  }
0x2dd: {  	_ =	swait.ge [sflag:s25], $0x400  }
0x2de: {  	[sflag:s25] =	ssyncset.done $0x0  }
0x2df: {  	[sflag:s25] =	ssyncadd.s32 $0xFFFFFC00  }
0x2e0: {  	_ =	swait.ge [sflag:s25], $0x400  }
0x2e1: {  	[sflag:s25] =	ssyncset.done $0x0  }
0x2e2: {  	[sflag:s25] =	ssyncadd.s32 $0xFFFFFC00  }
0x2e3: {  	_ =	swait.ge [sflag:s25], $0x400  }
0x2e4: {  	[sflag:s25] =	ssyncset.done $0x0  }
0x2e5: {  	s26 =	sadd.s32 $0x1, s26;
	[sflag:s25] =	ssyncadd.s32 $0xFFFFFC00  }
0x2e6: {  	p0 =	sne.s32 s26, $0xC8;
	_ =	swait.ge [sflag:s25], $0x400  }
.Ltmp1:
0x2e7: {  	[sflag:s25] =	ssyncset.done $0x0;
	(pc) =	sbr.rel @p0 .LBB2_2-.Ltmp1, $4  }
0x2e8: {  	[sflag:s25] =	ssyncadd.s32 $0xFFFFFC00  }
0x2e9: {  	_ =	swait.ge [sflag:s25], $0x400  }
0x2ea: {  	[sflag:s25] =	ssyncset.done $0x0  }
0x2eb: {  	[sflag:s25] =	ssyncadd.s32 $0xFFFFFC00  }
0x2ec: {  	s4 =	rddreg [dreg:$0x4]  }
0x2ed: {  	s0 =	rddreg [dreg:$0x3];
	s4 =	sadd.s32 $0x1, s4  }
0x2ee: {  	p0 =	sne.s32 s4, s0  }
.Ltmp2:
0x2ef: {  	_ = 	snop;
	(pc) =	sbr.rel @p0 .LBB2_1-.Ltmp2, $1  }
0x2f0: {  	_ =	sdelay $0x3  }
0x2f1: {  	_ =	sfence.sel $0x180000  }
0x2f2: {  	[bflag:$0x0] =	sbarrier.arrive $0xFFFF  }
0x2f3: {  	_ =	strace $0x90000047  }
0x2f4: {  	s0 =	stileid.u32;
	[bflag:$0x2] =	sbarrier.arrive $0xFFFF  }
0x2f5: {  	p0 =	sne.s32 s0, $0x0;
	s0 =	rddreg [dreg:$0x2]  }
0x2f6: {  	s0 =	sadd.s32 @!p0 $0x100000, s0  }
0x2f7: {  	[sflag:s0] =	ssyncadd.tile.s32 @!p0 $0x1;
	_ =	shalt  }
.Lfunc_end2:
_tile_overlayer_lowered:
.L_overlay_start_2:
0x2f8: {  	(tag) =	ssettag $0x2  }
0x2f9: {  	s0 =	rddreg [dreg:$0x0];
	s2 =	stileid.u32  }
0x2fa: {  	s1 =	rddreg [dreg:$0x1];
	p0 =	sne.s32 s2, $0x0  }
0x2fb: {  	s3 =	rddreg [dreg:$0x2];
	[bflag:$0x3] =	sbarrier.arrive $0xFFFF;
	s2 =	simm.s32 @!p0 $0x1C03  }
0x2fc: {  	[timem:s3], [sflag:s2] =	dma.local @!p0 [hbm:s0], s1  }
0x2fd: {  	s0 =	simm.s32 @!p0 $0x3  }
0x2fe: {  	_ =	swait.ge @!p0 [sflag:s0], s1  }
0x2ff: {  	s1 =	ssub.s32 @!p0 $0x0, s1;
	[sflag:s0] =	ssyncset.done @!p0 $0x0  }
0x300: {  	[sflag:s0] =	ssyncadd.s32 @!p0 s1  }
0x301: {  	[bflag:$0x3] =	sbarrier.arrive $0xFFFF  }
0x302: {  	_ =	shalt  }

</sc_bundles>
